<compile_context>
chip_gen: v7x
topology: tpu7x:2x2x1
jax: 0.10.2.dev20260603
libtpu: 0.0.44.dev20260713+nightly
codegen_flags: <defaults>
</compile_context>

<pallas_src>
import jax
import jax.numpy as jnp
from jax import lax
from jax.experimental import pallas as pl
from jax.experimental.pallas import tpu as pltpu
from jax.experimental.pallas import tpu_sc as plsc

NC = 2
NS = 16
K = 125




def _make_sc_agg(N, H, NCHUNK, with_deg):
    mesh = plsc.VectorSubcoreMesh(core_axis_name="c", subcore_axis_name="s",
                                  num_cores=NC, num_subcores=NS)
    RS = -(-N // NS)
    RS += (-RS) % 8

    out_type = [jax.ShapeDtypeStruct((NC, N, H), jnp.float32)]
    scratch = [
        pltpu.VMEM_SHARED((N, H), jnp.float32),
        pltpu.VMEM((4, 2, K), jnp.int32),
        pltpu.VMEM((K, H), jnp.float32),
        pltpu.VMEM((K, H), jnp.float32),
        pltpu.SemaphoreType.DMA,
        pltpu.SemaphoreType.DMA,
        pltpu.SemaphoreType.DMA,
        pltpu.SemaphoreType.DMA,
        pltpu.SemaphoreType.DMA,
        pltpu.SemaphoreType.DMA,
    ]
    if with_deg:
        out_type.append(jax.ShapeDtypeStruct((NC, N, 16), jnp.float32))
        scratch += [
            pltpu.VMEM_SHARED((N, 16), jnp.float32),
            pltpu.VMEM((K, 16), jnp.float32),
            pltpu.VMEM((120, 16), jnp.float32),
        ]

    def body(h_hbm, er_hbm, ones_hbm, *rest):
        if with_deg:
            (part_hbm, degp_hbm,
             agg_s, idxb, rows0, rows1,
             sg0, sg1, si0, si1, si2, si3,
             deg_s, ones_v, zbuf) = rest
        else:
            (part_hbm,
             agg_s, idxb, rows0, rows1,
             sg0, sg1, si0, si1, si2, si3) = rest
        rows = (rows0, rows1)
        sg = (sg0, sg1)
        si = (si0, si1, si2, si3)
        c = lax.axis_index("c")
        s = lax.axis_index("s")
        wid = s * NC + c
        row0 = pl.multiple_of(jnp.minimum(s * RS, N - RS), 8)

        def fetch_idx(j, v, sem):
            pltpu.async_copy(er_hbm.at[wid, j], idxb.at[v], sem)

        def wait_idx(j, v, sem):
            pltpu.make_async_copy(er_hbm.at[wid, j], idxb.at[v], sem).wait()

        for v in range(4):
            fetch_idx(v, v, si[v])
        zv = jnp.zeros((16,), jnp.float32)

        def zrow(i, carry):
            for jj in range(H // 16):
                rows0[i, pl.ds(16 * jj, 16)] = zv
            return carry

        lax.fori_loop(0, 120, zrow, 0)
        for t in range(RS // 120):
            pltpu.sync_copy(rows0.at[pl.ds(0, 120)],
                            agg_s.at[pl.ds(row0 + 120 * t, 120)])
        rem = RS - (RS // 120) * 120
        if rem:
            pltpu.sync_copy(rows0.at[pl.ds(0, rem)],
                            agg_s.at[pl.ds(row0 + (RS // 120) * 120, rem)])
        if with_deg:
            pltpu.sync_copy(ones_hbm, ones_v)

            def zrowd(i, carry):
                zbuf[i, pl.ds(0, 16)] = zv
                return carry

            lax.fori_loop(0, 120, zrowd, 0)
            for t in range(RS // 120):
                pltpu.sync_copy(zbuf.at[pl.ds(0, 120)],
                                deg_s.at[pl.ds(row0 + 120 * t, 120)])
            if rem:
                pltpu.sync_copy(zbuf.at[pl.ds(0, rem)],
                                deg_s.at[pl.ds(row0 + (RS // 120) * 120, rem)])
        plsc.subcore_barrier()
        for v in range(2):
            wait_idx(v, v, si[v])
            pltpu.async_copy(h_hbm.at[idxb.at[v, 0]], rows[v], sg[v])

        def step(g, carry):
            j0 = 4 * g
            for u in range(4):
                j = j0 + u
                b = u % 2
                pltpu.make_async_copy(h_hbm.at[idxb.at[u, 0]], rows[b], sg[b]).wait()
                pltpu.sync_copy(rows[b], agg_s.at[idxb.at[u, 1]], add=True)
                if with_deg:
                    pltpu.sync_copy(ones_v, deg_s.at[idxb.at[u, 1]], add=True)

                @pl.when(j + 4 < NCHUNK)
                def _():
                    fetch_idx(j + 4, u, si[u])

                @pl.when(j + 2 < NCHUNK)
                def _():
                    v2 = (u + 2) % 4
                    wait_idx(j + 2, v2, si[v2])
                    pltpu.async_copy(h_hbm.at[idxb.at[v2, 0]], rows[b], sg[b])
            return carry

        lax.fori_loop(0, NCHUNK // 4, step, 0)
        plsc.subcore_barrier()

        pltpu.sync_copy(agg_s.at[pl.ds(row0, RS)], part_hbm.at[c, pl.ds(row0, RS)])
        if with_deg:
            pltpu.sync_copy(deg_s.at[pl.ds(row0, RS)], degp_hbm.at[c, pl.ds(row0, RS)])

    return pl.kernel(
        body, out_type=out_type, mesh=mesh, scratch_types=scratch,
        compiler_params=pltpu.CompilerParams(use_tc_tiling_on_sc=False))




def _proj_relu_body(x_ref, w_ref, b_ref, o_ref):
    o_ref[...] = jnp.maximum(
        jnp.dot(x_ref[...], w_ref[...], preferred_element_type=jnp.float32)
        + b_ref[...], 0.0)


def _sage_bn_body(part_ref, degp_ref, h_ref, wl_ref, wr_ref, bl_ref, g_ref,
                  be_ref, o_ref):
    agg = part_ref[0] + part_ref[1]
    deg = degp_ref[0, :, 0:1] + degp_ref[1, :, 0:1]
    mean = agg * (1.0 / jnp.maximum(deg, 1.0))
    t = (jnp.dot(mean, wl_ref[...], preferred_element_type=jnp.float32)
         + jnp.dot(h_ref[...], wr_ref[...], preferred_element_type=jnp.float32)
         + bl_ref[...])
    mu = jnp.mean(t, axis=0, keepdims=True)
    var = jnp.mean((t - mu) * (t - mu), axis=0, keepdims=True)
    o_ref[...] = jnp.maximum(
        (t - mu) * lax.rsqrt(var + 1e-5) * g_ref[...] + be_ref[...], 0.0)


def _sage_bn_proj_body(part_ref, degp_ref, h_ref, wl_ref, wr_ref, bl_ref,
                       g_ref, be_ref, wo_ref, bo_ref, o_ref):
    agg = part_ref[0] + part_ref[1]
    deg = degp_ref[0, :, 0:1] + degp_ref[1, :, 0:1]
    mean = agg * (1.0 / jnp.maximum(deg, 1.0))
    t = (jnp.dot(mean, wl_ref[...], preferred_element_type=jnp.float32)
         + jnp.dot(h_ref[...], wr_ref[...], preferred_element_type=jnp.float32)
         + bl_ref[...])
    mu = jnp.mean(t, axis=0, keepdims=True)
    var = jnp.mean((t - mu) * (t - mu), axis=0, keepdims=True)
    r = jnp.maximum(
        (t - mu) * lax.rsqrt(var + 1e-5) * g_ref[...] + be_ref[...], 0.0)
    o_ref[...] = (jnp.dot(r, wo_ref[...], preferred_element_type=jnp.float32)
                  + bo_ref[...])




@jax.jit
def kernel(x, edge_index, Wi, bi, Wl0, bl0, Wr0, g0, be0, Wl1, bl1, Wr1, g1,
           be1, Wo, bo):
    N, D = x.shape
    H = Wi.shape[1]
    O = Wo.shape[1]
    E = edge_index.shape[1]
    NW = NC * NS
    assert E % (NW * K) == 0 and (E // (NW * K)) % 4 == 0
    NCHUNK = E // (NW * K)

    er = edge_index.reshape(2, NW, NCHUNK, K).transpose(1, 2, 0, 3)
    ones = jnp.ones((K, 16), jnp.float32)

    agg_deg = _make_sc_agg(N, H, NCHUNK, with_deg=True)
    agg_only = _make_sc_agg(N, H, NCHUNK, with_deg=False)

    proj = pl.pallas_call(
        _proj_relu_body,
        out_shape=jax.ShapeDtypeStruct((N, H), jnp.float32))
    sage_bn = pl.pallas_call(
        _sage_bn_body,
        out_shape=jax.ShapeDtypeStruct((N, H), jnp.float32))
    sage_bn_proj = pl.pallas_call(
        _sage_bn_proj_body,
        out_shape=jax.ShapeDtypeStruct((N, O), jnp.float32))

    h0 = proj(x, Wi, bi.reshape(1, H))
    part0, degp = agg_deg(h0, er, ones)
    h1 = sage_bn(part0, degp, h0, Wl0, Wr0, bl0.reshape(1, H),
                 g0.reshape(1, H), be0.reshape(1, H))
    (part1,) = agg_only(h1, er, ones)
    return sage_bn_proj(part1, degp, h1, Wl1, Wr1, bl1.reshape(1, H),
                        g1.reshape(1, H), be1.reshape(1, H), Wo,
                        bo.reshape(1, O))

# --- scband reference (transcript-rebuilt; emitter-appended) ---
"""Pipeline reference for scband-graph-neural-network-19250043420814 (READ-ONLY COPY).

The authoritative reference and input builder live on the scoring server;
editing this copy changes nothing except your own understanding.
"""

import jax, jax.numpy as jnp
import numpy as np

N = 10000
E = 320000
D = 128
H = 128
O = 64


def setup_inputs(seed: int = 0) -> dict:
    key = jax.random.key(seed)
    ks = jax.random.split(key, 20)
    x = jax.random.normal(ks[0], (N, D), dtype=jnp.float32)
    edge_index = jax.random.randint(ks[1], (2, E), 0, N, dtype=jnp.int32)
    s = 1.0 / np.sqrt(H)
    Wi = jax.random.uniform(ks[2], (D, H), jnp.float32, -s, s)
    bi = jax.random.uniform(ks[3], (H,), jnp.float32, -s, s)
    Wl0 = jax.random.uniform(ks[4], (H, H), jnp.float32, -s, s)
    bl0 = jax.random.uniform(ks[5], (H,), jnp.float32, -s, s)
    Wr0 = jax.random.uniform(ks[6], (H, H), jnp.float32, -s, s)
    g0 = jnp.ones((H,), jnp.float32)
    be0 = jnp.zeros((H,), jnp.float32)
    Wl1 = jax.random.uniform(ks[7], (H, H), jnp.float32, -s, s)
    bl1 = jax.random.uniform(ks[8], (H,), jnp.float32, -s, s)
    Wr1 = jax.random.uniform(ks[9], (H, H), jnp.float32, -s, s)
    g1 = jnp.ones((H,), jnp.float32)
    be1 = jnp.zeros((H,), jnp.float32)
    Wo = jax.random.uniform(ks[10], (H, O), jnp.float32, -s, s)
    bo = jax.random.uniform(ks[11], (O,), jnp.float32, -s, s)
    return {"x": x, "edge_index": edge_index, "Wi": Wi, "bi": bi,
            "Wl0": Wl0, "bl0": bl0, "Wr0": Wr0, "g0": g0, "be0": be0,
            "Wl1": Wl1, "bl1": bl1, "Wr1": Wr1, "g1": g1, "be1": be1,
            "Wo": Wo, "bo": bo}


def _sage_layer(h, src, dst, Wl, bl, Wr):
    # mean aggregation of source features at destination nodes (SAGEConv)
    agg = jnp.zeros_like(h).at[dst].add(h[src])
    deg = jnp.zeros((h.shape[0],), h.dtype).at[dst].add(1.0)
    mean = agg / jnp.maximum(deg, 1.0)[:, None]
    # PyG SAGEConv: lin_l(aggregated) + lin_r(root); bias lives in lin_l
    return mean @ Wl + bl + h @ Wr


def _batchnorm(h, g, be, eps=1e-5):
    mu = jnp.mean(h, axis=0)
    var = jnp.var(h, axis=0)
    return (h - mu) / jnp.sqrt(var + eps) * g + be


def reference(x, edge_index, Wi, bi, Wl0, bl0, Wr0, g0, be0, Wl1, bl1, Wr1, g1, be1, Wo, bo):
    src = edge_index[0]
    dst = edge_index[1]
    h = jax.nn.relu(x @ Wi + bi)
    h = _sage_layer(h, src, dst, Wl0, bl0, Wr0)
    h = jax.nn.relu(_batchnorm(h, g0, be0))
    h = _sage_layer(h, src, dst, Wl1, bl1, Wr1)
    h = jax.nn.relu(_batchnorm(h, g1, be1))
    return h @ Wo + bo

if __name__ == "__main__":
    import jax
    _d = setup_inputs()
    print(jax.jit(kernel)(*tuple(_d.values())))

</pallas_src>

<mosaic_0001>
#map = affine_map<(d0, d1) -> (0, 0)>
#map1 = affine_map<(d0, d1) -> (0, 0, 0, 0)>
#map2 = affine_map<(d0, d1) -> (0, 0, 0)>
module attributes {stable_mosaic.version = 14 : i64} {
  func.func @body(%arg0: i32, %arg1: i32, %arg2: memref<10000x128xf32, #tpu.memory_space<hbm>>, %arg3: memref<32x80x2x125xi32, #tpu.memory_space<hbm>>, %arg4: memref<125x16xf32, #tpu.memory_space<hbm>>, %arg5: memref<2x10000x128xf32, #tpu.memory_space<hbm>>, %arg6: memref<2x10000x16xf32, #tpu.memory_space<hbm>>, %arg7: memref<10000x128xf32, #tpu.memory_space<vmem_shared>>, %arg8: memref<4x2x125xi32, #tpu.memory_space<vmem>>, %arg9: memref<125x128xf32, #tpu.memory_space<vmem>>, %arg10: memref<125x128xf32, #tpu.memory_space<vmem>>, %arg11: memref<!tpu.dma_semaphore, #tpu.memory_space<semaphore_mem>>, %arg12: memref<!tpu.dma_semaphore, #tpu.memory_space<semaphore_mem>>, %arg13: memref<!tpu.dma_semaphore, #tpu.memory_space<semaphore_mem>>, %arg14: memref<!tpu.dma_semaphore, #tpu.memory_space<semaphore_mem>>, %arg15: memref<!tpu.dma_semaphore, #tpu.memory_space<semaphore_mem>>, %arg16: memref<!tpu.dma_semaphore, #tpu.memory_space<semaphore_mem>>, %arg17: memref<10000x16xf32, #tpu.memory_space<vmem_shared>>, %arg18: memref<125x16xf32, #tpu.memory_space<vmem>>, %arg19: memref<120x16xf32, #tpu.memory_space<vmem>>) attributes {dimension_semantics = [#tpu.dimension_semantics<core_parallel>, #tpu.dimension_semantics<subcore_parallel>], iteration_bounds = array<i64: 2, 16>, scalar_prefetch = 0 : i64, scratch_operands = 13 : i64, tpu.core_type = #tpu.core_type<sc_vector_subcore>, window_params = [{transform_indices = #map}, {transform_indices = #map1}, {transform_indices = #map}, {transform_indices = #map2}, {transform_indices = #map2}]} {
    %mul3A = arith.constant 2 : i32
    %mul3A_0 = arith.muli %arg1, %mul3A : i32
    %add3A = arith.addi %mul3A_0, %arg0 : i32
    %mul3A_1 = arith.constant 632 : i32
    %mul3A_2 = arith.muli %arg1, %mul3A_1 : i32
    %min3A = arith.constant 9368 : i32
    %min3A_3 = arith.minsi %mul3A_2, %min3A : i32
    %multiple_of3A = tpu.assume_multiple %min3A_3, 8 : i32
    %dma_start3A = arith.constant 0 : i32
    %dma_start3A_4 = arith.constant 0 : i32
    %dma_start3A_5 = arith.constant 0 : i32
    %dma_start3A_6 = arith.constant 0 : i32
    %dma_start3A_7 = tpu.memref_slice %arg8[%dma_start3A_4, %dma_start3A_5, %dma_start3A_6] : memref<4x2x125xi32, #tpu.memory_space<vmem>> -> memref<1x2x125xi32, #tpu.memory_space<vmem>>
    %dma_start3A_8 = tpu.memref_squeeze %dma_start3A_7 : memref<1x2x125xi32, #tpu.memory_space<vmem>> -> memref<2x125xi32, #tpu.memory_space<vmem>>
    %dma_start3A_9 = arith.constant 0 : i32
    %dma_start3A_10 = arith.constant 0 : i32
    %dma_start3A_11 = tpu.memref_slice %arg3[%add3A, %dma_start3A, %dma_start3A_9, %dma_start3A_10] : memref<32x80x2x125xi32, #tpu.memory_space<hbm>> -> memref<1x1x2x125xi32, #tpu.memory_space<hbm>>
    %dma_start3A_12 = tpu.memref_squeeze %dma_start3A_11 : memref<1x1x2x125xi32, #tpu.memory_space<hbm>> -> memref<2x125xi32, #tpu.memory_space<hbm>>
    %dma_start3A_13 = arith.constant 0 : i32
    %dma_start3A_14 = arith.constant 0 : i32
    %dma_start3A_15 = tpu.memref_slice %arg8[%dma_start3A_4, %dma_start3A_13, %dma_start3A_14] : memref<4x2x125xi32, #tpu.memory_space<vmem>> -> memref<1x2x125xi32, #tpu.memory_space<vmem>>
    %dma_start3A_16 = tpu.memref_squeeze %dma_start3A_15 : memref<1x2x125xi32, #tpu.memory_space<vmem>> -> memref<2x125xi32, #tpu.memory_space<vmem>>
    %dma_start3A_17 = arith.constant 0 : i32
    %dma_start3A_18 = arith.constant 0 : i32
    %dma_start3A_19 = tpu.memref_slice %arg3[%add3A, %dma_start3A, %dma_start3A_17, %dma_start3A_18] : memref<32x80x2x125xi32, #tpu.memory_space<hbm>> -> memref<1x1x2x125xi32, #tpu.memory_space<hbm>>
    %dma_start3A_20 = tpu.memref_squeeze %dma_start3A_19 : memref<1x1x2x125xi32, #tpu.memory_space<hbm>> -> memref<2x125xi32, #tpu.memory_space<hbm>>
    tpu.enqueue_dma source(%dma_start3A_20 : memref<2x125xi32, #tpu.memory_space<hbm>>) target(%dma_start3A_16 : memref<2x125xi32, #tpu.memory_space<vmem>>) target_semaphore(%arg13 : memref<!tpu.dma_semaphore, #tpu.memory_space<semaphore_mem>>)
    %dma_start3A_21 = arith.constant 1 : i32
    %dma_start3A_22 = arith.constant 1 : i32
    %dma_start3A_23 = arith.constant 0 : i32
    %dma_start3A_24 = arith.constant 0 : i32
    %dma_start3A_25 = tpu.memref_slice %arg8[%dma_start3A_22, %dma_start3A_23, %dma_start3A_24] : memref<4x2x125xi32, #tpu.memory_space<vmem>> -> memref<1x2x125xi32, #tpu.memory_space<vmem>>
    %dma_start3A_26 = tpu.memref_squeeze %dma_start3A_25 : memref<1x2x125xi32, #tpu.memory_space<vmem>> -> memref<2x125xi32, #tpu.memory_space<vmem>>
    %dma_start3A_27 = arith.constant 0 : i32
    %dma_start3A_28 = arith.constant 0 : i32
    %dma_start3A_29 = tpu.memref_slice %arg3[%add3A, %dma_start3A_21, %dma_start3A_27, %dma_start3A_28] : memref<32x80x2x125xi32, #tpu.memory_space<hbm>> -> memref<1x1x2x125xi32, #tpu.memory_space<hbm>>
    %dma_start3A_30 = tpu.memref_squeeze %dma_start3A_29 : memref<1x1x2x125xi32, #tpu.memory_space<hbm>> -> memref<2x125xi32, #tpu.memory_space<hbm>>
    %dma_start3A_31 = arith.constant 0 : i32
    %dma_start3A_32 = arith.constant 0 : i32
    %dma_start3A_33 = tpu.memref_slice %arg8[%dma_start3A_22, %dma_start3A_31, %dma_start3A_32] : memref<4x2x125xi32, #tpu.memory_space<vmem>> -> memref<1x2x125xi32, #tpu.memory_space<vmem>>
    %dma_start3A_34 = tpu.memref_squeeze %dma_start3A_33 : memref<1x2x125xi32, #tpu.memory_space<vmem>> -> memref<2x125xi32, #tpu.memory_space<vmem>>
    %dma_start3A_35 = arith.constant 0 : i32
    %dma_start3A_36 = arith.constant 0 : i32
    %dma_start3A_37 = tpu.memref_slice %arg3[%add3A, %dma_start3A_21, %dma_start3A_35, %dma_start3A_36] : memref<32x80x2x125xi32, #tpu.memory_space<hbm>> -> memref<1x1x2x125xi32, #tpu.memory_space<hbm>>
    %dma_start3A_38 = tpu.memref_squeeze %dma_start3A_37 : memref<1x1x2x125xi32, #tpu.memory_space<hbm>> -> memref<2x125xi32, #tpu.memory_space<hbm>>
    tpu.enqueue_dma source(%dma_start3A_38 : memref<2x125xi32, #tpu.memory_space<hbm>>) target(%dma_start3A_34 : memref<2x125xi32, #tpu.memory_space<vmem>>) target_semaphore(%arg14 : memref<!tpu.dma_semaphore, #tpu.memory_space<semaphore_mem>>)
    %dma_start3A_39 = arith.constant 2 : i32
    %dma_start3A_40 = arith.constant 2 : i32
    %dma_start3A_41 = arith.constant 0 : i32
    %dma_start3A_42 = arith.constant 0 : i32
    %dma_start3A_43 = tpu.memref_slice %arg8[%dma_start3A_40, %dma_start3A_41, %dma_start3A_42] : memref<4x2x125xi32, #tpu.memory_space<vmem>> -> memref<1x2x125xi32, #tpu.memory_space<vmem>>
    %dma_start3A_44 = tpu.memref_squeeze %dma_start3A_43 : memref<1x2x125xi32, #tpu.memory_space<vmem>> -> memref<2x125xi32, #tpu.memory_space<vmem>>
    %dma_start3A_45 = arith.constant 0 : i32
    %dma_start3A_46 = arith.constant 0 : i32
    %dma_start3A_47 = tpu.memref_slice %arg3[%add3A, %dma_start3A_39, %dma_start3A_45, %dma_start3A_46] : memref<32x80x2x125xi32, #tpu.memory_space<hbm>> -> memref<1x1x2x125xi32, #tpu.memory_space<hbm>>
    %dma_start3A_48 = tpu.memref_squeeze %dma_start3A_47 : memref<1x1x2x125xi32, #tpu.memory_space<hbm>> -> memref<2x125xi32, #tpu.memory_space<hbm>>
    %dma_start3A_49 = arith.constant 0 : i32
    %dma_start3A_50 = arith.constant 0 : i32
    %dma_start3A_51 = tpu.memref_slice %arg8[%dma_start3A_40, %dma_start3A_49, %dma_start3A_50] : memref<4x2x125xi32, #tpu.memory_space<vmem>> -> memref<1x2x125xi32, #tpu.memory_space<vmem>>
    %dma_start3A_52 = tpu.memref_squeeze %dma_start3A_51 : memref<1x2x125xi32, #tpu.memory_space<vmem>> -> memref<2x125xi32, #tpu.memory_space<vmem>>
    %dma_start3A_53 = arith.constant 0 : i32
    %dma_start3A_54 = arith.constant 0 : i32
    %dma_start3A_55 = tpu.memref_slice %arg3[%add3A, %dma_start3A_39, %dma_start3A_53, %dma_start3A_54] : memref<32x80x2x125xi32, #tpu.memory_space<hbm>> -> memref<1x1x2x125xi32, #tpu.memory_space<hbm>>
    %dma_start3A_56 = tpu.memref_squeeze %dma_start3A_55 : memref<1x1x2x125xi32, #tpu.memory_space<hbm>> -> memref<2x125xi32, #tpu.memory_space<hbm>>
    tpu.enqueue_dma source(%dma_start3A_56 : memref<2x125xi32, #tpu.memory_space<hbm>>) target(%dma_start3A_52 : memref<2x125xi32, #tpu.memory_space<vmem>>) target_semaphore(%arg15 : memref<!tpu.dma_semaphore, #tpu.memory_space<semaphore_mem>>)
    %dma_start3A_57 = arith.constant 3 : i32
    %dma_start3A_58 = arith.constant 3 : i32
    %dma_start3A_59 = arith.constant 0 : i32
    %dma_start3A_60 = arith.constant 0 : i32
    %dma_start3A_61 = tpu.memref_slice %arg8[%dma_start3A_58, %dma_start3A_59, %dma_start3A_60] : memref<4x2x125xi32, #tpu.memory_space<vmem>> -> memref<1x2x125xi32, #tpu.memory_space<vmem>>
    %dma_start3A_62 = tpu.memref_squeeze %dma_start3A_61 : memref<1x2x125xi32, #tpu.memory_space<vmem>> -> memref<2x125xi32, #tpu.memory_space<vmem>>
    %dma_start3A_63 = arith.constant 0 : i32
    %dma_start3A_64 = arith.constant 0 : i32
    %dma_start3A_65 = tpu.memref_slice %arg3[%add3A, %dma_start3A_57, %dma_start3A_63, %dma_start3A_64] : memref<32x80x2x125xi32, #tpu.memory_space<hbm>> -> memref<1x1x2x125xi32, #tpu.memory_space<hbm>>
    %dma_start3A_66 = tpu.memref_squeeze %dma_start3A_65 : memref<1x1x2x125xi32, #tpu.memory_space<hbm>> -> memref<2x125xi32, #tpu.memory_space<hbm>>
    %dma_start3A_67 = arith.constant 0 : i32
    %dma_start3A_68 = arith.constant 0 : i32
    %dma_start3A_69 = tpu.memref_slice %arg8[%dma_start3A_58, %dma_start3A_67, %dma_start3A_68] : memref<4x2x125xi32, #tpu.memory_space<vmem>> -> memref<1x2x125xi32, #tpu.memory_space<vmem>>
    %dma_start3A_70 = tpu.memref_squeeze %dma_start3A_69 : memref<1x2x125xi32, #tpu.memory_space<vmem>> -> memref<2x125xi32, #tpu.memory_space<vmem>>
    %dma_start3A_71 = arith.constant 0 : i32
    %dma_start3A_72 = arith.constant 0 : i32
    %dma_start3A_73 = tpu.memref_slice %arg3[%add3A, %dma_start3A_57, %dma_start3A_71, %dma_start3A_72] : memref<32x80x2x125xi32, #tpu.memory_space<hbm>> -> memref<1x1x2x125xi32, #tpu.memory_space<hbm>>
    %dma_start3A_74 = tpu.memref_squeeze %dma_start3A_73 : memref<1x1x2x125xi32, #tpu.memory_space<hbm>> -> memref<2x125xi32, #tpu.memory_space<hbm>>
    tpu.enqueue_dma source(%dma_start3A_74 : memref<2x125xi32, #tpu.memory_space<hbm>>) target(%dma_start3A_70 : memref<2x125xi32, #tpu.memory_space<vmem>>) target_semaphore(%arg16 : memref<!tpu.dma_semaphore, #tpu.memory_space<semaphore_mem>>)
    %broadcast_in_dim3A = arith.constant 0.000000e+00 : f32
    %broadcast_in_dim3A_75 = vector.broadcast %broadcast_in_dim3A : f32 to vector<16xf32>
    %scan3A = arith.constant 0 : i32
    %scan3A_76 = arith.constant 0 : i32
    %scan3A_77 = arith.constant 120 : i32
    %scan3A_78 = arith.addi %scan3A_76, %scan3A_77 : i32
    %scan3A_79 = arith.constant 1 : i32
    scf.for %scan3A_169 = %scan3A_76 to %scan3A_78 step %scan3A_79  : i32 {
      %swap3A = arith.index_cast %scan3A_169 : i32 to index
      %swap3A_170 = arith.constant 0 : index
      %swap3A_171 = tpu.vector_load %arg9[%swap3A, %swap3A_170] {strides = array<i32>} : memref<125x128xf32, #tpu.memory_space<vmem>>, vector<1x16xf32>,
      %swap3A_172 = vector.shape_cast %swap3A_171 : vector<1x16xf32> to vector<16xf32>
      %swap3A_173 = vector.shape_cast %broadcast_in_dim3A_75 : vector<16xf32> to vector<1x16xf32>
      tpu.vector_store %arg9[%swap3A, %swap3A_170], %swap3A_173 {strides = array<i32>} : memref<125x128xf32, #tpu.memory_space<vmem>>, vector<1x16xf32>,
      %swap3A_174 = arith.index_cast %scan3A_169 : i32 to index
      %swap3A_175 = arith.constant 16 : index
      %swap3A_176 = tpu.vector_load %arg9[%swap3A_174, %swap3A_175] {strides = array<i32>} : memref<125x128xf32, #tpu.memory_space<vmem>>, vector<1x16xf32>,
      %swap3A_177 = vector.shape_cast %swap3A_176 : vector<1x16xf32> to vector<16xf32>
      %swap3A_178 = vector.shape_cast %broadcast_in_dim3A_75 : vector<16xf32> to vector<1x16xf32>
      tpu.vector_store %arg9[%swap3A_174, %swap3A_175], %swap3A_178 {strides = array<i32>} : memref<125x128xf32, #tpu.memory_space<vmem>>, vector<1x16xf32>,
      %swap3A_179 = arith.index_cast %scan3A_169 : i32 to index
      %swap3A_180 = arith.constant 32 : index
      %swap3A_181 = tpu.vector_load %arg9[%swap3A_179, %swap3A_180] {strides = array<i32>} : memref<125x128xf32, #tpu.memory_space<vmem>>, vector<1x16xf32>,
      %swap3A_182 = vector.shape_cast %swap3A_181 : vector<1x16xf32> to vector<16xf32>
      %swap3A_183 = vector.shape_cast %broadcast_in_dim3A_75 : vector<16xf32> to vector<1x16xf32>
      tpu.vector_store %arg9[%swap3A_179, %swap3A_180], %swap3A_183 {strides = array<i32>} : memref<125x128xf32, #tpu.memory_space<vmem>>, vector<1x16xf32>,
      %swap3A_184 = arith.index_cast %scan3A_169 : i32 to index
      %swap3A_185 = arith.constant 48 : index
      %swap3A_186 = tpu.vector_load %arg9[%swap3A_184, %swap3A_185] {strides = array<i32>} : memref<125x128xf32, #tpu.memory_space<vmem>>, vector<1x16xf32>,
      %swap3A_187 = vector.shape_cast %swap3A_186 : vector<1x16xf32> to vector<16xf32>
      %swap3A_188 = vector.shape_cast %broadcast_in_dim3A_75 : vector<16xf32> to vector<1x16xf32>
      tpu.vector_store %arg9[%swap3A_184, %swap3A_185], %swap3A_188 {strides = array<i32>} : memref<125x128xf32, #tpu.memory_space<vmem>>, vector<1x16xf32>,
      %swap3A_189 = arith.index_cast %scan3A_169 : i32 to index
      %swap3A_190 = arith.constant 64 : index
      %swap3A_191 = tpu.vector_load %arg9[%swap3A_189, %swap3A_190] {strides = array<i32>} : memref<125x128xf32, #tpu.memory_space<vmem>>, vector<1x16xf32>,
      %swap3A_192 = vector.shape_cast %swap3A_191 : vector<1x16xf32> to vector<16xf32>
      %swap3A_193 = vector.shape_cast %broadcast_in_dim3A_75 : vector<16xf32> to vector<1x16xf32>
      tpu.vector_store %arg9[%swap3A_189, %swap3A_190], %swap3A_193 {strides = array<i32>} : memref<125x128xf32, #tpu.memory_space<vmem>>, vector<1x16xf32>,
      %swap3A_194 = arith.index_cast %scan3A_169 : i32 to index
      %swap3A_195 = arith.constant 80 : index
      %swap3A_196 = tpu.vector_load %arg9[%swap3A_194, %swap3A_195] {strides = array<i32>} : memref<125x128xf32, #tpu.memory_space<vmem>>, vector<1x16xf32>,
      %swap3A_197 = vector.shape_cast %swap3A_196 : vector<1x16xf32> to vector<16xf32>
      %swap3A_198 = vector.shape_cast %broadcast_in_dim3A_75 : vector<16xf32> to vector<1x16xf32>
      tpu.vector_store %arg9[%swap3A_194, %swap3A_195], %swap3A_198 {strides = array<i32>} : memref<125x128xf32, #tpu.memory_space<vmem>>, vector<1x16xf32>,
      %swap3A_199 = arith.index_cast %scan3A_169 : i32 to index
      %swap3A_200 = arith.constant 96 : index
      %swap3A_201 = tpu.vector_load %arg9[%swap3A_199, %swap3A_200] {strides = array<i32>} : memref<125x128xf32, #tpu.memory_space<vmem>>, vector<1x16xf32>,
      %swap3A_202 = vector.shape_cast %swap3A_201 : vector<1x16xf32> to vector<16xf32>
      %swap3A_203 = vector.shape_cast %broadcast_in_dim3A_75 : vector<16xf32> to vector<1x16xf32>
      tpu.vector_store %arg9[%swap3A_199, %swap3A_200], %swap3A_203 {strides = array<i32>} : memref<125x128xf32, #tpu.memory_space<vmem>>, vector<1x16xf32>,
      %swap3A_204 = arith.index_cast %scan3A_169 : i32 to index
      %swap3A_205 = arith.constant 112 : index
      %swap3A_206 = tpu.vector_load %arg9[%swap3A_204, %swap3A_205] {strides = array<i32>} : memref<125x128xf32, #tpu.memory_space<vmem>>, vector<1x16xf32>,
      %swap3A_207 = vector.shape_cast %swap3A_206 : vector<1x16xf32> to vector<16xf32>
      %swap3A_208 = vector.shape_cast %broadcast_in_dim3A_75 : vector<16xf32> to vector<1x16xf32>
      tpu.vector_store %arg9[%swap3A_204, %swap3A_205], %swap3A_208 {strides = array<i32>} : memref<125x128xf32, #tpu.memory_space<vmem>>, vector<1x16xf32>,
    }
    %scan3A_80 = arith.constant 120 : i32
    %add3A_81 = arith.constant 0 : i32
    %add3A_82 = arith.addi %multiple_of3A, %add3A_81 : i32
    "tpu.region"() ({
      %run_scoped3A = tpu.sem_alloc : memref<!tpu.dma_semaphore, #tpu.memory_space<semaphore_mem>>
      %dma_start3A_169 = arith.constant 0 : i32
      %dma_start3A_170 = arith.constant 0 : i32
      %dma_start3A_171 = tpu.memref_slice %arg9[%dma_start3A_169, %dma_start3A_170] : memref<125x128xf32, #tpu.memory_space<vmem>> -> memref<120x128xf32, #tpu.memory_space<vmem>>
      %dma_start3A_172 = arith.constant 0 : i32
      %dma_start3A_173 = tpu.memref_slice %arg7[%add3A_82, %dma_start3A_172] : memref<10000x128xf32, #tpu.memory_space<vmem_shared>> -> memref<120x128xf32, #tpu.memory_space<vmem_shared>>
      %dma_start3A_174 = arith.constant 0 : i32
      %dma_start3A_175 = tpu.memref_slice %arg7[%add3A_82, %dma_start3A_174] : memref<10000x128xf32, #tpu.memory_space<vmem_shared>> -> memref<120x128xf32, #tpu.memory_space<vmem_shared>>
      %dma_start3A_176 = arith.constant 0 : i32
      %dma_start3A_177 = arith.constant 0 : i32
      %dma_start3A_178 = tpu.memref_slice %arg9[%dma_start3A_176, %dma_start3A_177] : memref<125x128xf32, #tpu.memory_space<vmem>> -> memref<120x128xf32, #tpu.memory_space<vmem>>
      tpu.enqueue_dma source(%dma_start3A_178 : memref<120x128xf32, #tpu.memory_space<vmem>>) target(%dma_start3A_175 : memref<120x128xf32, #tpu.memory_space<vmem_shared>>) target_semaphore(%run_scoped3A : memref<!tpu.dma_semaphore, #tpu.memory_space<semaphore_mem>>)
      %dma_wait3A_179 = arith.constant 0 : i32
      %dma_wait3A_180 = arith.constant 0 : i32
      %dma_wait3A_181 = tpu.memref_slice %arg9[%dma_wait3A_179, %dma_wait3A_180] : memref<125x128xf32, #tpu.memory_space<vmem>> -> memref<120x128xf32, #tpu.memory_space<vmem>>
      %dma_wait3A_182 = arith.constant 0 : i32
      %dma_wait3A_183 = tpu.memref_slice %arg7[%add3A_82, %dma_wait3A_182] : memref<10000x128xf32, #tpu.memory_space<vmem_shared>> -> memref<120x128xf32, #tpu.memory_space<vmem_shared>>
      %dma_wait3A_184 = arith.constant 0 : i32
      %dma_wait3A_185 = tpu.memref_slice %arg7[%add3A_82, %dma_wait3A_184] : memref<10000x128xf32, #tpu.memory_space<vmem_shared>> -> memref<120x128xf32, #tpu.memory_space<vmem_shared>>
      %dma_wait3A_186 = arith.constant 0 : i32
      %dma_wait3A_187 = arith.constant 0 : i32
      %dma_wait3A_188 = tpu.memref_slice %arg9[%dma_wait3A_186, %dma_wait3A_187] : memref<125x128xf32, #tpu.memory_space<vmem>> -> memref<120x128xf32, #tpu.memory_space<vmem>>
      tpu.wait_dma2 semaphore(%run_scoped3A : memref<!tpu.dma_semaphore, #tpu.memory_space<semaphore_mem>>) src(%dma_wait3A_188 : memref<120x128xf32, #tpu.memory_space<vmem>>) dst(%dma_wait3A_185 : memref<120x128xf32, #tpu.memory_space<vmem_shared>>)
      tpu.yield
    }) : () -> ()
    %add3A_83 = arith.constant 120 : i32
    %add3A_84 = arith.addi %multiple_of3A, %add3A_83 : i32
    "tpu.region"() ({
      %run_scoped3A = tpu.sem_alloc : memref<!tpu.dma_semaphore, #tpu.memory_space<semaphore_mem>>
      %dma_start3A_169 = arith.constant 0 : i32
      %dma_start3A_170 = arith.constant 0 : i32
      %dma_start3A_171 = tpu.memref_slice %arg9[%dma_start3A_169, %dma_start3A_170] : memref<125x128xf32, #tpu.memory_space<vmem>> -> memref<120x128xf32, #tpu.memory_space<vmem>>
      %dma_start3A_172 = arith.constant 0 : i32
      %dma_start3A_173 = tpu.memref_slice %arg7[%add3A_84, %dma_start3A_172] : memref<10000x128xf32, #tpu.memory_space<vmem_shared>> -> memref<120x128xf32, #tpu.memory_space<vmem_shared>>
      %dma_start3A_174 = arith.constant 0 : i32
      %dma_start3A_175 = tpu.memref_slice %arg7[%add3A_84, %dma_start3A_174] : memref<10000x128xf32, #tpu.memory_space<vmem_shared>> -> memref<120x128xf32, #tpu.memory_space<vmem_shared>>
      %dma_start3A_176 = arith.constant 0 : i32
      %dma_start3A_177 = arith.constant 0 : i32
      %dma_start3A_178 = tpu.memref_slice %arg9[%dma_start3A_176, %dma_start3A_177] : memref<125x128xf32, #tpu.memory_space<vmem>> -> memref<120x128xf32, #tpu.memory_space<vmem>>
      tpu.enqueue_dma source(%dma_start3A_178 : memref<120x128xf32, #tpu.memory_space<vmem>>) target(%dma_start3A_175 : memref<120x128xf32, #tpu.memory_space<vmem_shared>>) target_semaphore(%run_scoped3A : memref<!tpu.dma_semaphore, #tpu.memory_space<semaphore_mem>>)
      %dma_wait3A_179 = arith.constant 0 : i32
      %dma_wait3A_180 = arith.constant 0 : i32
      %dma_wait3A_181 = tpu.memref_slice %arg9[%dma_wait3A_179, %dma_wait3A_180] : memref<125x128xf32, #tpu.memory_space<vmem>> -> memref<120x128xf32, #tpu.memory_space<vmem>>
      %dma_wait3A_182 = arith.constant 0 : i32
      %dma_wait3A_183 = tpu.memref_slice %arg7[%add3A_84, %dma_wait3A_182] : memref<10000x128xf32, #tpu.memory_space<vmem_shared>> -> memref<120x128xf32, #tpu.memory_space<vmem_shared>>
      %dma_wait3A_184 = arith.constant 0 : i32
      %dma_wait3A_185 = tpu.memref_slice %arg7[%add3A_84, %dma_wait3A_184] : memref<10000x128xf32, #tpu.memory_space<vmem_shared>> -> memref<120x128xf32, #tpu.memory_space<vmem_shared>>
      %dma_wait3A_186 = arith.constant 0 : i32
      %dma_wait3A_187 = arith.constant 0 : i32
      %dma_wait3A_188 = tpu.memref_slice %arg9[%dma_wait3A_186, %dma_wait3A_187] : memref<125x128xf32, #tpu.memory_space<vmem>> -> memref<120x128xf32, #tpu.memory_space<vmem>>
      tpu.wait_dma2 semaphore(%run_scoped3A : memref<!tpu.dma_semaphore, #tpu.memory_space<semaphore_mem>>) src(%dma_wait3A_188 : memref<120x128xf32, #tpu.memory_space<vmem>>) dst(%dma_wait3A_185 : memref<120x128xf32, #tpu.memory_space<vmem_shared>>)
      tpu.yield
    }) : () -> ()
    %add3A_85 = arith.constant 240 : i32
    %add3A_86 = arith.addi %multiple_of3A, %add3A_85 : i32
    "tpu.region"() ({
      %run_scoped3A = tpu.sem_alloc : memref<!tpu.dma_semaphore, #tpu.memory_space<semaphore_mem>>
      %dma_start3A_169 = arith.constant 0 : i32
      %dma_start3A_170 = arith.constant 0 : i32
      %dma_start3A_171 = tpu.memref_slice %arg9[%dma_start3A_169, %dma_start3A_170] : memref<125x128xf32, #tpu.memory_space<vmem>> -> memref<120x128xf32, #tpu.memory_space<vmem>>
      %dma_start3A_172 = arith.constant 0 : i32
      %dma_start3A_173 = tpu.memref_slice %arg7[%add3A_86, %dma_start3A_172] : memref<10000x128xf32, #tpu.memory_space<vmem_shared>> -> memref<120x128xf32, #tpu.memory_space<vmem_shared>>
      %dma_start3A_174 = arith.constant 0 : i32
      %dma_start3A_175 = tpu.memref_slice %arg7[%add3A_86, %dma_start3A_174] : memref<10000x128xf32, #tpu.memory_space<vmem_shared>> -> memref<120x128xf32, #tpu.memory_space<vmem_shared>>
      %dma_start3A_176 = arith.constant 0 : i32
      %dma_start3A_177 = arith.constant 0 : i32
      %dma_start3A_178 = tpu.memref_slice %arg9[%dma_start3A_176, %dma_start3A_177] : memref<125x128xf32, #tpu.memory_space<vmem>> -> memref<120x128xf32, #tpu.memory_space<vmem>>
      tpu.enqueue_dma source(%dma_start3A_178 : memref<120x128xf32, #tpu.memory_space<vmem>>) target(%dma_start3A_175 : memref<120x128xf32, #tpu.memory_space<vmem_shared>>) target_semaphore(%run_scoped3A : memref<!tpu.dma_semaphore, #tpu.memory_space<semaphore_mem>>)
      %dma_wait3A_179 = arith.constant 0 : i32
      %dma_wait3A_180 = arith.constant 0 : i32
      %dma_wait3A_181 = tpu.memref_slice %arg9[%dma_wait3A_179, %dma_wait3A_180] : memref<125x128xf32, #tpu.memory_space<vmem>> -> memref<120x128xf32, #tpu.memory_space<vmem>>
      %dma_wait3A_182 = arith.constant 0 : i32
      %dma_wait3A_183 = tpu.memref_slice %arg7[%add3A_86, %dma_wait3A_182] : memref<10000x128xf32, #tpu.memory_space<vmem_shared>> -> memref<120x128xf32, #tpu.memory_space<vmem_shared>>
      %dma_wait3A_184 = arith.constant 0 : i32
      %dma_wait3A_185 = tpu.memref_slice %arg7[%add3A_86, %dma_wait3A_184] : memref<10000x128xf32, #tpu.memory_space<vmem_shared>> -> memref<120x128xf32, #tpu.memory_space<vmem_shared>>
      %dma_wait3A_186 = arith.constant 0 : i32
      %dma_wait3A_187 = arith.constant 0 : i32
      %dma_wait3A_188 = tpu.memref_slice %arg9[%dma_wait3A_186, %dma_wait3A_187] : memref<125x128xf32, #tpu.memory_space<vmem>> -> memref<120x128xf32, #tpu.memory_space<vmem>>
      tpu.wait_dma2 semaphore(%run_scoped3A : memref<!tpu.dma_semaphore, #tpu.memory_space<semaphore_mem>>) src(%dma_wait3A_188 : memref<120x128xf32, #tpu.memory_space<vmem>>) dst(%dma_wait3A_185 : memref<120x128xf32, #tpu.memory_space<vmem_shared>>)
      tpu.yield
    }) : () -> ()
    %add3A_87 = arith.constant 360 : i32
    %add3A_88 = arith.addi %multiple_of3A, %add3A_87 : i32
    "tpu.region"() ({
      %run_scoped3A = tpu.sem_alloc : memref<!tpu.dma_semaphore, #tpu.memory_space<semaphore_mem>>
      %dma_start3A_169 = arith.constant 0 : i32
      %dma_start3A_170 = arith.constant 0 : i32
      %dma_start3A_171 = tpu.memref_slice %arg9[%dma_start3A_169, %dma_start3A_170] : memref<125x128xf32, #tpu.memory_space<vmem>> -> memref<120x128xf32, #tpu.memory_space<vmem>>
      %dma_start3A_172 = arith.constant 0 : i32
      %dma_start3A_173 = tpu.memref_slice %arg7[%add3A_88, %dma_start3A_172] : memref<10000x128xf32, #tpu.memory_space<vmem_shared>> -> memref<120x128xf32, #tpu.memory_space<vmem_shared>>
      %dma_start3A_174 = arith.constant 0 : i32
      %dma_start3A_175 = tpu.memref_slice %arg7[%add3A_88, %dma_start3A_174] : memref<10000x128xf32, #tpu.memory_space<vmem_shared>> -> memref<120x128xf32, #tpu.memory_space<vmem_shared>>
      %dma_start3A_176 = arith.constant 0 : i32
      %dma_start3A_177 = arith.constant 0 : i32
      %dma_start3A_178 = tpu.memref_slice %arg9[%dma_start3A_176, %dma_start3A_177] : memref<125x128xf32, #tpu.memory_space<vmem>> -> memref<120x128xf32, #tpu.memory_space<vmem>>
      tpu.enqueue_dma source(%dma_start3A_178 : memref<120x128xf32, #tpu.memory_space<vmem>>) target(%dma_start3A_175 : memref<120x128xf32, #tpu.memory_space<vmem_shared>>) target_semaphore(%run_scoped3A : memref<!tpu.dma_semaphore, #tpu.memory_space<semaphore_mem>>)
      %dma_wait3A_179 = arith.constant 0 : i32
      %dma_wait3A_180 = arith.constant 0 : i32
      %dma_wait3A_181 = tpu.memref_slice %arg9[%dma_wait3A_179, %dma_wait3A_180] : memref<125x128xf32, #tpu.memory_space<vmem>> -> memref<120x128xf32, #tpu.memory_space<vmem>>
      %dma_wait3A_182 = arith.constant 0 : i32
      %dma_wait3A_183 = tpu.memref_slice %arg7[%add3A_88, %dma_wait3A_182] : memref<10000x128xf32, #tpu.memory_space<vmem_shared>> -> memref<120x128xf32, #tpu.memory_space<vmem_shared>>
      %dma_wait3A_184 = arith.constant 0 : i32
      %dma_wait3A_185 = tpu.memref_slice %arg7[%add3A_88, %dma_wait3A_184] : memref<10000x128xf32, #tpu.memory_space<vmem_shared>> -> memref<120x128xf32, #tpu.memory_space<vmem_shared>>
      %dma_wait3A_186 = arith.constant 0 : i32
      %dma_wait3A_187 = arith.constant 0 : i32
      %dma_wait3A_188 = tpu.memref_slice %arg9[%dma_wait3A_186, %dma_wait3A_187] : memref<125x128xf32, #tpu.memory_space<vmem>> -> memref<120x128xf32, #tpu.memory_space<vmem>>
      tpu.wait_dma2 semaphore(%run_scoped3A : memref<!tpu.dma_semaphore, #tpu.memory_space<semaphore_mem>>) src(%dma_wait3A_188 : memref<120x128xf32, #tpu.memory_space<vmem>>) dst(%dma_wait3A_185 : memref<120x128xf32, #tpu.memory_space<vmem_shared>>)
      tpu.yield
    }) : () -> ()
    %add3A_89 = arith.constant 480 : i32
    %add3A_90 = arith.addi %multiple_of3A, %add3A_89 : i32
    "tpu.region"() ({
      %run_scoped3A = tpu.sem_alloc : memref<!tpu.dma_semaphore, #tpu.memory_space<semaphore_mem>>
      %dma_start3A_169 = arith.constant 0 : i32
      %dma_start3A_170 = arith.constant 0 : i32
      %dma_start3A_171 = tpu.memref_slice %arg9[%dma_start3A_169, %dma_start3A_170] : memref<125x128xf32, #tpu.memory_space<vmem>> -> memref<120x128xf32, #tpu.memory_space<vmem>>
      %dma_start3A_172 = arith.constant 0 : i32
      %dma_start3A_173 = tpu.memref_slice %arg7[%add3A_90, %dma_start3A_172] : memref<10000x128xf32, #tpu.memory_space<vmem_shared>> -> memref<120x128xf32, #tpu.memory_space<vmem_shared>>
      %dma_start3A_174 = arith.constant 0 : i32
      %dma_start3A_175 = tpu.memref_slice %arg7[%add3A_90, %dma_start3A_174] : memref<10000x128xf32, #tpu.memory_space<vmem_shared>> -> memref<120x128xf32, #tpu.memory_space<vmem_shared>>
      %dma_start3A_176 = arith.constant 0 : i32
      %dma_start3A_177 = arith.constant 0 : i32
      %dma_start3A_178 = tpu.memref_slice %arg9[%dma_start3A_176, %dma_start3A_177] : memref<125x128xf32, #tpu.memory_space<vmem>> -> memref<120x128xf32, #tpu.memory_space<vmem>>
      tpu.enqueue_dma source(%dma_start3A_178 : memref<120x128xf32, #tpu.memory_space<vmem>>) target(%dma_start3A_175 : memref<120x128xf32, #tpu.memory_space<vmem_shared>>) target_semaphore(%run_scoped3A : memref<!tpu.dma_semaphore, #tpu.memory_space<semaphore_mem>>)
      %dma_wait3A_179 = arith.constant 0 : i32
      %dma_wait3A_180 = arith.constant 0 : i32
      %dma_wait3A_181 = tpu.memref_slice %arg9[%dma_wait3A_179, %dma_wait3A_180] : memref<125x128xf32, #tpu.memory_space<vmem>> -> memref<120x128xf32, #tpu.memory_space<vmem>>
      %dma_wait3A_182 = arith.constant 0 : i32
      %dma_wait3A_183 = tpu.memref_slice %arg7[%add3A_90, %dma_wait3A_182] : memref<10000x128xf32, #tpu.memory_space<vmem_shared>> -> memref<120x128xf32, #tpu.memory_space<vmem_shared>>
      %dma_wait3A_184 = arith.constant 0 : i32
      %dma_wait3A_185 = tpu.memref_slice %arg7[%add3A_90, %dma_wait3A_184] : memref<10000x128xf32, #tpu.memory_space<vmem_shared>> -> memref<120x128xf32, #tpu.memory_space<vmem_shared>>
      %dma_wait3A_186 = arith.constant 0 : i32
      %dma_wait3A_187 = arith.constant 0 : i32
      %dma_wait3A_188 = tpu.memref_slice %arg9[%dma_wait3A_186, %dma_wait3A_187] : memref<125x128xf32, #tpu.memory_space<vmem>> -> memref<120x128xf32, #tpu.memory_space<vmem>>
      tpu.wait_dma2 semaphore(%run_scoped3A : memref<!tpu.dma_semaphore, #tpu.memory_space<semaphore_mem>>) src(%dma_wait3A_188 : memref<120x128xf32, #tpu.memory_space<vmem>>) dst(%dma_wait3A_185 : memref<120x128xf32, #tpu.memory_space<vmem_shared>>)
      tpu.yield
    }) : () -> ()
    %add3A_91 = arith.constant 600 : i32
    %add3A_92 = arith.addi %multiple_of3A, %add3A_91 : i32
    "tpu.region"() ({
      %run_scoped3A = tpu.sem_alloc : memref<!tpu.dma_semaphore, #tpu.memory_space<semaphore_mem>>
      %dma_start3A_169 = arith.constant 0 : i32
      %dma_start3A_170 = arith.constant 0 : i32
      %dma_start3A_171 = tpu.memref_slice %arg9[%dma_start3A_169, %dma_start3A_170] : memref<125x128xf32, #tpu.memory_space<vmem>> -> memref<32x128xf32, #tpu.memory_space<vmem>>
      %dma_start3A_172 = arith.constant 0 : i32
      %dma_start3A_173 = tpu.memref_slice %arg7[%add3A_92, %dma_start3A_172] : memref<10000x128xf32, #tpu.memory_space<vmem_shared>> -> memref<32x128xf32, #tpu.memory_space<vmem_shared>>
      %dma_start3A_174 = arith.constant 0 : i32
      %dma_start3A_175 = tpu.memref_slice %arg7[%add3A_92, %dma_start3A_174] : memref<10000x128xf32, #tpu.memory_space<vmem_shared>> -> memref<32x128xf32, #tpu.memory_space<vmem_shared>>
      %dma_start3A_176 = arith.constant 0 : i32
      %dma_start3A_177 = arith.constant 0 : i32
      %dma_start3A_178 = tpu.memref_slice %arg9[%dma_start3A_176, %dma_start3A_177] : memref<125x128xf32, #tpu.memory_space<vmem>> -> memref<32x128xf32, #tpu.memory_space<vmem>>
      tpu.enqueue_dma source(%dma_start3A_178 : memref<32x128xf32, #tpu.memory_space<vmem>>) target(%dma_start3A_175 : memref<32x128xf32, #tpu.memory_space<vmem_shared>>) target_semaphore(%run_scoped3A : memref<!tpu.dma_semaphore, #tpu.memory_space<semaphore_mem>>)
      %dma_wait3A_179 = arith.constant 0 : i32
      %dma_wait3A_180 = arith.constant 0 : i32
      %dma_wait3A_181 = tpu.memref_slice %arg9[%dma_wait3A_179, %dma_wait3A_180] : memref<125x128xf32, #tpu.memory_space<vmem>> -> memref<32x128xf32, #tpu.memory_space<vmem>>
      %dma_wait3A_182 = arith.constant 0 : i32
      %dma_wait3A_183 = tpu.memref_slice %arg7[%add3A_92, %dma_wait3A_182] : memref<10000x128xf32, #tpu.memory_space<vmem_shared>> -> memref<32x128xf32, #tpu.memory_space<vmem_shared>>
      %dma_wait3A_184 = arith.constant 0 : i32
      %dma_wait3A_185 = tpu.memref_slice %arg7[%add3A_92, %dma_wait3A_184] : memref<10000x128xf32, #tpu.memory_space<vmem_shared>> -> memref<32x128xf32, #tpu.memory_space<vmem_shared>>
      %dma_wait3A_186 = arith.constant 0 : i32
      %dma_wait3A_187 = arith.constant 0 : i32
      %dma_wait3A_188 = tpu.memref_slice %arg9[%dma_wait3A_186, %dma_wait3A_187] : memref<125x128xf32, #tpu.memory_space<vmem>> -> memref<32x128xf32, #tpu.memory_space<vmem>>
      tpu.wait_dma2 semaphore(%run_scoped3A : memref<!tpu.dma_semaphore, #tpu.memory_space<semaphore_mem>>) src(%dma_wait3A_188 : memref<32x128xf32, #tpu.memory_space<vmem>>) dst(%dma_wait3A_185 : memref<32x128xf32, #tpu.memory_space<vmem_shared>>)
      tpu.yield
    }) : () -> ()
    "tpu.region"() ({
      %run_scoped3A = tpu.sem_alloc : memref<!tpu.dma_semaphore, #tpu.memory_space<semaphore_mem>>
      tpu.enqueue_dma source(%arg4 : memref<125x16xf32, #tpu.memory_space<hbm>>) target(%arg18 : memref<125x16xf32, #tpu.memory_space<vmem>>) target_semaphore(%run_scoped3A : memref<!tpu.dma_semaphore, #tpu.memory_space<semaphore_mem>>)
      tpu.wait_dma2 semaphore(%run_scoped3A : memref<!tpu.dma_semaphore, #tpu.memory_space<semaphore_mem>>) src(%arg4 : memref<125x16xf32, #tpu.memory_space<hbm>>) dst(%arg18 : memref<125x16xf32, #tpu.memory_space<vmem>>)
      tpu.yield
    }) : () -> ()
    %scan3A_93 = arith.constant 0 : i32
    %scan3A_94 = arith.constant 0 : i32
    %scan3A_95 = arith.constant 120 : i32
    %scan3A_96 = arith.addi %scan3A_94, %scan3A_95 : i32
    %scan3A_97 = arith.constant 1 : i32
    scf.for %scan3A_169 = %scan3A_94 to %scan3A_96 step %scan3A_97  : i32 {
      %swap3A = arith.index_cast %scan3A_169 : i32 to index
      %swap3A_170 = arith.constant 0 : index
      %swap3A_171 = tpu.vector_load %arg19[%swap3A, %swap3A_170] {strides = array<i32>} : memref<120x16xf32, #tpu.memory_space<vmem>>, vector<1x16xf32>,
      %swap3A_172 = vector.shape_cast %swap3A_171 : vector<1x16xf32> to vector<16xf32>
      %swap3A_173 = vector.shape_cast %broadcast_in_dim3A_75 : vector<16xf32> to vector<1x16xf32>
      tpu.vector_store %arg19[%swap3A, %swap3A_170], %swap3A_173 {strides = array<i32>} : memref<120x16xf32, #tpu.memory_space<vmem>>, vector<1x16xf32>,
    }
    %scan3A_98 = arith.constant 120 : i32
    %add3A_99 = arith.constant 0 : i32
    %add3A_100 = arith.addi %multiple_of3A, %add3A_99 : i32
    "tpu.region"() ({
      %run_scoped3A = tpu.sem_alloc : memref<!tpu.dma_semaphore, #tpu.memory_space<semaphore_mem>>
      %dma_start3A_169 = arith.constant 0 : i32
      %dma_start3A_170 = arith.constant 0 : i32
      %dma_start3A_171 = tpu.memref_slice %arg19[%dma_start3A_169, %dma_start3A_170] : memref<120x16xf32, #tpu.memory_space<vmem>> -> memref<120x16xf32, #tpu.memory_space<vmem>>
      %dma_start3A_172 = arith.constant 0 : i32
      %dma_start3A_173 = tpu.memref_slice %arg17[%add3A_100, %dma_start3A_172] : memref<10000x16xf32, #tpu.memory_space<vmem_shared>> -> memref<120x16xf32, #tpu.memory_space<vmem_shared>>
      %dma_start3A_174 = arith.constant 0 : i32
      %dma_start3A_175 = tpu.memref_slice %arg17[%add3A_100, %dma_start3A_174] : memref<10000x16xf32, #tpu.memory_space<vmem_shared>> -> memref<120x16xf32, #tpu.memory_space<vmem_shared>>
      %dma_start3A_176 = arith.constant 0 : i32
      %dma_start3A_177 = arith.constant 0 : i32
      %dma_start3A_178 = tpu.memref_slice %arg19[%dma_start3A_176, %dma_start3A_177] : memref<120x16xf32, #tpu.memory_space<vmem>> -> memref<120x16xf32, #tpu.memory_space<vmem>>
      tpu.enqueue_dma source(%dma_start3A_178 : memref<120x16xf32, #tpu.memory_space<vmem>>) target(%dma_start3A_175 : memref<120x16xf32, #tpu.memory_space<vmem_shared>>) target_semaphore(%run_scoped3A : memref<!tpu.dma_semaphore, #tpu.memory_space<semaphore_mem>>)
      %dma_wait3A_179 = arith.constant 0 : i32
      %dma_wait3A_180 = arith.constant 0 : i32
      %dma_wait3A_181 = tpu.memref_slice %arg19[%dma_wait3A_179, %dma_wait3A_180] : memref<120x16xf32, #tpu.memory_space<vmem>> -> memref<120x16xf32, #tpu.memory_space<vmem>>
      %dma_wait3A_182 = arith.constant 0 : i32
      %dma_wait3A_183 = tpu.memref_slice %arg17[%add3A_100, %dma_wait3A_182] : memref<10000x16xf32, #tpu.memory_space<vmem_shared>> -> memref<120x16xf32, #tpu.memory_space<vmem_shared>>
      %dma_wait3A_184 = arith.constant 0 : i32
      %dma_wait3A_185 = tpu.memref_slice %arg17[%add3A_100, %dma_wait3A_184] : memref<10000x16xf32, #tpu.memory_space<vmem_shared>> -> memref<120x16xf32, #tpu.memory_space<vmem_shared>>
      %dma_wait3A_186 = arith.constant 0 : i32
      %dma_wait3A_187 = arith.constant 0 : i32
      %dma_wait3A_188 = tpu.memref_slice %arg19[%dma_wait3A_186, %dma_wait3A_187] : memref<120x16xf32, #tpu.memory_space<vmem>> -> memref<120x16xf32, #tpu.memory_space<vmem>>
      tpu.wait_dma2 semaphore(%run_scoped3A : memref<!tpu.dma_semaphore, #tpu.memory_space<semaphore_mem>>) src(%dma_wait3A_188 : memref<120x16xf32, #tpu.memory_space<vmem>>) dst(%dma_wait3A_185 : memref<120x16xf32, #tpu.memory_space<vmem_shared>>)
      tpu.yield
    }) : () -> ()
    %add3A_101 = arith.constant 120 : i32
    %add3A_102 = arith.addi %multiple_of3A, %add3A_101 : i32
    "tpu.region"() ({
      %run_scoped3A = tpu.sem_alloc : memref<!tpu.dma_semaphore, #tpu.memory_space<semaphore_mem>>
      %dma_start3A_169 = arith.constant 0 : i32
      %dma_start3A_170 = arith.constant 0 : i32
      %dma_start3A_171 = tpu.memref_slice %arg19[%dma_start3A_169, %dma_start3A_170] : memref<120x16xf32, #tpu.memory_space<vmem>> -> memref<120x16xf32, #tpu.memory_space<vmem>>
      %dma_start3A_172 = arith.constant 0 : i32
      %dma_start3A_173 = tpu.memref_slice %arg17[%add3A_102, %dma_start3A_172] : memref<10000x16xf32, #tpu.memory_space<vmem_shared>> -> memref<120x16xf32, #tpu.memory_space<vmem_shared>>
      %dma_start3A_174 = arith.constant 0 : i32
      %dma_start3A_175 = tpu.memref_slice %arg17[%add3A_102, %dma_start3A_174] : memref<10000x16xf32, #tpu.memory_space<vmem_shared>> -> memref<120x16xf32, #tpu.memory_space<vmem_shared>>
      %dma_start3A_176 = arith.constant 0 : i32
      %dma_start3A_177 = arith.constant 0 : i32
      %dma_start3A_178 = tpu.memref_slice %arg19[%dma_start3A_176, %dma_start3A_177] : memref<120x16xf32, #tpu.memory_space<vmem>> -> memref<120x16xf32, #tpu.memory_space<vmem>>
      tpu.enqueue_dma source(%dma_start3A_178 : memref<120x16xf32, #tpu.memory_space<vmem>>) target(%dma_start3A_175 : memref<120x16xf32, #tpu.memory_space<vmem_shared>>) target_semaphore(%run_scoped3A : memref<!tpu.dma_semaphore, #tpu.memory_space<semaphore_mem>>)
      %dma_wait3A_179 = arith.constant 0 : i32
      %dma_wait3A_180 = arith.constant 0 : i32
      %dma_wait3A_181 = tpu.memref_slice %arg19[%dma_wait3A_179, %dma_wait3A_180] : memref<120x16xf32, #tpu.memory_space<vmem>> -> memref<120x16xf32, #tpu.memory_space<vmem>>
      %dma_wait3A_182 = arith.constant 0 : i32
      %dma_wait3A_183 = tpu.memref_slice %arg17[%add3A_102, %dma_wait3A_182] : memref<10000x16xf32, #tpu.memory_space<vmem_shared>> -> memref<120x16xf32, #tpu.memory_space<vmem_shared>>
      %dma_wait3A_184 = arith.constant 0 : i32
      %dma_wait3A_185 = tpu.memref_slice %arg17[%add3A_102, %dma_wait3A_184] : memref<10000x16xf32, #tpu.memory_space<vmem_shared>> -> memref<120x16xf32, #tpu.memory_space<vmem_shared>>
      %dma_wait3A_186 = arith.constant 0 : i32
      %dma_wait3A_187 = arith.constant 0 : i32
      %dma_wait3A_188 = tpu.memref_slice %arg19[%dma_wait3A_186, %dma_wait3A_187] : memref<120x16xf32, #tpu.memory_space<vmem>> -> memref<120x16xf32, #tpu.memory_space<vmem>>
      tpu.wait_dma2 semaphore(%run_scoped3A : memref<!tpu.dma_semaphore, #tpu.memory_space<semaphore_mem>>) src(%dma_wait3A_188 : memref<120x16xf32, #tpu.memory_space<vmem>>) dst(%dma_wait3A_185 : memref<120x16xf32, #tpu.memory_space<vmem_shared>>)
      tpu.yield
    }) : () -> ()
    %add3A_103 = arith.constant 240 : i32
    %add3A_104 = arith.addi %multiple_of3A, %add3A_103 : i32
    "tpu.region"() ({
      %run_scoped3A = tpu.sem_alloc : memref<!tpu.dma_semaphore, #tpu.memory_space<semaphore_mem>>
      %dma_start3A_169 = arith.constant 0 : i32
      %dma_start3A_170 = arith.constant 0 : i32
      %dma_start3A_171 = tpu.memref_slice %arg19[%dma_start3A_169, %dma_start3A_170] : memref<120x16xf32, #tpu.memory_space<vmem>> -> memref<120x16xf32, #tpu.memory_space<vmem>>
      %dma_start3A_172 = arith.constant 0 : i32
      %dma_start3A_173 = tpu.memref_slice %arg17[%add3A_104, %dma_start3A_172] : memref<10000x16xf32, #tpu.memory_space<vmem_shared>> -> memref<120x16xf32, #tpu.memory_space<vmem_shared>>
      %dma_start3A_174 = arith.constant 0 : i32
      %dma_start3A_175 = tpu.memref_slice %arg17[%add3A_104, %dma_start3A_174] : memref<10000x16xf32, #tpu.memory_space<vmem_shared>> -> memref<120x16xf32, #tpu.memory_space<vmem_shared>>
      %dma_start3A_176 = arith.constant 0 : i32
      %dma_start3A_177 = arith.constant 0 : i32
      %dma_start3A_178 = tpu.memref_slice %arg19[%dma_start3A_176, %dma_start3A_177] : memref<120x16xf32, #tpu.memory_space<vmem>> -> memref<120x16xf32, #tpu.memory_space<vmem>>
      tpu.enqueue_dma source(%dma_start3A_178 : memref<120x16xf32, #tpu.memory_space<vmem>>) target(%dma_start3A_175 : memref<120x16xf32, #tpu.memory_space<vmem_shared>>) target_semaphore(%run_scoped3A : memref<!tpu.dma_semaphore, #tpu.memory_space<semaphore_mem>>)
      %dma_wait3A_179 = arith.constant 0 : i32
      %dma_wait3A_180 = arith.constant 0 : i32
      %dma_wait3A_181 = tpu.memref_slice %arg19[%dma_wait3A_179, %dma_wait3A_180] : memref<120x16xf32, #tpu.memory_space<vmem>> -> memref<120x16xf32, #tpu.memory_space<vmem>>
      %dma_wait3A_182 = arith.constant 0 : i32
      %dma_wait3A_183 = tpu.memref_slice %arg17[%add3A_104, %dma_wait3A_182] : memref<10000x16xf32, #tpu.memory_space<vmem_shared>> -> memref<120x16xf32, #tpu.memory_space<vmem_shared>>
      %dma_wait3A_184 = arith.constant 0 : i32
      %dma_wait3A_185 = tpu.memref_slice %arg17[%add3A_104, %dma_wait3A_184] : memref<10000x16xf32, #tpu.memory_space<vmem_shared>> -> memref<120x16xf32, #tpu.memory_space<vmem_shared>>
      %dma_wait3A_186 = arith.constant 0 : i32
      %dma_wait3A_187 = arith.constant 0 : i32
      %dma_wait3A_188 = tpu.memref_slice %arg19[%dma_wait3A_186, %dma_wait3A_187] : memref<120x16xf32, #tpu.memory_space<vmem>> -> memref<120x16xf32, #tpu.memory_space<vmem>>
      tpu.wait_dma2 semaphore(%run_scoped3A : memref<!tpu.dma_semaphore, #tpu.memory_space<semaphore_mem>>) src(%dma_wait3A_188 : memref<120x16xf32, #tpu.memory_space<vmem>>) dst(%dma_wait3A_185 : memref<120x16xf32, #tpu.memory_space<vmem_shared>>)
      tpu.yield
    }) : () -> ()
    %add3A_105 = arith.constant 360 : i32
    %add3A_106 = arith.addi %multiple_of3A, %add3A_105 : i32
    "tpu.region"() ({
      %run_scoped3A = tpu.sem_alloc : memref<!tpu.dma_semaphore, #tpu.memory_space<semaphore_mem>>
      %dma_start3A_169 = arith.constant 0 : i32
      %dma_start3A_170 = arith.constant 0 : i32
      %dma_start3A_171 = tpu.memref_slice %arg19[%dma_start3A_169, %dma_start3A_170] : memref<120x16xf32, #tpu.memory_space<vmem>> -> memref<120x16xf32, #tpu.memory_space<vmem>>
      %dma_start3A_172 = arith.constant 0 : i32
      %dma_start3A_173 = tpu.memref_slice %arg17[%add3A_106, %dma_start3A_172] : memref<10000x16xf32, #tpu.memory_space<vmem_shared>> -> memref<120x16xf32, #tpu.memory_space<vmem_shared>>
      %dma_start3A_174 = arith.constant 0 : i32
      %dma_start3A_175 = tpu.memref_slice %arg17[%add3A_106, %dma_start3A_174] : memref<10000x16xf32, #tpu.memory_space<vmem_shared>> -> memref<120x16xf32, #tpu.memory_space<vmem_shared>>
      %dma_start3A_176 = arith.constant 0 : i32
      %dma_start3A_177 = arith.constant 0 : i32
      %dma_start3A_178 = tpu.memref_slice %arg19[%dma_start3A_176, %dma_start3A_177] : memref<120x16xf32, #tpu.memory_space<vmem>> -> memref<120x16xf32, #tpu.memory_space<vmem>>
      tpu.enqueue_dma source(%dma_start3A_178 : memref<120x16xf32, #tpu.memory_space<vmem>>) target(%dma_start3A_175 : memref<120x16xf32, #tpu.memory_space<vmem_shared>>) target_semaphore(%run_scoped3A : memref<!tpu.dma_semaphore, #tpu.memory_space<semaphore_mem>>)
      %dma_wait3A_179 = arith.constant 0 : i32
      %dma_wait3A_180 = arith.constant 0 : i32
      %dma_wait3A_181 = tpu.memref_slice %arg19[%dma_wait3A_179, %dma_wait3A_180] : memref<120x16xf32, #tpu.memory_space<vmem>> -> memref<120x16xf32, #tpu.memory_space<vmem>>
      %dma_wait3A_182 = arith.constant 0 : i32
      %dma_wait3A_183 = tpu.memref_slice %arg17[%add3A_106, %dma_wait3A_182] : memref<10000x16xf32, #tpu.memory_space<vmem_shared>> -> memref<120x16xf32, #tpu.memory_space<vmem_shared>>
      %dma_wait3A_184 = arith.constant 0 : i32
      %dma_wait3A_185 = tpu.memref_slice %arg17[%add3A_106, %dma_wait3A_184] : memref<10000x16xf32, #tpu.memory_space<vmem_shared>> -> memref<120x16xf32, #tpu.memory_space<vmem_shared>>
      %dma_wait3A_186 = arith.constant 0 : i32
      %dma_wait3A_187 = arith.constant 0 : i32
      %dma_wait3A_188 = tpu.memref_slice %arg19[%dma_wait3A_186, %dma_wait3A_187] : memref<120x16xf32, #tpu.memory_space<vmem>> -> memref<120x16xf32, #tpu.memory_space<vmem>>
      tpu.wait_dma2 semaphore(%run_scoped3A : memref<!tpu.dma_semaphore, #tpu.memory_space<semaphore_mem>>) src(%dma_wait3A_188 : memref<120x16xf32, #tpu.memory_space<vmem>>) dst(%dma_wait3A_185 : memref<120x16xf32, #tpu.memory_space<vmem_shared>>)
      tpu.yield
    }) : () -> ()
    %add3A_107 = arith.constant 480 : i32
    %add3A_108 = arith.addi %multiple_of3A, %add3A_107 : i32
    "tpu.region"() ({
      %run_scoped3A = tpu.sem_alloc : memref<!tpu.dma_semaphore, #tpu.memory_space<semaphore_mem>>
      %dma_start3A_169 = arith.constant 0 : i32
      %dma_start3A_170 = arith.constant 0 : i32
      %dma_start3A_171 = tpu.memref_slice %arg19[%dma_start3A_169, %dma_start3A_170] : memref<120x16xf32, #tpu.memory_space<vmem>> -> memref<120x16xf32, #tpu.memory_space<vmem>>
      %dma_start3A_172 = arith.constant 0 : i32
      %dma_start3A_173 = tpu.memref_slice %arg17[%add3A_108, %dma_start3A_172] : memref<10000x16xf32, #tpu.memory_space<vmem_shared>> -> memref<120x16xf32, #tpu.memory_space<vmem_shared>>
      %dma_start3A_174 = arith.constant 0 : i32
      %dma_start3A_175 = tpu.memref_slice %arg17[%add3A_108, %dma_start3A_174] : memref<10000x16xf32, #tpu.memory_space<vmem_shared>> -> memref<120x16xf32, #tpu.memory_space<vmem_shared>>
      %dma_start3A_176 = arith.constant 0 : i32
      %dma_start3A_177 = arith.constant 0 : i32
      %dma_start3A_178 = tpu.memref_slice %arg19[%dma_start3A_176, %dma_start3A_177] : memref<120x16xf32, #tpu.memory_space<vmem>> -> memref<120x16xf32, #tpu.memory_space<vmem>>
      tpu.enqueue_dma source(%dma_start3A_178 : memref<120x16xf32, #tpu.memory_space<vmem>>) target(%dma_start3A_175 : memref<120x16xf32, #tpu.memory_space<vmem_shared>>) target_semaphore(%run_scoped3A : memref<!tpu.dma_semaphore, #tpu.memory_space<semaphore_mem>>)
      %dma_wait3A_179 = arith.constant 0 : i32
      %dma_wait3A_180 = arith.constant 0 : i32
      %dma_wait3A_181 = tpu.memref_slice %arg19[%dma_wait3A_179, %dma_wait3A_180] : memref<120x16xf32, #tpu.memory_space<vmem>> -> memref<120x16xf32, #tpu.memory_space<vmem>>
      %dma_wait3A_182 = arith.constant 0 : i32
      %dma_wait3A_183 = tpu.memref_slice %arg17[%add3A_108, %dma_wait3A_182] : memref<10000x16xf32, #tpu.memory_space<vmem_shared>> -> memref<120x16xf32, #tpu.memory_space<vmem_shared>>
      %dma_wait3A_184 = arith.constant 0 : i32
      %dma_wait3A_185 = tpu.memref_slice %arg17[%add3A_108, %dma_wait3A_184] : memref<10000x16xf32, #tpu.memory_space<vmem_shared>> -> memref<120x16xf32, #tpu.memory_space<vmem_shared>>
      %dma_wait3A_186 = arith.constant 0 : i32
      %dma_wait3A_187 = arith.constant 0 : i32
      %dma_wait3A_188 = tpu.memref_slice %arg19[%dma_wait3A_186, %dma_wait3A_187] : memref<120x16xf32, #tpu.memory_space<vmem>> -> memref<120x16xf32, #tpu.memory_space<vmem>>
      tpu.wait_dma2 semaphore(%run_scoped3A : memref<!tpu.dma_semaphore, #tpu.memory_space<semaphore_mem>>) src(%dma_wait3A_188 : memref<120x16xf32, #tpu.memory_space<vmem>>) dst(%dma_wait3A_185 : memref<120x16xf32, #tpu.memory_space<vmem_shared>>)
      tpu.yield
    }) : () -> ()
    %add3A_109 = arith.constant 600 : i32
    %add3A_110 = arith.addi %multiple_of3A, %add3A_109 : i32
    "tpu.region"() ({
      %run_scoped3A = tpu.sem_alloc : memref<!tpu.dma_semaphore, #tpu.memory_space<semaphore_mem>>
      %dma_start3A_169 = arith.constant 0 : i32
      %dma_start3A_170 = arith.constant 0 : i32
      %dma_start3A_171 = tpu.memref_slice %arg19[%dma_start3A_169, %dma_start3A_170] : memref<120x16xf32, #tpu.memory_space<vmem>> -> memref<32x16xf32, #tpu.memory_space<vmem>>
      %dma_start3A_172 = arith.constant 0 : i32
      %dma_start3A_173 = tpu.memref_slice %arg17[%add3A_110, %dma_start3A_172] : memref<10000x16xf32, #tpu.memory_space<vmem_shared>> -> memref<32x16xf32, #tpu.memory_space<vmem_shared>>
      %dma_start3A_174 = arith.constant 0 : i32
      %dma_start3A_175 = tpu.memref_slice %arg17[%add3A_110, %dma_start3A_174] : memref<10000x16xf32, #tpu.memory_space<vmem_shared>> -> memref<32x16xf32, #tpu.memory_space<vmem_shared>>
      %dma_start3A_176 = arith.constant 0 : i32
      %dma_start3A_177 = arith.constant 0 : i32
      %dma_start3A_178 = tpu.memref_slice %arg19[%dma_start3A_176, %dma_start3A_177] : memref<120x16xf32, #tpu.memory_space<vmem>> -> memref<32x16xf32, #tpu.memory_space<vmem>>
      tpu.enqueue_dma source(%dma_start3A_178 : memref<32x16xf32, #tpu.memory_space<vmem>>) target(%dma_start3A_175 : memref<32x16xf32, #tpu.memory_space<vmem_shared>>) target_semaphore(%run_scoped3A : memref<!tpu.dma_semaphore, #tpu.memory_space<semaphore_mem>>)
      %dma_wait3A_179 = arith.constant 0 : i32
      %dma_wait3A_180 = arith.constant 0 : i32
      %dma_wait3A_181 = tpu.memref_slice %arg19[%dma_wait3A_179, %dma_wait3A_180] : memref<120x16xf32, #tpu.memory_space<vmem>> -> memref<32x16xf32, #tpu.memory_space<vmem>>
      %dma_wait3A_182 = arith.constant 0 : i32
      %dma_wait3A_183 = tpu.memref_slice %arg17[%add3A_110, %dma_wait3A_182] : memref<10000x16xf32, #tpu.memory_space<vmem_shared>> -> memref<32x16xf32, #tpu.memory_space<vmem_shared>>
      %dma_wait3A_184 = arith.constant 0 : i32
      %dma_wait3A_185 = tpu.memref_slice %arg17[%add3A_110, %dma_wait3A_184] : memref<10000x16xf32, #tpu.memory_space<vmem_shared>> -> memref<32x16xf32, #tpu.memory_space<vmem_shared>>
      %dma_wait3A_186 = arith.constant 0 : i32
      %dma_wait3A_187 = arith.constant 0 : i32
      %dma_wait3A_188 = tpu.memref_slice %arg19[%dma_wait3A_186, %dma_wait3A_187] : memref<120x16xf32, #tpu.memory_space<vmem>> -> memref<32x16xf32, #tpu.memory_space<vmem>>
      tpu.wait_dma2 semaphore(%run_scoped3A : memref<!tpu.dma_semaphore, #tpu.memory_space<semaphore_mem>>) src(%dma_wait3A_188 : memref<32x16xf32, #tpu.memory_space<vmem>>) dst(%dma_wait3A_185 : memref<32x16xf32, #tpu.memory_space<vmem_shared>>)
      tpu.yield
    }) : () -> ()
    %barrier3A = arith.constant 0 : index
    tpu.barrier barrier_id(%barrier3A)
    %dma_wait3A = arith.constant 0 : i32
    %dma_wait3A_111 = arith.constant 0 : i32
    %dma_wait3A_112 = arith.constant 0 : i32
    %dma_wait3A_113 = arith.constant 0 : i32
    %dma_wait3A_114 = tpu.memref_slice %arg8[%dma_wait3A_111, %dma_wait3A_112, %dma_wait3A_113] : memref<4x2x125xi32, #tpu.memory_space<vmem>> -> memref<1x2x125xi32, #tpu.memory_space<vmem>>
    %dma_wait3A_115 = tpu.memref_squeeze %dma_wait3A_114 : memref<1x2x125xi32, #tpu.memory_space<vmem>> -> memref<2x125xi32, #tpu.memory_space<vmem>>
    %dma_wait3A_116 = arith.constant 0 : i32
    %dma_wait3A_117 = arith.constant 0 : i32
    %dma_wait3A_118 = tpu.memref_slice %arg3[%add3A, %dma_wait3A, %dma_wait3A_116, %dma_wait3A_117] : memref<32x80x2x125xi32, #tpu.memory_space<hbm>> -> memref<1x1x2x125xi32, #tpu.memory_space<hbm>>
    %dma_wait3A_119 = tpu.memref_squeeze %dma_wait3A_118 : memref<1x1x2x125xi32, #tpu.memory_space<hbm>> -> memref<2x125xi32, #tpu.memory_space<hbm>>
    %dma_wait3A_120 = arith.constant 0 : i32
    %dma_wait3A_121 = arith.constant 0 : i32
    %dma_wait3A_122 = tpu.memref_slice %arg8[%dma_wait3A_111, %dma_wait3A_120, %dma_wait3A_121] : memref<4x2x125xi32, #tpu.memory_space<vmem>> -> memref<1x2x125xi32, #tpu.memory_space<vmem>>
    %dma_wait3A_123 = tpu.memref_squeeze %dma_wait3A_122 : memref<1x2x125xi32, #tpu.memory_space<vmem>> -> memref<2x125xi32, #tpu.memory_space<vmem>>
    %dma_wait3A_124 = arith.constant 0 : i32
    %dma_wait3A_125 = arith.constant 0 : i32
    %dma_wait3A_126 = tpu.memref_slice %arg3[%add3A, %dma_wait3A, %dma_wait3A_124, %dma_wait3A_125] : memref<32x80x2x125xi32, #tpu.memory_space<hbm>> -> memref<1x1x2x125xi32, #tpu.memory_space<hbm>>
    %dma_wait3A_127 = tpu.memref_squeeze %dma_wait3A_126 : memref<1x1x2x125xi32, #tpu.memory_space<hbm>> -> memref<2x125xi32, #tpu.memory_space<hbm>>
    tpu.wait_dma2 semaphore(%arg13 : memref<!tpu.dma_semaphore, #tpu.memory_space<semaphore_mem>>) src(%dma_wait3A_127 : memref<2x125xi32, #tpu.memory_space<hbm>>) dst(%dma_wait3A_123 : memref<2x125xi32, #tpu.memory_space<vmem>>)
    %dma_start3A_128 = arith.constant 0 : i32
    %dma_start3A_129 = arith.constant 0 : i32
    %dma_start3A_130 = arith.constant 0 : i32
    %dma_start3A_131 = tpu.memref_slice %arg8[%dma_start3A_128, %dma_start3A_129, %dma_start3A_130] : memref<4x2x125xi32, #tpu.memory_space<vmem>> -> memref<1x1x125xi32, #tpu.memory_space<vmem>>
    %dma_start3A_132 = tpu.memref_squeeze %dma_start3A_131 : memref<1x1x125xi32, #tpu.memory_space<vmem>> -> memref<125xi32, #tpu.memory_space<vmem>>
    %dma_start3A_133 = arith.constant 0 : i32
    %dma_start3A_134 = arith.constant 0 : i32
    %dma_start3A_135 = tpu.memref_slice %arg2[%dma_start3A_133, %dma_start3A_134] : memref<10000x128xf32, #tpu.memory_space<hbm>> -> memref<10000x128xf32, #tpu.memory_space<hbm>>
    tpu.enqueue_indirect_dma source(%dma_start3A_135 : memref<10000x128xf32, #tpu.memory_space<hbm>>) target(%arg9 : memref<125x128xf32, #tpu.memory_space<vmem>>) offsets(%dma_start3A_132 : memref<125xi32, #tpu.memory_space<vmem>>) semaphore(%arg11 : memref<!tpu.dma_semaphore, #tpu.memory_space<semaphore_mem>>)
    %dma_wait3A_136 = arith.constant 1 : i32
    %dma_wait3A_137 = arith.constant 1 : i32
    %dma_wait3A_138 = arith.constant 0 : i32
    %dma_wait3A_139 = arith.constant 0 : i32
    %dma_wait3A_140 = tpu.memref_slice %arg8[%dma_wait3A_137, %dma_wait3A_138, %dma_wait3A_139] : memref<4x2x125xi32, #tpu.memory_space<vmem>> -> memref<1x2x125xi32, #tpu.memory_space<vmem>>
    %dma_wait3A_141 = tpu.memref_squeeze %dma_wait3A_140 : memref<1x2x125xi32, #tpu.memory_space<vmem>> -> memref<2x125xi32, #tpu.memory_space<vmem>>
    %dma_wait3A_142 = arith.constant 0 : i32
    %dma_wait3A_143 = arith.constant 0 : i32
    %dma_wait3A_144 = tpu.memref_slice %arg3[%add3A, %dma_wait3A_136, %dma_wait3A_142, %dma_wait3A_143] : memref<32x80x2x125xi32, #tpu.memory_space<hbm>> -> memref<1x1x2x125xi32, #tpu.memory_space<hbm>>
    %dma_wait3A_145 = tpu.memref_squeeze %dma_wait3A_144 : memref<1x1x2x125xi32, #tpu.memory_space<hbm>> -> memref<2x125xi32, #tpu.memory_space<hbm>>
    %dma_wait3A_146 = arith.constant 0 : i32
    %dma_wait3A_147 = arith.constant 0 : i32
    %dma_wait3A_148 = tpu.memref_slice %arg8[%dma_wait3A_137, %dma_wait3A_146, %dma_wait3A_147] : memref<4x2x125xi32, #tpu.memory_space<vmem>> -> memref<1x2x125xi32, #tpu.memory_space<vmem>>
    %dma_wait3A_149 = tpu.memref_squeeze %dma_wait3A_148 : memref<1x2x125xi32, #tpu.memory_space<vmem>> -> memref<2x125xi32, #tpu.memory_space<vmem>>
    %dma_wait3A_150 = arith.constant 0 : i32
    %dma_wait3A_151 = arith.constant 0 : i32
    %dma_wait3A_152 = tpu.memref_slice %arg3[%add3A, %dma_wait3A_136, %dma_wait3A_150, %dma_wait3A_151] : memref<32x80x2x125xi32, #tpu.memory_space<hbm>> -> memref<1x1x2x125xi32, #tpu.memory_space<hbm>>
    %dma_wait3A_153 = tpu.memref_squeeze %dma_wait3A_152 : memref<1x1x2x125xi32, #tpu.memory_space<hbm>> -> memref<2x125xi32, #tpu.memory_space<hbm>>
    tpu.wait_dma2 semaphore(%arg14 : memref<!tpu.dma_semaphore, #tpu.memory_space<semaphore_mem>>) src(%dma_wait3A_153 : memref<2x125xi32, #tpu.memory_space<hbm>>) dst(%dma_wait3A_149 : memref<2x125xi32, #tpu.memory_space<vmem>>)
    %dma_start3A_154 = arith.constant 1 : i32
    %dma_start3A_155 = arith.constant 0 : i32
    %dma_start3A_156 = arith.constant 0 : i32
    %dma_start3A_157 = tpu.memref_slice %arg8[%dma_start3A_154, %dma_start3A_155, %dma_start3A_156] : memref<4x2x125xi32, #tpu.memory_space<vmem>> -> memref<1x1x125xi32, #tpu.memory_space<vmem>>
    %dma_start3A_158 = tpu.memref_squeeze %dma_start3A_157 : memref<1x1x125xi32, #tpu.memory_space<vmem>> -> memref<125xi32, #tpu.memory_space<vmem>>
    %dma_start3A_159 = arith.constant 0 : i32
    %dma_start3A_160 = arith.constant 0 : i32
    %dma_start3A_161 = tpu.memref_slice %arg2[%dma_start3A_159, %dma_start3A_160] : memref<10000x128xf32, #tpu.memory_space<hbm>> -> memref<10000x128xf32, #tpu.memory_space<hbm>>
    tpu.enqueue_indirect_dma source(%dma_start3A_161 : memref<10000x128xf32, #tpu.memory_space<hbm>>) target(%arg10 : memref<125x128xf32, #tpu.memory_space<vmem>>) offsets(%dma_start3A_158 : memref<125xi32, #tpu.memory_space<vmem>>) semaphore(%arg12 : memref<!tpu.dma_semaphore, #tpu.memory_space<semaphore_mem>>)
    %scan3A_162 = arith.constant 0 : i32
    %scan3A_163 = arith.constant 0 : i32
    %scan3A_164 = arith.constant 20 : i32
    %scan3A_165 = arith.addi %scan3A_163, %scan3A_164 : i32
    %scan3A_166 = arith.constant 1 : i32
    scf.for %scan3A_169 = %scan3A_163 to %scan3A_165 step %scan3A_166  : i32 {
      %mul3A_170 = arith.constant 4 : i32
      %mul3A_171 = arith.muli %mul3A_170, %scan3A_169 : i32
      %add3A_172 = arith.constant 0 : i32
      %add3A_173 = arith.addi %mul3A_171, %add3A_172 : i32
      %dma_wait3A_174 = arith.constant 0 : i32
      %dma_wait3A_175 = arith.constant 0 : i32
      %dma_wait3A_176 = arith.constant 0 : i32
      %dma_wait3A_177 = tpu.memref_slice %arg8[%dma_wait3A_174, %dma_wait3A_175, %dma_wait3A_176] : memref<4x2x125xi32, #tpu.memory_space<vmem>> -> memref<1x1x125xi32, #tpu.memory_space<vmem>>
      %dma_wait3A_178 = tpu.memref_squeeze %dma_wait3A_177 : memref<1x1x125xi32, #tpu.memory_space<vmem>> -> memref<125xi32, #tpu.memory_space<vmem>>
      %dma_wait3A_179 = arith.constant 0 : i32
      %dma_wait3A_180 = arith.constant 0 : i32
      %dma_wait3A_181 = tpu.memref_slice %arg2[%dma_wait3A_179, %dma_wait3A_180] : memref<10000x128xf32, #tpu.memory_space<hbm>> -> memref<10000x128xf32, #tpu.memory_space<hbm>>
      tpu.wait_indirect_dma semaphore(%arg11 : memref<!tpu.dma_semaphore, #tpu.memory_space<semaphore_mem>>) src(%dma_wait3A_181 : memref<10000x128xf32, #tpu.memory_space<hbm>>) dst(%arg9 : memref<125x128xf32, #tpu.memory_space<vmem>>)
      %run_scoped3A = arith.constant 0 : i32
      %run_scoped3A_182 = arith.constant 1 : i32
      "tpu.region"() ({
        %run_scoped3A_280 = tpu.sem_alloc : memref<!tpu.dma_semaphore, #tpu.memory_space<semaphore_mem>>
        %dma_start3A_281 = arith.constant 0 : i32
        %dma_start3A_282 = tpu.memref_slice %arg8[%run_scoped3A, %run_scoped3A_182, %dma_start3A_281] : memref<4x2x125xi32, #tpu.memory_space<vmem>> -> memref<1x1x125xi32, #tpu.memory_space<vmem>>
        %dma_start3A_283 = tpu.memref_squeeze %dma_start3A_282 : memref<1x1x125xi32, #tpu.memory_space<vmem>> -> memref<125xi32, #tpu.memory_space<vmem>>
        %dma_start3A_284 = arith.constant 0 : i32
        %dma_start3A_285 = arith.constant 0 : i32
        %dma_start3A_286 = tpu.memref_slice %arg7[%dma_start3A_284, %dma_start3A_285] : memref<10000x128xf32, #tpu.memory_space<vmem_shared>> -> memref<10000x128xf32, #tpu.memory_space<vmem_shared>>
        tpu.enqueue_indirect_dma source(%arg9 : memref<125x128xf32, #tpu.memory_space<vmem>>) target(%dma_start3A_286 : memref<10000x128xf32, #tpu.memory_space<vmem_shared>>) offsets(%dma_start3A_283 : memref<125xi32, #tpu.memory_space<vmem>>) semaphore(%run_scoped3A_280 : memref<!tpu.dma_semaphore, #tpu.memory_space<semaphore_mem>>) {add = true}
        %dma_wait3A_287 = arith.constant 0 : i32
        %dma_wait3A_288 = tpu.memref_slice %arg8[%run_scoped3A, %run_scoped3A_182, %dma_wait3A_287] : memref<4x2x125xi32, #tpu.memory_space<vmem>> -> memref<1x1x125xi32, #tpu.memory_space<vmem>>
        %dma_wait3A_289 = tpu.memref_squeeze %dma_wait3A_288 : memref<1x1x125xi32, #tpu.memory_space<vmem>> -> memref<125xi32, #tpu.memory_space<vmem>>
        %dma_wait3A_290 = arith.constant 0 : i32
        %dma_wait3A_291 = arith.constant 0 : i32
        %dma_wait3A_292 = tpu.memref_slice %arg7[%dma_wait3A_290, %dma_wait3A_291] : memref<10000x128xf32, #tpu.memory_space<vmem_shared>> -> memref<10000x128xf32, #tpu.memory_space<vmem_shared>>
        tpu.wait_indirect_dma semaphore(%run_scoped3A_280 : memref<!tpu.dma_semaphore, #tpu.memory_space<semaphore_mem>>) src(%arg9 : memref<125x128xf32, #tpu.memory_space<vmem>>) dst(%dma_wait3A_292 : memref<10000x128xf32, #tpu.memory_space<vmem_shared>>)
        tpu.yield
      }) : () -> ()
      %run_scoped3A_183 = arith.constant 0 : i32
      %run_scoped3A_184 = arith.constant 1 : i32
      "tpu.region"() ({
        %run_scoped3A_280 = tpu.sem_alloc : memref<!tpu.dma_semaphore, #tpu.memory_space<semaphore_mem>>
        %dma_start3A_281 = arith.constant 0 : i32
        %dma_start3A_282 = tpu.memref_slice %arg8[%run_scoped3A_183, %run_scoped3A_184, %dma_start3A_281] : memref<4x2x125xi32, #tpu.memory_space<vmem>> -> memref<1x1x125xi32, #tpu.memory_space<vmem>>
        %dma_start3A_283 = tpu.memref_squeeze %dma_start3A_282 : memref<1x1x125xi32, #tpu.memory_space<vmem>> -> memref<125xi32, #tpu.memory_space<vmem>>
        %dma_start3A_284 = arith.constant 0 : i32
        %dma_start3A_285 = arith.constant 0 : i32
        %dma_start3A_286 = tpu.memref_slice %arg17[%dma_start3A_284, %dma_start3A_285] : memref<10000x16xf32, #tpu.memory_space<vmem_shared>> -> memref<10000x16xf32, #tpu.memory_space<vmem_shared>>
        tpu.enqueue_indirect_dma source(%arg18 : memref<125x16xf32, #tpu.memory_space<vmem>>) target(%dma_start3A_286 : memref<10000x16xf32, #tpu.memory_space<vmem_shared>>) offsets(%dma_start3A_283 : memref<125xi32, #tpu.memory_space<vmem>>) semaphore(%run_scoped3A_280 : memref<!tpu.dma_semaphore, #tpu.memory_space<semaphore_mem>>) {add = true}
        %dma_wait3A_287 = arith.constant 0 : i32
        %dma_wait3A_288 = tpu.memref_slice %arg8[%run_scoped3A_183, %run_scoped3A_184, %dma_wait3A_287] : memref<4x2x125xi32, #tpu.memory_space<vmem>> -> memref<1x1x125xi32, #tpu.memory_space<vmem>>
        %dma_wait3A_289 = tpu.memref_squeeze %dma_wait3A_288 : memref<1x1x125xi32, #tpu.memory_space<vmem>> -> memref<125xi32, #tpu.memory_space<vmem>>
        %dma_wait3A_290 = arith.constant 0 : i32
        %dma_wait3A_291 = arith.constant 0 : i32
        %dma_wait3A_292 = tpu.memref_slice %arg17[%dma_wait3A_290, %dma_wait3A_291] : memref<10000x16xf32, #tpu.memory_space<vmem_shared>> -> memref<10000x16xf32, #tpu.memory_space<vmem_shared>>
        tpu.wait_indirect_dma semaphore(%run_scoped3A_280 : memref<!tpu.dma_semaphore, #tpu.memory_space<semaphore_mem>>) src(%arg18 : memref<125x16xf32, #tpu.memory_space<vmem>>) dst(%dma_wait3A_292 : memref<10000x16xf32, #tpu.memory_space<vmem_shared>>)
        tpu.yield
      }) : () -> ()
      %add3A_185 = arith.constant 4 : i32
      %add3A_186 = arith.addi %add3A_173, %add3A_185 : i32
      %lt3A = arith.constant 80 : i32
      %lt3A_187 = arith.cmpi slt, %add3A_186, %lt3A : i32
      %convert_element_type3A = arith.extui %lt3A_187 : i1 to i32
      %cond3A = arith.constant 0 : i32
      %cond3A_188 = arith.cmpi ne, %convert_element_type3A, %cond3A : i32
      scf.if %cond3A_188 {
        %add3A_280 = arith.constant 4 : i32
        %add3A_281 = arith.addi %add3A_173, %add3A_280 : i32
        %dma_start3A_282 = arith.constant 0 : i32
        %dma_start3A_283 = arith.constant 0 : i32
        %dma_start3A_284 = arith.constant 0 : i32
        %dma_start3A_285 = tpu.memref_slice %arg8[%dma_start3A_282, %dma_start3A_283, %dma_start3A_284] : memref<4x2x125xi32, #tpu.memory_space<vmem>> -> memref<1x2x125xi32, #tpu.memory_space<vmem>>
        %dma_start3A_286 = tpu.memref_squeeze %dma_start3A_285 : memref<1x2x125xi32, #tpu.memory_space<vmem>> -> memref<2x125xi32, #tpu.memory_space<vmem>>
        %dma_start3A_287 = arith.constant 0 : i32
        %dma_start3A_288 = arith.constant 0 : i32
        %dma_start3A_289 = tpu.memref_slice %arg3[%add3A, %add3A_281, %dma_start3A_287, %dma_start3A_288] : memref<32x80x2x125xi32, #tpu.memory_space<hbm>> -> memref<1x1x2x125xi32, #tpu.memory_space<hbm>>
        %dma_start3A_290 = tpu.memref_squeeze %dma_start3A_289 : memref<1x1x2x125xi32, #tpu.memory_space<hbm>> -> memref<2x125xi32, #tpu.memory_space<hbm>>
        %dma_start3A_291 = arith.constant 0 : i32
        %dma_start3A_292 = arith.constant 0 : i32
        %dma_start3A_293 = tpu.memref_slice %arg8[%dma_start3A_282, %dma_start3A_291, %dma_start3A_292] : memref<4x2x125xi32, #tpu.memory_space<vmem>> -> memref<1x2x125xi32, #tpu.memory_space<vmem>>
        %dma_start3A_294 = tpu.memref_squeeze %dma_start3A_293 : memref<1x2x125xi32, #tpu.memory_space<vmem>> -> memref<2x125xi32, #tpu.memory_space<vmem>>
        %dma_start3A_295 = arith.constant 0 : i32
        %dma_start3A_296 = arith.constant 0 : i32
        %dma_start3A_297 = tpu.memref_slice %arg3[%add3A, %add3A_281, %dma_start3A_295, %dma_start3A_296] : memref<32x80x2x125xi32, #tpu.memory_space<hbm>> -> memref<1x1x2x125xi32, #tpu.memory_space<hbm>>
        %dma_start3A_298 = tpu.memref_squeeze %dma_start3A_297 : memref<1x1x2x125xi32, #tpu.memory_space<hbm>> -> memref<2x125xi32, #tpu.memory_space<hbm>>
        tpu.enqueue_dma source(%dma_start3A_298 : memref<2x125xi32, #tpu.memory_space<hbm>>) target(%dma_start3A_294 : memref<2x125xi32, #tpu.memory_space<vmem>>) target_semaphore(%arg13 : memref<!tpu.dma_semaphore, #tpu.memory_space<semaphore_mem>>)
      } else {
      }
      %add3A_189 = arith.constant 2 : i32
      %add3A_190 = arith.addi %add3A_173, %add3A_189 : i32
      %lt3A_191 = arith.constant 80 : i32
      %lt3A_192 = arith.cmpi slt, %add3A_190, %lt3A_191 : i32
      %convert_element_type3A_193 = arith.extui %lt3A_192 : i1 to i32
      %cond3A_194 = arith.constant 0 : i32
      %cond3A_195 = arith.cmpi ne, %convert_element_type3A_193, %cond3A_194 : i32
      scf.if %cond3A_195 {
        %add3A_280 = arith.constant 2 : i32
        %add3A_281 = arith.addi %add3A_173, %add3A_280 : i32
        %dma_wait3A_282 = arith.constant 2 : i32
        %dma_wait3A_283 = arith.constant 0 : i32
        %dma_wait3A_284 = arith.constant 0 : i32
        %dma_wait3A_285 = tpu.memref_slice %arg8[%dma_wait3A_282, %dma_wait3A_283, %dma_wait3A_284] : memref<4x2x125xi32, #tpu.memory_space<vmem>> -> memref<1x2x125xi32, #tpu.memory_space<vmem>>
        %dma_wait3A_286 = tpu.memref_squeeze %dma_wait3A_285 : memref<1x2x125xi32, #tpu.memory_space<vmem>> -> memref<2x125xi32, #tpu.memory_space<vmem>>
        %dma_wait3A_287 = arith.constant 0 : i32
        %dma_wait3A_288 = arith.constant 0 : i32
        %dma_wait3A_289 = tpu.memref_slice %arg3[%add3A, %add3A_281, %dma_wait3A_287, %dma_wait3A_288] : memref<32x80x2x125xi32, #tpu.memory_space<hbm>> -> memref<1x1x2x125xi32, #tpu.memory_space<hbm>>
        %dma_wait3A_290 = tpu.memref_squeeze %dma_wait3A_289 : memref<1x1x2x125xi32, #tpu.memory_space<hbm>> -> memref<2x125xi32, #tpu.memory_space<hbm>>
        %dma_wait3A_291 = arith.constant 0 : i32
        %dma_wait3A_292 = arith.constant 0 : i32
        %dma_wait3A_293 = tpu.memref_slice %arg8[%dma_wait3A_282, %dma_wait3A_291, %dma_wait3A_292] : memref<4x2x125xi32, #tpu.memory_space<vmem>> -> memref<1x2x125xi32, #tpu.memory_space<vmem>>
        %dma_wait3A_294 = tpu.memref_squeeze %dma_wait3A_293 : memref<1x2x125xi32, #tpu.memory_space<vmem>> -> memref<2x125xi32, #tpu.memory_space<vmem>>
        %dma_wait3A_295 = arith.constant 0 : i32
        %dma_wait3A_296 = arith.constant 0 : i32
        %dma_wait3A_297 = tpu.memref_slice %arg3[%add3A, %add3A_281, %dma_wait3A_295, %dma_wait3A_296] : memref<32x80x2x125xi32, #tpu.memory_space<hbm>> -> memref<1x1x2x125xi32, #tpu.memory_space<hbm>>
        %dma_wait3A_298 = tpu.memref_squeeze %dma_wait3A_297 : memref<1x1x2x125xi32, #tpu.memory_space<hbm>> -> memref<2x125xi32, #tpu.memory_space<hbm>>
        tpu.wait_dma2 semaphore(%arg15 : memref<!tpu.dma_semaphore, #tpu.memory_space<semaphore_mem>>) src(%dma_wait3A_298 : memref<2x125xi32, #tpu.memory_space<hbm>>) dst(%dma_wait3A_294 : memref<2x125xi32, #tpu.memory_space<vmem>>)
        %dma_start3A_299 = arith.constant 2 : i32
        %dma_start3A_300 = arith.constant 0 : i32
        %dma_start3A_301 = arith.constant 0 : i32
        %dma_start3A_302 = tpu.memref_slice %arg8[%dma_start3A_299, %dma_start3A_300, %dma_start3A_301] : memref<4x2x125xi32, #tpu.memory_space<vmem>> -> memref<1x1x125xi32, #tpu.memory_space<vmem>>
        %dma_start3A_303 = tpu.memref_squeeze %dma_start3A_302 : memref<1x1x125xi32, #tpu.memory_space<vmem>> -> memref<125xi32, #tpu.memory_space<vmem>>
        %dma_start3A_304 = arith.constant 0 : i32
        %dma_start3A_305 = arith.constant 0 : i32
        %dma_start3A_306 = tpu.memref_slice %arg2[%dma_start3A_304, %dma_start3A_305] : memref<10000x128xf32, #tpu.memory_space<hbm>> -> memref<10000x128xf32, #tpu.memory_space<hbm>>
        tpu.enqueue_indirect_dma source(%dma_start3A_306 : memref<10000x128xf32, #tpu.memory_space<hbm>>) target(%arg9 : memref<125x128xf32, #tpu.memory_space<vmem>>) offsets(%dma_start3A_303 : memref<125xi32, #tpu.memory_space<vmem>>) semaphore(%arg11 : memref<!tpu.dma_semaphore, #tpu.memory_space<semaphore_mem>>)
      } else {
      }
      %add3A_196 = arith.constant 1 : i32
      %add3A_197 = arith.addi %mul3A_171, %add3A_196 : i32
      %dma_wait3A_198 = arith.constant 1 : i32
      %dma_wait3A_199 = arith.constant 0 : i32
      %dma_wait3A_200 = arith.constant 0 : i32
      %dma_wait3A_201 = tpu.memref_slice %arg8[%dma_wait3A_198, %dma_wait3A_199, %dma_wait3A_200] : memref<4x2x125xi32, #tpu.memory_space<vmem>> -> memref<1x1x125xi32, #tpu.memory_space<vmem>>
      %dma_wait3A_202 = tpu.memref_squeeze %dma_wait3A_201 : memref<1x1x125xi32, #tpu.memory_space<vmem>> -> memref<125xi32, #tpu.memory_space<vmem>>
      %dma_wait3A_203 = arith.constant 0 : i32
      %dma_wait3A_204 = arith.constant 0 : i32
      %dma_wait3A_205 = tpu.memref_slice %arg2[%dma_wait3A_203, %dma_wait3A_204] : memref<10000x128xf32, #tpu.memory_space<hbm>> -> memref<10000x128xf32, #tpu.memory_space<hbm>>
      tpu.wait_indirect_dma semaphore(%arg12 : memref<!tpu.dma_semaphore, #tpu.memory_space<semaphore_mem>>) src(%dma_wait3A_205 : memref<10000x128xf32, #tpu.memory_space<hbm>>) dst(%arg10 : memref<125x128xf32, #tpu.memory_space<vmem>>)
      %run_scoped3A_206 = arith.constant 1 : i32
      %run_scoped3A_207 = arith.constant 1 : i32
      "tpu.region"() ({
        %run_scoped3A_280 = tpu.sem_alloc : memref<!tpu.dma_semaphore, #tpu.memory_space<semaphore_mem>>
        %dma_start3A_281 = arith.constant 0 : i32
        %dma_start3A_282 = tpu.memref_slice %arg8[%run_scoped3A_206, %run_scoped3A_207, %dma_start3A_281] : memref<4x2x125xi32, #tpu.memory_space<vmem>> -> memref<1x1x125xi32, #tpu.memory_space<vmem>>
        %dma_start3A_283 = tpu.memref_squeeze %dma_start3A_282 : memref<1x1x125xi32, #tpu.memory_space<vmem>> -> memref<125xi32, #tpu.memory_space<vmem>>
        %dma_start3A_284 = arith.constant 0 : i32
        %dma_start3A_285 = arith.constant 0 : i32
        %dma_start3A_286 = tpu.memref_slice %arg7[%dma_start3A_284, %dma_start3A_285] : memref<10000x128xf32, #tpu.memory_space<vmem_shared>> -> memref<10000x128xf32, #tpu.memory_space<vmem_shared>>
        tpu.enqueue_indirect_dma source(%arg10 : memref<125x128xf32, #tpu.memory_space<vmem>>) target(%dma_start3A_286 : memref<10000x128xf32, #tpu.memory_space<vmem_shared>>) offsets(%dma_start3A_283 : memref<125xi32, #tpu.memory_space<vmem>>) semaphore(%run_scoped3A_280 : memref<!tpu.dma_semaphore, #tpu.memory_space<semaphore_mem>>) {add = true}
        %dma_wait3A_287 = arith.constant 0 : i32
        %dma_wait3A_288 = tpu.memref_slice %arg8[%run_scoped3A_206, %run_scoped3A_207, %dma_wait3A_287] : memref<4x2x125xi32, #tpu.memory_space<vmem>> -> memref<1x1x125xi32, #tpu.memory_space<vmem>>
        %dma_wait3A_289 = tpu.memref_squeeze %dma_wait3A_288 : memref<1x1x125xi32, #tpu.memory_space<vmem>> -> memref<125xi32, #tpu.memory_space<vmem>>
        %dma_wait3A_290 = arith.constant 0 : i32
        %dma_wait3A_291 = arith.constant 0 : i32
        %dma_wait3A_292 = tpu.memref_slice %arg7[%dma_wait3A_290, %dma_wait3A_291] : memref<10000x128xf32, #tpu.memory_space<vmem_shared>> -> memref<10000x128xf32, #tpu.memory_space<vmem_shared>>
        tpu.wait_indirect_dma semaphore(%run_scoped3A_280 : memref<!tpu.dma_semaphore, #tpu.memory_space<semaphore_mem>>) src(%arg10 : memref<125x128xf32, #tpu.memory_space<vmem>>) dst(%dma_wait3A_292 : memref<10000x128xf32, #tpu.memory_space<vmem_shared>>)
        tpu.yield
      }) : () -> ()
      %run_scoped3A_208 = arith.constant 1 : i32
      %run_scoped3A_209 = arith.constant 1 : i32
      "tpu.region"() ({
        %run_scoped3A_280 = tpu.sem_alloc : memref<!tpu.dma_semaphore, #tpu.memory_space<semaphore_mem>>
        %dma_start3A_281 = arith.constant 0 : i32
        %dma_start3A_282 = tpu.memref_slice %arg8[%run_scoped3A_208, %run_scoped3A_209, %dma_start3A_281] : memref<4x2x125xi32, #tpu.memory_space<vmem>> -> memref<1x1x125xi32, #tpu.memory_space<vmem>>
        %dma_start3A_283 = tpu.memref_squeeze %dma_start3A_282 : memref<1x1x125xi32, #tpu.memory_space<vmem>> -> memref<125xi32, #tpu.memory_space<vmem>>
        %dma_start3A_284 = arith.constant 0 : i32
        %dma_start3A_285 = arith.constant 0 : i32
        %dma_start3A_286 = tpu.memref_slice %arg17[%dma_start3A_284, %dma_start3A_285] : memref<10000x16xf32, #tpu.memory_space<vmem_shared>> -> memref<10000x16xf32, #tpu.memory_space<vmem_shared>>
        tpu.enqueue_indirect_dma source(%arg18 : memref<125x16xf32, #tpu.memory_space<vmem>>) target(%dma_start3A_286 : memref<10000x16xf32, #tpu.memory_space<vmem_shared>>) offsets(%dma_start3A_283 : memref<125xi32, #tpu.memory_space<vmem>>) semaphore(%run_scoped3A_280 : memref<!tpu.dma_semaphore, #tpu.memory_space<semaphore_mem>>) {add = true}
        %dma_wait3A_287 = arith.constant 0 : i32
        %dma_wait3A_288 = tpu.memref_slice %arg8[%run_scoped3A_208, %run_scoped3A_209, %dma_wait3A_287] : memref<4x2x125xi32, #tpu.memory_space<vmem>> -> memref<1x1x125xi32, #tpu.memory_space<vmem>>
        %dma_wait3A_289 = tpu.memref_squeeze %dma_wait3A_288 : memref<1x1x125xi32, #tpu.memory_space<vmem>> -> memref<125xi32, #tpu.memory_space<vmem>>
        %dma_wait3A_290 = arith.constant 0 : i32
        %dma_wait3A_291 = arith.constant 0 : i32
        %dma_wait3A_292 = tpu.memref_slice %arg17[%dma_wait3A_290, %dma_wait3A_291] : memref<10000x16xf32, #tpu.memory_space<vmem_shared>> -> memref<10000x16xf32, #tpu.memory_space<vmem_shared>>
        tpu.wait_indirect_dma semaphore(%run_scoped3A_280 : memref<!tpu.dma_semaphore, #tpu.memory_space<semaphore_mem>>) src(%arg18 : memref<125x16xf32, #tpu.memory_space<vmem>>) dst(%dma_wait3A_292 : memref<10000x16xf32, #tpu.memory_space<vmem_shared>>)
        tpu.yield
      }) : () -> ()
      %add3A_210 = arith.constant 4 : i32
      %add3A_211 = arith.addi %add3A_197, %add3A_210 : i32
      %lt3A_212 = arith.constant 80 : i32
      %lt3A_213 = arith.cmpi slt, %add3A_211, %lt3A_212 : i32
      %convert_element_type3A_214 = arith.extui %lt3A_213 : i1 to i32
      %cond3A_215 = arith.constant 0 : i32
      %cond3A_216 = arith.cmpi ne, %convert_element_type3A_214, %cond3A_215 : i32
      scf.if %cond3A_216 {
        %add3A_280 = arith.constant 4 : i32
        %add3A_281 = arith.addi %add3A_197, %add3A_280 : i32
        %dma_start3A_282 = arith.constant 1 : i32
        %dma_start3A_283 = arith.constant 0 : i32
        %dma_start3A_284 = arith.constant 0 : i32
        %dma_start3A_285 = tpu.memref_slice %arg8[%dma_start3A_282, %dma_start3A_283, %dma_start3A_284] : memref<4x2x125xi32, #tpu.memory_space<vmem>> -> memref<1x2x125xi32, #tpu.memory_space<vmem>>
        %dma_start3A_286 = tpu.memref_squeeze %dma_start3A_285 : memref<1x2x125xi32, #tpu.memory_space<vmem>> -> memref<2x125xi32, #tpu.memory_space<vmem>>
        %dma_start3A_287 = arith.constant 0 : i32
        %dma_start3A_288 = arith.constant 0 : i32
        %dma_start3A_289 = tpu.memref_slice %arg3[%add3A, %add3A_281, %dma_start3A_287, %dma_start3A_288] : memref<32x80x2x125xi32, #tpu.memory_space<hbm>> -> memref<1x1x2x125xi32, #tpu.memory_space<hbm>>
        %dma_start3A_290 = tpu.memref_squeeze %dma_start3A_289 : memref<1x1x2x125xi32, #tpu.memory_space<hbm>> -> memref<2x125xi32, #tpu.memory_space<hbm>>
        %dma_start3A_291 = arith.constant 0 : i32
        %dma_start3A_292 = arith.constant 0 : i32
        %dma_start3A_293 = tpu.memref_slice %arg8[%dma_start3A_282, %dma_start3A_291, %dma_start3A_292] : memref<4x2x125xi32, #tpu.memory_space<vmem>> -> memref<1x2x125xi32, #tpu.memory_space<vmem>>
        %dma_start3A_294 = tpu.memref_squeeze %dma_start3A_293 : memref<1x2x125xi32, #tpu.memory_space<vmem>> -> memref<2x125xi32, #tpu.memory_space<vmem>>
        %dma_start3A_295 = arith.constant 0 : i32
        %dma_start3A_296 = arith.constant 0 : i32
        %dma_start3A_297 = tpu.memref_slice %arg3[%add3A, %add3A_281, %dma_start3A_295, %dma_start3A_296] : memref<32x80x2x125xi32, #tpu.memory_space<hbm>> -> memref<1x1x2x125xi32, #tpu.memory_space<hbm>>
        %dma_start3A_298 = tpu.memref_squeeze %dma_start3A_297 : memref<1x1x2x125xi32, #tpu.memory_space<hbm>> -> memref<2x125xi32, #tpu.memory_space<hbm>>
        tpu.enqueue_dma source(%dma_start3A_298 : memref<2x125xi32, #tpu.memory_space<hbm>>) target(%dma_start3A_294 : memref<2x125xi32, #tpu.memory_space<vmem>>) target_semaphore(%arg14 : memref<!tpu.dma_semaphore, #tpu.memory_space<semaphore_mem>>)
      } else {
      }
      %add3A_217 = arith.constant 2 : i32
      %add3A_218 = arith.addi %add3A_197, %add3A_217 : i32
      %lt3A_219 = arith.constant 80 : i32
      %lt3A_220 = arith.cmpi slt, %add3A_218, %lt3A_219 : i32
      %convert_element_type3A_221 = arith.extui %lt3A_220 : i1 to i32
      %cond3A_222 = arith.constant 0 : i32
      %cond3A_223 = arith.cmpi ne, %convert_element_type3A_221, %cond3A_222 : i32
      scf.if %cond3A_223 {
        %add3A_280 = arith.constant 2 : i32
        %add3A_281 = arith.addi %add3A_197, %add3A_280 : i32
        %dma_wait3A_282 = arith.constant 3 : i32
        %dma_wait3A_283 = arith.constant 0 : i32
        %dma_wait3A_284 = arith.constant 0 : i32
        %dma_wait3A_285 = tpu.memref_slice %arg8[%dma_wait3A_282, %dma_wait3A_283, %dma_wait3A_284] : memref<4x2x125xi32, #tpu.memory_space<vmem>> -> memref<1x2x125xi32, #tpu.memory_space<vmem>>
        %dma_wait3A_286 = tpu.memref_squeeze %dma_wait3A_285 : memref<1x2x125xi32, #tpu.memory_space<vmem>> -> memref<2x125xi32, #tpu.memory_space<vmem>>
        %dma_wait3A_287 = arith.constant 0 : i32
        %dma_wait3A_288 = arith.constant 0 : i32
        %dma_wait3A_289 = tpu.memref_slice %arg3[%add3A, %add3A_281, %dma_wait3A_287, %dma_wait3A_288] : memref<32x80x2x125xi32, #tpu.memory_space<hbm>> -> memref<1x1x2x125xi32, #tpu.memory_space<hbm>>
        %dma_wait3A_290 = tpu.memref_squeeze %dma_wait3A_289 : memref<1x1x2x125xi32, #tpu.memory_space<hbm>> -> memref<2x125xi32, #tpu.memory_space<hbm>>
        %dma_wait3A_291 = arith.constant 0 : i32
        %dma_wait3A_292 = arith.constant 0 : i32
        %dma_wait3A_293 = tpu.memref_slice %arg8[%dma_wait3A_282, %dma_wait3A_291, %dma_wait3A_292] : memref<4x2x125xi32, #tpu.memory_space<vmem>> -> memref<1x2x125xi32, #tpu.memory_space<vmem>>
        %dma_wait3A_294 = tpu.memref_squeeze %dma_wait3A_293 : memref<1x2x125xi32, #tpu.memory_space<vmem>> -> memref<2x125xi32, #tpu.memory_space<vmem>>
        %dma_wait3A_295 = arith.constant 0 : i32
        %dma_wait3A_296 = arith.constant 0 : i32
        %dma_wait3A_297 = tpu.memref_slice %arg3[%add3A, %add3A_281, %dma_wait3A_295, %dma_wait3A_296] : memref<32x80x2x125xi32, #tpu.memory_space<hbm>> -> memref<1x1x2x125xi32, #tpu.memory_space<hbm>>
        %dma_wait3A_298 = tpu.memref_squeeze %dma_wait3A_297 : memref<1x1x2x125xi32, #tpu.memory_space<hbm>> -> memref<2x125xi32, #tpu.memory_space<hbm>>
        tpu.wait_dma2 semaphore(%arg16 : memref<!tpu.dma_semaphore, #tpu.memory_space<semaphore_mem>>) src(%dma_wait3A_298 : memref<2x125xi32, #tpu.memory_space<hbm>>) dst(%dma_wait3A_294 : memref<2x125xi32, #tpu.memory_space<vmem>>)
        %dma_start3A_299 = arith.constant 3 : i32
        %dma_start3A_300 = arith.constant 0 : i32
        %dma_start3A_301 = arith.constant 0 : i32
        %dma_start3A_302 = tpu.memref_slice %arg8[%dma_start3A_299, %dma_start3A_300, %dma_start3A_301] : memref<4x2x125xi32, #tpu.memory_space<vmem>> -> memref<1x1x125xi32, #tpu.memory_space<vmem>>
        %dma_start3A_303 = tpu.memref_squeeze %dma_start3A_302 : memref<1x1x125xi32, #tpu.memory_space<vmem>> -> memref<125xi32, #tpu.memory_space<vmem>>
        %dma_start3A_304 = arith.constant 0 : i32
        %dma_start3A_305 = arith.constant 0 : i32
        %dma_start3A_306 = tpu.memref_slice %arg2[%dma_start3A_304, %dma_start3A_305] : memref<10000x128xf32, #tpu.memory_space<hbm>> -> memref<10000x128xf32, #tpu.memory_space<hbm>>
        tpu.enqueue_indirect_dma source(%dma_start3A_306 : memref<10000x128xf32, #tpu.memory_space<hbm>>) target(%arg10 : memref<125x128xf32, #tpu.memory_space<vmem>>) offsets(%dma_start3A_303 : memref<125xi32, #tpu.memory_space<vmem>>) semaphore(%arg12 : memref<!tpu.dma_semaphore, #tpu.memory_space<semaphore_mem>>)
      } else {
      }
      %add3A_224 = arith.constant 2 : i32
      %add3A_225 = arith.addi %mul3A_171, %add3A_224 : i32
      %dma_wait3A_226 = arith.constant 2 : i32
      %dma_wait3A_227 = arith.constant 0 : i32
      %dma_wait3A_228 = arith.constant 0 : i32
      %dma_wait3A_229 = tpu.memref_slice %arg8[%dma_wait3A_226, %dma_wait3A_227, %dma_wait3A_228] : memref<4x2x125xi32, #tpu.memory_space<vmem>> -> memref<1x1x125xi32, #tpu.memory_space<vmem>>
      %dma_wait3A_230 = tpu.memref_squeeze %dma_wait3A_229 : memref<1x1x125xi32, #tpu.memory_space<vmem>> -> memref<125xi32, #tpu.memory_space<vmem>>
      %dma_wait3A_231 = arith.constant 0 : i32
      %dma_wait3A_232 = arith.constant 0 : i32
      %dma_wait3A_233 = tpu.memref_slice %arg2[%dma_wait3A_231, %dma_wait3A_232] : memref<10000x128xf32, #tpu.memory_space<hbm>> -> memref<10000x128xf32, #tpu.memory_space<hbm>>
      tpu.wait_indirect_dma semaphore(%arg11 : memref<!tpu.dma_semaphore, #tpu.memory_space<semaphore_mem>>) src(%dma_wait3A_233 : memref<10000x128xf32, #tpu.memory_space<hbm>>) dst(%arg9 : memref<125x128xf32, #tpu.memory_space<vmem>>)
      %run_scoped3A_234 = arith.constant 2 : i32
      %run_scoped3A_235 = arith.constant 1 : i32
      "tpu.region"() ({
        %run_scoped3A_280 = tpu.sem_alloc : memref<!tpu.dma_semaphore, #tpu.memory_space<semaphore_mem>>
        %dma_start3A_281 = arith.constant 0 : i32
        %dma_start3A_282 = tpu.memref_slice %arg8[%run_scoped3A_234, %run_scoped3A_235, %dma_start3A_281] : memref<4x2x125xi32, #tpu.memory_space<vmem>> -> memref<1x1x125xi32, #tpu.memory_space<vmem>>
        %dma_start3A_283 = tpu.memref_squeeze %dma_start3A_282 : memref<1x1x125xi32, #tpu.memory_space<vmem>> -> memref<125xi32, #tpu.memory_space<vmem>>
        %dma_start3A_284 = arith.constant 0 : i32
        %dma_start3A_285 = arith.constant 0 : i32
        %dma_start3A_286 = tpu.memref_slice %arg7[%dma_start3A_284, %dma_start3A_285] : memref<10000x128xf32, #tpu.memory_space<vmem_shared>> -> memref<10000x128xf32, #tpu.memory_space<vmem_shared>>
        tpu.enqueue_indirect_dma source(%arg9 : memref<125x128xf32, #tpu.memory_space<vmem>>) target(%dma_start3A_286 : memref<10000x128xf32, #tpu.memory_space<vmem_shared>>) offsets(%dma_start3A_283 : memref<125xi32, #tpu.memory_space<vmem>>) semaphore(%run_scoped3A_280 : memref<!tpu.dma_semaphore, #tpu.memory_space<semaphore_mem>>) {add = true}
        %dma_wait3A_287 = arith.constant 0 : i32
        %dma_wait3A_288 = tpu.memref_slice %arg8[%run_scoped3A_234, %run_scoped3A_235, %dma_wait3A_287] : memref<4x2x125xi32, #tpu.memory_space<vmem>> -> memref<1x1x125xi32, #tpu.memory_space<vmem>>
        %dma_wait3A_289 = tpu.memref_squeeze %dma_wait3A_288 : memref<1x1x125xi32, #tpu.memory_space<vmem>> -> memref<125xi32, #tpu.memory_space<vmem>>
        %dma_wait3A_290 = arith.constant 0 : i32
        %dma_wait3A_291 = arith.constant 0 : i32
        %dma_wait3A_292 = tpu.memref_slice %arg7[%dma_wait3A_290, %dma_wait3A_291] : memref<10000x128xf32, #tpu.memory_space<vmem_shared>> -> memref<10000x128xf32, #tpu.memory_space<vmem_shared>>
        tpu.wait_indirect_dma semaphore(%run_scoped3A_280 : memref<!tpu.dma_semaphore, #tpu.memory_space<semaphore_mem>>) src(%arg9 : memref<125x128xf32, #tpu.memory_space<vmem>>) dst(%dma_wait3A_292 : memref<10000x128xf32, #tpu.memory_space<vmem_shared>>)
        tpu.yield
      }) : () -> ()
      %run_scoped3A_236 = arith.constant 2 : i32
      %run_scoped3A_237 = arith.constant 1 : i32
      "tpu.region"() ({
        %run_scoped3A_280 = tpu.sem_alloc : memref<!tpu.dma_semaphore, #tpu.memory_space<semaphore_mem>>
        %dma_start3A_281 = arith.constant 0 : i32
        %dma_start3A_282 = tpu.memref_slice %arg8[%run_scoped3A_236, %run_scoped3A_237, %dma_start3A_281] : memref<4x2x125xi32, #tpu.memory_space<vmem>> -> memref<1x1x125xi32, #tpu.memory_space<vmem>>
        %dma_start3A_283 = tpu.memref_squeeze %dma_start3A_282 : memref<1x1x125xi32, #tpu.memory_space<vmem>> -> memref<125xi32, #tpu.memory_space<vmem>>
        %dma_start3A_284 = arith.constant 0 : i32
        %dma_start3A_285 = arith.constant 0 : i32
        %dma_start3A_286 = tpu.memref_slice %arg17[%dma_start3A_284, %dma_start3A_285] : memref<10000x16xf32, #tpu.memory_space<vmem_shared>> -> memref<10000x16xf32, #tpu.memory_space<vmem_shared>>
        tpu.enqueue_indirect_dma source(%arg18 : memref<125x16xf32, #tpu.memory_space<vmem>>) target(%dma_start3A_286 : memref<10000x16xf32, #tpu.memory_space<vmem_shared>>) offsets(%dma_start3A_283 : memref<125xi32, #tpu.memory_space<vmem>>) semaphore(%run_scoped3A_280 : memref<!tpu.dma_semaphore, #tpu.memory_space<semaphore_mem>>) {add = true}
        %dma_wait3A_287 = arith.constant 0 : i32
        %dma_wait3A_288 = tpu.memref_slice %arg8[%run_scoped3A_236, %run_scoped3A_237, %dma_wait3A_287] : memref<4x2x125xi32, #tpu.memory_space<vmem>> -> memref<1x1x125xi32, #tpu.memory_space<vmem>>
        %dma_wait3A_289 = tpu.memref_squeeze %dma_wait3A_288 : memref<1x1x125xi32, #tpu.memory_space<vmem>> -> memref<125xi32, #tpu.memory_space<vmem>>
        %dma_wait3A_290 = arith.constant 0 : i32
        %dma_wait3A_291 = arith.constant 0 : i32
        %dma_wait3A_292 = tpu.memref_slice %arg17[%dma_wait3A_290, %dma_wait3A_291] : memref<10000x16xf32, #tpu.memory_space<vmem_shared>> -> memref<10000x16xf32, #tpu.memory_space<vmem_shared>>
        tpu.wait_indirect_dma semaphore(%run_scoped3A_280 : memref<!tpu.dma_semaphore, #tpu.memory_space<semaphore_mem>>) src(%arg18 : memref<125x16xf32, #tpu.memory_space<vmem>>) dst(%dma_wait3A_292 : memref<10000x16xf32, #tpu.memory_space<vmem_shared>>)
        tpu.yield
      }) : () -> ()
      %add3A_238 = arith.constant 4 : i32
      %add3A_239 = arith.addi %add3A_225, %add3A_238 : i32
      %lt3A_240 = arith.constant 80 : i32
      %lt3A_241 = arith.cmpi slt, %add3A_239, %lt3A_240 : i32
      %convert_element_type3A_242 = arith.extui %lt3A_241 : i1 to i32
      %cond3A_243 = arith.constant 0 : i32
      %cond3A_244 = arith.cmpi ne, %convert_element_type3A_242, %cond3A_243 : i32
      scf.if %cond3A_244 {
        %add3A_280 = arith.constant 4 : i32
        %add3A_281 = arith.addi %add3A_225, %add3A_280 : i32
        %dma_start3A_282 = arith.constant 2 : i32
        %dma_start3A_283 = arith.constant 0 : i32
        %dma_start3A_284 = arith.constant 0 : i32
        %dma_start3A_285 = tpu.memref_slice %arg8[%dma_start3A_282, %dma_start3A_283, %dma_start3A_284] : memref<4x2x125xi32, #tpu.memory_space<vmem>> -> memref<1x2x125xi32, #tpu.memory_space<vmem>>
        %dma_start3A_286 = tpu.memref_squeeze %dma_start3A_285 : memref<1x2x125xi32, #tpu.memory_space<vmem>> -> memref<2x125xi32, #tpu.memory_space<vmem>>
        %dma_start3A_287 = arith.constant 0 : i32
        %dma_start3A_288 = arith.constant 0 : i32
        %dma_start3A_289 = tpu.memref_slice %arg3[%add3A, %add3A_281, %dma_start3A_287, %dma_start3A_288] : memref<32x80x2x125xi32, #tpu.memory_space<hbm>> -> memref<1x1x2x125xi32, #tpu.memory_space<hbm>>
        %dma_start3A_290 = tpu.memref_squeeze %dma_start3A_289 : memref<1x1x2x125xi32, #tpu.memory_space<hbm>> -> memref<2x125xi32, #tpu.memory_space<hbm>>
        %dma_start3A_291 = arith.constant 0 : i32
        %dma_start3A_292 = arith.constant 0 : i32
        %dma_start3A_293 = tpu.memref_slice %arg8[%dma_start3A_282, %dma_start3A_291, %dma_start3A_292] : memref<4x2x125xi32, #tpu.memory_space<vmem>> -> memref<1x2x125xi32, #tpu.memory_space<vmem>>
        %dma_start3A_294 = tpu.memref_squeeze %dma_start3A_293 : memref<1x2x125xi32, #tpu.memory_space<vmem>> -> memref<2x125xi32, #tpu.memory_space<vmem>>
        %dma_start3A_295 = arith.constant 0 : i32
        %dma_start3A_296 = arith.constant 0 : i32
        %dma_start3A_297 = tpu.memref_slice %arg3[%add3A, %add3A_281, %dma_start3A_295, %dma_start3A_296] : memref<32x80x2x125xi32, #tpu.memory_space<hbm>> -> memref<1x1x2x125xi32, #tpu.memory_space<hbm>>
        %dma_start3A_298 = tpu.memref_squeeze %dma_start3A_297 : memref<1x1x2x125xi32, #tpu.memory_space<hbm>> -> memref<2x125xi32, #tpu.memory_space<hbm>>
        tpu.enqueue_dma source(%dma_start3A_298 : memref<2x125xi32, #tpu.memory_space<hbm>>) target(%dma_start3A_294 : memref<2x125xi32, #tpu.memory_space<vmem>>) target_semaphore(%arg15 : memref<!tpu.dma_semaphore, #tpu.memory_space<semaphore_mem>>)
      } else {
      }
      %add3A_245 = arith.constant 2 : i32
      %add3A_246 = arith.addi %add3A_225, %add3A_245 : i32
      %lt3A_247 = arith.constant 80 : i32
      %lt3A_248 = arith.cmpi slt, %add3A_246, %lt3A_247 : i32
      %convert_element_type3A_249 = arith.extui %lt3A_248 : i1 to i32
      %cond3A_250 = arith.constant 0 : i32
      %cond3A_251 = arith.cmpi ne, %convert_element_type3A_249, %cond3A_250 : i32
      scf.if %cond3A_251 {
        %add3A_280 = arith.constant 2 : i32
        %add3A_281 = arith.addi %add3A_225, %add3A_280 : i32
        %dma_wait3A_282 = arith.constant 0 : i32
        %dma_wait3A_283 = arith.constant 0 : i32
        %dma_wait3A_284 = arith.constant 0 : i32
        %dma_wait3A_285 = tpu.memref_slice %arg8[%dma_wait3A_282, %dma_wait3A_283, %dma_wait3A_284] : memref<4x2x125xi32, #tpu.memory_space<vmem>> -> memref<1x2x125xi32, #tpu.memory_space<vmem>>
        %dma_wait3A_286 = tpu.memref_squeeze %dma_wait3A_285 : memref<1x2x125xi32, #tpu.memory_space<vmem>> -> memref<2x125xi32, #tpu.memory_space<vmem>>
        %dma_wait3A_287 = arith.constant 0 : i32
        %dma_wait3A_288 = arith.constant 0 : i32
        %dma_wait3A_289 = tpu.memref_slice %arg3[%add3A, %add3A_281, %dma_wait3A_287, %dma_wait3A_288] : memref<32x80x2x125xi32, #tpu.memory_space<hbm>> -> memref<1x1x2x125xi32, #tpu.memory_space<hbm>>
        %dma_wait3A_290 = tpu.memref_squeeze %dma_wait3A_289 : memref<1x1x2x125xi32, #tpu.memory_space<hbm>> -> memref<2x125xi32, #tpu.memory_space<hbm>>
        %dma_wait3A_291 = arith.constant 0 : i32
        %dma_wait3A_292 = arith.constant 0 : i32
        %dma_wait3A_293 = tpu.memref_slice %arg8[%dma_wait3A_282, %dma_wait3A_291, %dma_wait3A_292] : memref<4x2x125xi32, #tpu.memory_space<vmem>> -> memref<1x2x125xi32, #tpu.memory_space<vmem>>
        %dma_wait3A_294 = tpu.memref_squeeze %dma_wait3A_293 : memref<1x2x125xi32, #tpu.memory_space<vmem>> -> memref<2x125xi32, #tpu.memory_space<vmem>>
        %dma_wait3A_295 = arith.constant 0 : i32
        %dma_wait3A_296 = arith.constant 0 : i32
        %dma_wait3A_297 = tpu.memref_slice %arg3[%add3A, %add3A_281, %dma_wait3A_295, %dma_wait3A_296] : memref<32x80x2x125xi32, #tpu.memory_space<hbm>> -> memref<1x1x2x125xi32, #tpu.memory_space<hbm>>
        %dma_wait3A_298 = tpu.memref_squeeze %dma_wait3A_297 : memref<1x1x2x125xi32, #tpu.memory_space<hbm>> -> memref<2x125xi32, #tpu.memory_space<hbm>>
        tpu.wait_dma2 semaphore(%arg13 : memref<!tpu.dma_semaphore, #tpu.memory_space<semaphore_mem>>) src(%dma_wait3A_298 : memref<2x125xi32, #tpu.memory_space<hbm>>) dst(%dma_wait3A_294 : memref<2x125xi32, #tpu.memory_space<vmem>>)
        %dma_start3A_299 = arith.constant 0 : i32
        %dma_start3A_300 = arith.constant 0 : i32
        %dma_start3A_301 = arith.constant 0 : i32
        %dma_start3A_302 = tpu.memref_slice %arg8[%dma_start3A_299, %dma_start3A_300, %dma_start3A_301] : memref<4x2x125xi32, #tpu.memory_space<vmem>> -> memref<1x1x125xi32, #tpu.memory_space<vmem>>
        %dma_start3A_303 = tpu.memref_squeeze %dma_start3A_302 : memref<1x1x125xi32, #tpu.memory_space<vmem>> -> memref<125xi32, #tpu.memory_space<vmem>>
        %dma_start3A_304 = arith.constant 0 : i32
        %dma_start3A_305 = arith.constant 0 : i32
        %dma_start3A_306 = tpu.memref_slice %arg2[%dma_start3A_304, %dma_start3A_305] : memref<10000x128xf32, #tpu.memory_space<hbm>> -> memref<10000x128xf32, #tpu.memory_space<hbm>>
        tpu.enqueue_indirect_dma source(%dma_start3A_306 : memref<10000x128xf32, #tpu.memory_space<hbm>>) target(%arg9 : memref<125x128xf32, #tpu.memory_space<vmem>>) offsets(%dma_start3A_303 : memref<125xi32, #tpu.memory_space<vmem>>) semaphore(%arg11 : memref<!tpu.dma_semaphore, #tpu.memory_space<semaphore_mem>>)
      } else {
      }
      %add3A_252 = arith.constant 3 : i32
      %add3A_253 = arith.addi %mul3A_171, %add3A_252 : i32
      %dma_wait3A_254 = arith.constant 3 : i32
      %dma_wait3A_255 = arith.constant 0 : i32
      %dma_wait3A_256 = arith.constant 0 : i32
      %dma_wait3A_257 = tpu.memref_slice %arg8[%dma_wait3A_254, %dma_wait3A_255, %dma_wait3A_256] : memref<4x2x125xi32, #tpu.memory_space<vmem>> -> memref<1x1x125xi32, #tpu.memory_space<vmem>>
      %dma_wait3A_258 = tpu.memref_squeeze %dma_wait3A_257 : memref<1x1x125xi32, #tpu.memory_space<vmem>> -> memref<125xi32, #tpu.memory_space<vmem>>
      %dma_wait3A_259 = arith.constant 0 : i32
      %dma_wait3A_260 = arith.constant 0 : i32
      %dma_wait3A_261 = tpu.memref_slice %arg2[%dma_wait3A_259, %dma_wait3A_260] : memref<10000x128xf32, #tpu.memory_space<hbm>> -> memref<10000x128xf32, #tpu.memory_space<hbm>>
      tpu.wait_indirect_dma semaphore(%arg12 : memref<!tpu.dma_semaphore, #tpu.memory_space<semaphore_mem>>) src(%dma_wait3A_261 : memref<10000x128xf32, #tpu.memory_space<hbm>>) dst(%arg10 : memref<125x128xf32, #tpu.memory_space<vmem>>)
      %run_scoped3A_262 = arith.constant 3 : i32
      %run_scoped3A_263 = arith.constant 1 : i32
      "tpu.region"() ({
        %run_scoped3A_280 = tpu.sem_alloc : memref<!tpu.dma_semaphore, #tpu.memory_space<semaphore_mem>>
        %dma_start3A_281 = arith.constant 0 : i32
        %dma_start3A_282 = tpu.memref_slice %arg8[%run_scoped3A_262, %run_scoped3A_263, %dma_start3A_281] : memref<4x2x125xi32, #tpu.memory_space<vmem>> -> memref<1x1x125xi32, #tpu.memory_space<vmem>>
        %dma_start3A_283 = tpu.memref_squeeze %dma_start3A_282 : memref<1x1x125xi32, #tpu.memory_space<vmem>> -> memref<125xi32, #tpu.memory_space<vmem>>
        %dma_start3A_284 = arith.constant 0 : i32
        %dma_start3A_285 = arith.constant 0 : i32
        %dma_start3A_286 = tpu.memref_slice %arg7[%dma_start3A_284, %dma_start3A_285] : memref<10000x128xf32, #tpu.memory_space<vmem_shared>> -> memref<10000x128xf32, #tpu.memory_space<vmem_shared>>
        tpu.enqueue_indirect_dma source(%arg10 : memref<125x128xf32, #tpu.memory_space<vmem>>) target(%dma_start3A_286 : memref<10000x128xf32, #tpu.memory_space<vmem_shared>>) offsets(%dma_start3A_283 : memref<125xi32, #tpu.memory_space<vmem>>) semaphore(%run_scoped3A_280 : memref<!tpu.dma_semaphore, #tpu.memory_space<semaphore_mem>>) {add = true}
        %dma_wait3A_287 = arith.constant 0 : i32
        %dma_wait3A_288 = tpu.memref_slice %arg8[%run_scoped3A_262, %run_scoped3A_263, %dma_wait3A_287] : memref<4x2x125xi32, #tpu.memory_space<vmem>> -> memref<1x1x125xi32, #tpu.memory_space<vmem>>
        %dma_wait3A_289 = tpu.memref_squeeze %dma_wait3A_288 : memref<1x1x125xi32, #tpu.memory_space<vmem>> -> memref<125xi32, #tpu.memory_space<vmem>>
        %dma_wait3A_290 = arith.constant 0 : i32
        %dma_wait3A_291 = arith.constant 0 : i32
        %dma_wait3A_292 = tpu.memref_slice %arg7[%dma_wait3A_290, %dma_wait3A_291] : memref<10000x128xf32, #tpu.memory_space<vmem_shared>> -> memref<10000x128xf32, #tpu.memory_space<vmem_shared>>
        tpu.wait_indirect_dma semaphore(%run_scoped3A_280 : memref<!tpu.dma_semaphore, #tpu.memory_space<semaphore_mem>>) src(%arg10 : memref<125x128xf32, #tpu.memory_space<vmem>>) dst(%dma_wait3A_292 : memref<10000x128xf32, #tpu.memory_space<vmem_shared>>)
        tpu.yield
      }) : () -> ()
      %run_scoped3A_264 = arith.constant 3 : i32
      %run_scoped3A_265 = arith.constant 1 : i32
      "tpu.region"() ({
        %run_scoped3A_280 = tpu.sem_alloc : memref<!tpu.dma_semaphore, #tpu.memory_space<semaphore_mem>>
        %dma_start3A_281 = arith.constant 0 : i32
        %dma_start3A_282 = tpu.memref_slice %arg8[%run_scoped3A_264, %run_scoped3A_265, %dma_start3A_281] : memref<4x2x125xi32, #tpu.memory_space<vmem>> -> memref<1x1x125xi32, #tpu.memory_space<vmem>>
        %dma_start3A_283 = tpu.memref_squeeze %dma_start3A_282 : memref<1x1x125xi32, #tpu.memory_space<vmem>> -> memref<125xi32, #tpu.memory_space<vmem>>
        %dma_start3A_284 = arith.constant 0 : i32
        %dma_start3A_285 = arith.constant 0 : i32
        %dma_start3A_286 = tpu.memref_slice %arg17[%dma_start3A_284, %dma_start3A_285] : memref<10000x16xf32, #tpu.memory_space<vmem_shared>> -> memref<10000x16xf32, #tpu.memory_space<vmem_shared>>
        tpu.enqueue_indirect_dma source(%arg18 : memref<125x16xf32, #tpu.memory_space<vmem>>) target(%dma_start3A_286 : memref<10000x16xf32, #tpu.memory_space<vmem_shared>>) offsets(%dma_start3A_283 : memref<125xi32, #tpu.memory_space<vmem>>) semaphore(%run_scoped3A_280 : memref<!tpu.dma_semaphore, #tpu.memory_space<semaphore_mem>>) {add = true}
        %dma_wait3A_287 = arith.constant 0 : i32
        %dma_wait3A_288 = tpu.memref_slice %arg8[%run_scoped3A_264, %run_scoped3A_265, %dma_wait3A_287] : memref<4x2x125xi32, #tpu.memory_space<vmem>> -> memref<1x1x125xi32, #tpu.memory_space<vmem>>
        %dma_wait3A_289 = tpu.memref_squeeze %dma_wait3A_288 : memref<1x1x125xi32, #tpu.memory_space<vmem>> -> memref<125xi32, #tpu.memory_space<vmem>>
        %dma_wait3A_290 = arith.constant 0 : i32
        %dma_wait3A_291 = arith.constant 0 : i32
        %dma_wait3A_292 = tpu.memref_slice %arg17[%dma_wait3A_290, %dma_wait3A_291] : memref<10000x16xf32, #tpu.memory_space<vmem_shared>> -> memref<10000x16xf32, #tpu.memory_space<vmem_shared>>
        tpu.wait_indirect_dma semaphore(%run_scoped3A_280 : memref<!tpu.dma_semaphore, #tpu.memory_space<semaphore_mem>>) src(%arg18 : memref<125x16xf32, #tpu.memory_space<vmem>>) dst(%dma_wait3A_292 : memref<10000x16xf32, #tpu.memory_space<vmem_shared>>)
        tpu.yield
      }) : () -> ()
      %add3A_266 = arith.constant 4 : i32
      %add3A_267 = arith.addi %add3A_253, %add3A_266 : i32
      %lt3A_268 = arith.constant 80 : i32
      %lt3A_269 = arith.cmpi slt, %add3A_267, %lt3A_268 : i32
      %convert_element_type3A_270 = arith.extui %lt3A_269 : i1 to i32
      %cond3A_271 = arith.constant 0 : i32
      %cond3A_272 = arith.cmpi ne, %convert_element_type3A_270, %cond3A_271 : i32
      scf.if %cond3A_272 {
        %add3A_280 = arith.constant 4 : i32
        %add3A_281 = arith.addi %add3A_253, %add3A_280 : i32
        %dma_start3A_282 = arith.constant 3 : i32
        %dma_start3A_283 = arith.constant 0 : i32
        %dma_start3A_284 = arith.constant 0 : i32
        %dma_start3A_285 = tpu.memref_slice %arg8[%dma_start3A_282, %dma_start3A_283, %dma_start3A_284] : memref<4x2x125xi32, #tpu.memory_space<vmem>> -> memref<1x2x125xi32, #tpu.memory_space<vmem>>
        %dma_start3A_286 = tpu.memref_squeeze %dma_start3A_285 : memref<1x2x125xi32, #tpu.memory_space<vmem>> -> memref<2x125xi32, #tpu.memory_space<vmem>>
        %dma_start3A_287 = arith.constant 0 : i32
        %dma_start3A_288 = arith.constant 0 : i32
        %dma_start3A_289 = tpu.memref_slice %arg3[%add3A, %add3A_281, %dma_start3A_287, %dma_start3A_288] : memref<32x80x2x125xi32, #tpu.memory_space<hbm>> -> memref<1x1x2x125xi32, #tpu.memory_space<hbm>>
        %dma_start3A_290 = tpu.memref_squeeze %dma_start3A_289 : memref<1x1x2x125xi32, #tpu.memory_space<hbm>> -> memref<2x125xi32, #tpu.memory_space<hbm>>
        %dma_start3A_291 = arith.constant 0 : i32
        %dma_start3A_292 = arith.constant 0 : i32
        %dma_start3A_293 = tpu.memref_slice %arg8[%dma_start3A_282, %dma_start3A_291, %dma_start3A_292] : memref<4x2x125xi32, #tpu.memory_space<vmem>> -> memref<1x2x125xi32, #tpu.memory_space<vmem>>
        %dma_start3A_294 = tpu.memref_squeeze %dma_start3A_293 : memref<1x2x125xi32, #tpu.memory_space<vmem>> -> memref<2x125xi32, #tpu.memory_space<vmem>>
        %dma_start3A_295 = arith.constant 0 : i32
        %dma_start3A_296 = arith.constant 0 : i32
        %dma_start3A_297 = tpu.memref_slice %arg3[%add3A, %add3A_281, %dma_start3A_295, %dma_start3A_296] : memref<32x80x2x125xi32, #tpu.memory_space<hbm>> -> memref<1x1x2x125xi32, #tpu.memory_space<hbm>>
        %dma_start3A_298 = tpu.memref_squeeze %dma_start3A_297 : memref<1x1x2x125xi32, #tpu.memory_space<hbm>> -> memref<2x125xi32, #tpu.memory_space<hbm>>
        tpu.enqueue_dma source(%dma_start3A_298 : memref<2x125xi32, #tpu.memory_space<hbm>>) target(%dma_start3A_294 : memref<2x125xi32, #tpu.memory_space<vmem>>) target_semaphore(%arg16 : memref<!tpu.dma_semaphore, #tpu.memory_space<semaphore_mem>>)
      } else {
      }
      %add3A_273 = arith.constant 2 : i32
      %add3A_274 = arith.addi %add3A_253, %add3A_273 : i32
      %lt3A_275 = arith.constant 80 : i32
      %lt3A_276 = arith.cmpi slt, %add3A_274, %lt3A_275 : i32
      %convert_element_type3A_277 = arith.extui %lt3A_276 : i1 to i32
      %cond3A_278 = arith.constant 0 : i32
      %cond3A_279 = arith.cmpi ne, %convert_element_type3A_277, %cond3A_278 : i32
      scf.if %cond3A_279 {
        %add3A_280 = arith.constant 2 : i32
        %add3A_281 = arith.addi %add3A_253, %add3A_280 : i32
        %dma_wait3A_282 = arith.constant 1 : i32
        %dma_wait3A_283 = arith.constant 0 : i32
        %dma_wait3A_284 = arith.constant 0 : i32
        %dma_wait3A_285 = tpu.memref_slice %arg8[%dma_wait3A_282, %dma_wait3A_283, %dma_wait3A_284] : memref<4x2x125xi32, #tpu.memory_space<vmem>> -> memref<1x2x125xi32, #tpu.memory_space<vmem>>
        %dma_wait3A_286 = tpu.memref_squeeze %dma_wait3A_285 : memref<1x2x125xi32, #tpu.memory_space<vmem>> -> memref<2x125xi32, #tpu.memory_space<vmem>>
        %dma_wait3A_287 = arith.constant 0 : i32
        %dma_wait3A_288 = arith.constant 0 : i32
        %dma_wait3A_289 = tpu.memref_slice %arg3[%add3A, %add3A_281, %dma_wait3A_287, %dma_wait3A_288] : memref<32x80x2x125xi32, #tpu.memory_space<hbm>> -> memref<1x1x2x125xi32, #tpu.memory_space<hbm>>
        %dma_wait3A_290 = tpu.memref_squeeze %dma_wait3A_289 : memref<1x1x2x125xi32, #tpu.memory_space<hbm>> -> memref<2x125xi32, #tpu.memory_space<hbm>>
        %dma_wait3A_291 = arith.constant 0 : i32
        %dma_wait3A_292 = arith.constant 0 : i32
        %dma_wait3A_293 = tpu.memref_slice %arg8[%dma_wait3A_282, %dma_wait3A_291, %dma_wait3A_292] : memref<4x2x125xi32, #tpu.memory_space<vmem>> -> memref<1x2x125xi32, #tpu.memory_space<vmem>>
        %dma_wait3A_294 = tpu.memref_squeeze %dma_wait3A_293 : memref<1x2x125xi32, #tpu.memory_space<vmem>> -> memref<2x125xi32, #tpu.memory_space<vmem>>
        %dma_wait3A_295 = arith.constant 0 : i32
        %dma_wait3A_296 = arith.constant 0 : i32
        %dma_wait3A_297 = tpu.memref_slice %arg3[%add3A, %add3A_281, %dma_wait3A_295, %dma_wait3A_296] : memref<32x80x2x125xi32, #tpu.memory_space<hbm>> -> memref<1x1x2x125xi32, #tpu.memory_space<hbm>>
        %dma_wait3A_298 = tpu.memref_squeeze %dma_wait3A_297 : memref<1x1x2x125xi32, #tpu.memory_space<hbm>> -> memref<2x125xi32, #tpu.memory_space<hbm>>
        tpu.wait_dma2 semaphore(%arg14 : memref<!tpu.dma_semaphore, #tpu.memory_space<semaphore_mem>>) src(%dma_wait3A_298 : memref<2x125xi32, #tpu.memory_space<hbm>>) dst(%dma_wait3A_294 : memref<2x125xi32, #tpu.memory_space<vmem>>)
        %dma_start3A_299 = arith.constant 1 : i32
        %dma_start3A_300 = arith.constant 0 : i32
        %dma_start3A_301 = arith.constant 0 : i32
        %dma_start3A_302 = tpu.memref_slice %arg8[%dma_start3A_299, %dma_start3A_300, %dma_start3A_301] : memref<4x2x125xi32, #tpu.memory_space<vmem>> -> memref<1x1x125xi32, #tpu.memory_space<vmem>>
        %dma_start3A_303 = tpu.memref_squeeze %dma_start3A_302 : memref<1x1x125xi32, #tpu.memory_space<vmem>> -> memref<125xi32, #tpu.memory_space<vmem>>
        %dma_start3A_304 = arith.constant 0 : i32
        %dma_start3A_305 = arith.constant 0 : i32
        %dma_start3A_306 = tpu.memref_slice %arg2[%dma_start3A_304, %dma_start3A_305] : memref<10000x128xf32, #tpu.memory_space<hbm>> -> memref<10000x128xf32, #tpu.memory_space<hbm>>
        tpu.enqueue_indirect_dma source(%dma_start3A_306 : memref<10000x128xf32, #tpu.memory_space<hbm>>) target(%arg10 : memref<125x128xf32, #tpu.memory_space<vmem>>) offsets(%dma_start3A_303 : memref<125xi32, #tpu.memory_space<vmem>>) semaphore(%arg12 : memref<!tpu.dma_semaphore, #tpu.memory_space<semaphore_mem>>)
      } else {
      }
    }
    %scan3A_167 = arith.constant 20 : i32
    %barrier3A_168 = arith.constant 0 : index
    tpu.barrier barrier_id(%barrier3A_168)
    "tpu.region"() ({
      %run_scoped3A = tpu.sem_alloc : memref<!tpu.dma_semaphore, #tpu.memory_space<semaphore_mem>>
      %dma_start3A_169 = arith.constant 0 : i32
      %dma_start3A_170 = tpu.memref_slice %arg5[%arg0, %multiple_of3A, %dma_start3A_169] : memref<2x10000x128xf32, #tpu.memory_space<hbm>> -> memref<1x632x128xf32, #tpu.memory_space<hbm>>
      %dma_start3A_171 = tpu.memref_squeeze %dma_start3A_170 : memref<1x632x128xf32, #tpu.memory_space<hbm>> -> memref<632x128xf32, #tpu.memory_space<hbm>>
      %dma_start3A_172 = arith.constant 0 : i32
      %dma_start3A_173 = tpu.memref_slice %arg7[%multiple_of3A, %dma_start3A_172] : memref<10000x128xf32, #tpu.memory_space<vmem_shared>> -> memref<632x128xf32, #tpu.memory_space<vmem_shared>>
      tpu.enqueue_dma source(%dma_start3A_173 : memref<632x128xf32, #tpu.memory_space<vmem_shared>>) target(%dma_start3A_171 : memref<632x128xf32, #tpu.memory_space<hbm>>) target_semaphore(%run_scoped3A : memref<!tpu.dma_semaphore, #tpu.memory_space<semaphore_mem>>)
      %dma_wait3A_174 = arith.constant 0 : i32
      %dma_wait3A_175 = tpu.memref_slice %arg5[%arg0, %multiple_of3A, %dma_wait3A_174] : memref<2x10000x128xf32, #tpu.memory_space<hbm>> -> memref<1x632x128xf32, #tpu.memory_space<hbm>>
      %dma_wait3A_176 = tpu.memref_squeeze %dma_wait3A_175 : memref<1x632x128xf32, #tpu.memory_space<hbm>> -> memref<632x128xf32, #tpu.memory_space<hbm>>
      %dma_wait3A_177 = arith.constant 0 : i32
      %dma_wait3A_178 = tpu.memref_slice %arg7[%multiple_of3A, %dma_wait3A_177] : memref<10000x128xf32, #tpu.memory_space<vmem_shared>> -> memref<632x128xf32, #tpu.memory_space<vmem_shared>>
      tpu.wait_dma2 semaphore(%run_scoped3A : memref<!tpu.dma_semaphore, #tpu.memory_space<semaphore_mem>>) src(%dma_wait3A_178 : memref<632x128xf32, #tpu.memory_space<vmem_shared>>) dst(%dma_wait3A_176 : memref<632x128xf32, #tpu.memory_space<hbm>>)
      tpu.yield
    }) : () -> ()
    "tpu.region"() ({
      %run_scoped3A = tpu.sem_alloc : memref<!tpu.dma_semaphore, #tpu.memory_space<semaphore_mem>>
      %dma_start3A_169 = arith.constant 0 : i32
      %dma_start3A_170 = tpu.memref_slice %arg6[%arg0, %multiple_of3A, %dma_start3A_169] : memref<2x10000x16xf32, #tpu.memory_space<hbm>> -> memref<1x632x16xf32, #tpu.memory_space<hbm>>
      %dma_start3A_171 = tpu.memref_squeeze %dma_start3A_170 : memref<1x632x16xf32, #tpu.memory_space<hbm>> -> memref<632x16xf32, #tpu.memory_space<hbm>>
      %dma_start3A_172 = arith.constant 0 : i32
      %dma_start3A_173 = tpu.memref_slice %arg17[%multiple_of3A, %dma_start3A_172] : memref<10000x16xf32, #tpu.memory_space<vmem_shared>> -> memref<632x16xf32, #tpu.memory_space<vmem_shared>>
      tpu.enqueue_dma source(%dma_start3A_173 : memref<632x16xf32, #tpu.memory_space<vmem_shared>>) target(%dma_start3A_171 : memref<632x16xf32, #tpu.memory_space<hbm>>) target_semaphore(%run_scoped3A : memref<!tpu.dma_semaphore, #tpu.memory_space<semaphore_mem>>)
      %dma_wait3A_174 = arith.constant 0 : i32
      %dma_wait3A_175 = tpu.memref_slice %arg6[%arg0, %multiple_of3A, %dma_wait3A_174] : memref<2x10000x16xf32, #tpu.memory_space<hbm>> -> memref<1x632x16xf32, #tpu.memory_space<hbm>>
      %dma_wait3A_176 = tpu.memref_squeeze %dma_wait3A_175 : memref<1x632x16xf32, #tpu.memory_space<hbm>> -> memref<632x16xf32, #tpu.memory_space<hbm>>
      %dma_wait3A_177 = arith.constant 0 : i32
      %dma_wait3A_178 = tpu.memref_slice %arg17[%multiple_of3A, %dma_wait3A_177] : memref<10000x16xf32, #tpu.memory_space<vmem_shared>> -> memref<632x16xf32, #tpu.memory_space<vmem_shared>>
      tpu.wait_dma2 semaphore(%run_scoped3A : memref<!tpu.dma_semaphore, #tpu.memory_space<semaphore_mem>>) src(%dma_wait3A_178 : memref<632x16xf32, #tpu.memory_space<vmem_shared>>) dst(%dma_wait3A_176 : memref<632x16xf32, #tpu.memory_space<hbm>>)
      tpu.yield
    }) : () -> ()
    return
  }
}

#map = affine_map<(d0, d1) -> (0, 0)>
#map1 = affine_map<(d0, d1) -> (0, 0, 0, 0)>
#map2 = affine_map<(d0, d1) -> (0, 0, 0)>
module attributes {stable_mosaic.version = 14 : i64} {
  func.func @body(%arg0: i32, %arg1: i32, %arg2: memref<10000x128xf32, #tpu.memory_space<hbm>>, %arg3: memref<32x80x2x125xi32, #tpu.memory_space<hbm>>, %arg4: memref<125x16xf32, #tpu.memory_space<hbm>>, %arg5: memref<2x10000x128xf32, #tpu.memory_space<hbm>>, %arg6: memref<10000x128xf32, #tpu.memory_space<vmem_shared>>, %arg7: memref<4x2x125xi32, #tpu.memory_space<vmem>>, %arg8: memref<125x128xf32, #tpu.memory_space<vmem>>, %arg9: memref<125x128xf32, #tpu.memory_space<vmem>>, %arg10: memref<!tpu.dma_semaphore, #tpu.memory_space<semaphore_mem>>, %arg11: memref<!tpu.dma_semaphore, #tpu.memory_space<semaphore_mem>>, %arg12: memref<!tpu.dma_semaphore, #tpu.memory_space<semaphore_mem>>, %arg13: memref<!tpu.dma_semaphore, #tpu.memory_space<semaphore_mem>>, %arg14: memref<!tpu.dma_semaphore, #tpu.memory_space<semaphore_mem>>, %arg15: memref<!tpu.dma_semaphore, #tpu.memory_space<semaphore_mem>>) attributes {dimension_semantics = [#tpu.dimension_semantics<core_parallel>, #tpu.dimension_semantics<subcore_parallel>], iteration_bounds = array<i64: 2, 16>, scalar_prefetch = 0 : i64, scratch_operands = 10 : i64, tpu.core_type = #tpu.core_type<sc_vector_subcore>, window_params = [{transform_indices = #map}, {transform_indices = #map1}, {transform_indices = #map}, {transform_indices = #map2}]} {
    %mul3A = arith.constant 2 : i32
    %mul3A_0 = arith.muli %arg1, %mul3A : i32
    %add3A = arith.addi %mul3A_0, %arg0 : i32
    %mul3A_1 = arith.constant 632 : i32
    %mul3A_2 = arith.muli %arg1, %mul3A_1 : i32
    %min3A = arith.constant 9368 : i32
    %min3A_3 = arith.minsi %mul3A_2, %min3A : i32
    %multiple_of3A = tpu.assume_multiple %min3A_3, 8 : i32
    %dma_start3A = arith.constant 0 : i32
    %dma_start3A_4 = arith.constant 0 : i32
    %dma_start3A_5 = arith.constant 0 : i32
    %dma_start3A_6 = arith.constant 0 : i32
    %dma_start3A_7 = tpu.memref_slice %arg7[%dma_start3A_4, %dma_start3A_5, %dma_start3A_6] : memref<4x2x125xi32, #tpu.memory_space<vmem>> -> memref<1x2x125xi32, #tpu.memory_space<vmem>>
    %dma_start3A_8 = tpu.memref_squeeze %dma_start3A_7 : memref<1x2x125xi32, #tpu.memory_space<vmem>> -> memref<2x125xi32, #tpu.memory_space<vmem>>
    %dma_start3A_9 = arith.constant 0 : i32
    %dma_start3A_10 = arith.constant 0 : i32
    %dma_start3A_11 = tpu.memref_slice %arg3[%add3A, %dma_start3A, %dma_start3A_9, %dma_start3A_10] : memref<32x80x2x125xi32, #tpu.memory_space<hbm>> -> memref<1x1x2x125xi32, #tpu.memory_space<hbm>>
    %dma_start3A_12 = tpu.memref_squeeze %dma_start3A_11 : memref<1x1x2x125xi32, #tpu.memory_space<hbm>> -> memref<2x125xi32, #tpu.memory_space<hbm>>
    %dma_start3A_13 = arith.constant 0 : i32
    %dma_start3A_14 = arith.constant 0 : i32
    %dma_start3A_15 = tpu.memref_slice %arg7[%dma_start3A_4, %dma_start3A_13, %dma_start3A_14] : memref<4x2x125xi32, #tpu.memory_space<vmem>> -> memref<1x2x125xi32, #tpu.memory_space<vmem>>
    %dma_start3A_16 = tpu.memref_squeeze %dma_start3A_15 : memref<1x2x125xi32, #tpu.memory_space<vmem>> -> memref<2x125xi32, #tpu.memory_space<vmem>>
    %dma_start3A_17 = arith.constant 0 : i32
    %dma_start3A_18 = arith.constant 0 : i32
    %dma_start3A_19 = tpu.memref_slice %arg3[%add3A, %dma_start3A, %dma_start3A_17, %dma_start3A_18] : memref<32x80x2x125xi32, #tpu.memory_space<hbm>> -> memref<1x1x2x125xi32, #tpu.memory_space<hbm>>
    %dma_start3A_20 = tpu.memref_squeeze %dma_start3A_19 : memref<1x1x2x125xi32, #tpu.memory_space<hbm>> -> memref<2x125xi32, #tpu.memory_space<hbm>>
    tpu.enqueue_dma source(%dma_start3A_20 : memref<2x125xi32, #tpu.memory_space<hbm>>) target(%dma_start3A_16 : memref<2x125xi32, #tpu.memory_space<vmem>>) target_semaphore(%arg12 : memref<!tpu.dma_semaphore, #tpu.memory_space<semaphore_mem>>)
    %dma_start3A_21 = arith.constant 1 : i32
    %dma_start3A_22 = arith.constant 1 : i32
    %dma_start3A_23 = arith.constant 0 : i32
    %dma_start3A_24 = arith.constant 0 : i32
    %dma_start3A_25 = tpu.memref_slice %arg7[%dma_start3A_22, %dma_start3A_23, %dma_start3A_24] : memref<4x2x125xi32, #tpu.memory_space<vmem>> -> memref<1x2x125xi32, #tpu.memory_space<vmem>>
    %dma_start3A_26 = tpu.memref_squeeze %dma_start3A_25 : memref<1x2x125xi32, #tpu.memory_space<vmem>> -> memref<2x125xi32, #tpu.memory_space<vmem>>
    %dma_start3A_27 = arith.constant 0 : i32
    %dma_start3A_28 = arith.constant 0 : i32
    %dma_start3A_29 = tpu.memref_slice %arg3[%add3A, %dma_start3A_21, %dma_start3A_27, %dma_start3A_28] : memref<32x80x2x125xi32, #tpu.memory_space<hbm>> -> memref<1x1x2x125xi32, #tpu.memory_space<hbm>>
    %dma_start3A_30 = tpu.memref_squeeze %dma_start3A_29 : memref<1x1x2x125xi32, #tpu.memory_space<hbm>> -> memref<2x125xi32, #tpu.memory_space<hbm>>
    %dma_start3A_31 = arith.constant 0 : i32
    %dma_start3A_32 = arith.constant 0 : i32
    %dma_start3A_33 = tpu.memref_slice %arg7[%dma_start3A_22, %dma_start3A_31, %dma_start3A_32] : memref<4x2x125xi32, #tpu.memory_space<vmem>> -> memref<1x2x125xi32, #tpu.memory_space<vmem>>
    %dma_start3A_34 = tpu.memref_squeeze %dma_start3A_33 : memref<1x2x125xi32, #tpu.memory_space<vmem>> -> memref<2x125xi32, #tpu.memory_space<vmem>>
    %dma_start3A_35 = arith.constant 0 : i32
    %dma_start3A_36 = arith.constant 0 : i32
    %dma_start3A_37 = tpu.memref_slice %arg3[%add3A, %dma_start3A_21, %dma_start3A_35, %dma_start3A_36] : memref<32x80x2x125xi32, #tpu.memory_space<hbm>> -> memref<1x1x2x125xi32, #tpu.memory_space<hbm>>
    %dma_start3A_38 = tpu.memref_squeeze %dma_start3A_37 : memref<1x1x2x125xi32, #tpu.memory_space<hbm>> -> memref<2x125xi32, #tpu.memory_space<hbm>>
    tpu.enqueue_dma source(%dma_start3A_38 : memref<2x125xi32, #tpu.memory_space<hbm>>) target(%dma_start3A_34 : memref<2x125xi32, #tpu.memory_space<vmem>>) target_semaphore(%arg13 : memref<!tpu.dma_semaphore, #tpu.memory_space<semaphore_mem>>)
    %dma_start3A_39 = arith.constant 2 : i32
    %dma_start3A_40 = arith.constant 2 : i32
    %dma_start3A_41 = arith.constant 0 : i32
    %dma_start3A_42 = arith.constant 0 : i32
    %dma_start3A_43 = tpu.memref_slice %arg7[%dma_start3A_40, %dma_start3A_41, %dma_start3A_42] : memref<4x2x125xi32, #tpu.memory_space<vmem>> -> memref<1x2x125xi32, #tpu.memory_space<vmem>>
    %dma_start3A_44 = tpu.memref_squeeze %dma_start3A_43 : memref<1x2x125xi32, #tpu.memory_space<vmem>> -> memref<2x125xi32, #tpu.memory_space<vmem>>
    %dma_start3A_45 = arith.constant 0 : i32
    %dma_start3A_46 = arith.constant 0 : i32
    %dma_start3A_47 = tpu.memref_slice %arg3[%add3A, %dma_start3A_39, %dma_start3A_45, %dma_start3A_46] : memref<32x80x2x125xi32, #tpu.memory_space<hbm>> -> memref<1x1x2x125xi32, #tpu.memory_space<hbm>>
    %dma_start3A_48 = tpu.memref_squeeze %dma_start3A_47 : memref<1x1x2x125xi32, #tpu.memory_space<hbm>> -> memref<2x125xi32, #tpu.memory_space<hbm>>
    %dma_start3A_49 = arith.constant 0 : i32
    %dma_start3A_50 = arith.constant 0 : i32
    %dma_start3A_51 = tpu.memref_slice %arg7[%dma_start3A_40, %dma_start3A_49, %dma_start3A_50] : memref<4x2x125xi32, #tpu.memory_space<vmem>> -> memref<1x2x125xi32, #tpu.memory_space<vmem>>
    %dma_start3A_52 = tpu.memref_squeeze %dma_start3A_51 : memref<1x2x125xi32, #tpu.memory_space<vmem>> -> memref<2x125xi32, #tpu.memory_space<vmem>>
    %dma_start3A_53 = arith.constant 0 : i32
    %dma_start3A_54 = arith.constant 0 : i32
    %dma_start3A_55 = tpu.memref_slice %arg3[%add3A, %dma_start3A_39, %dma_start3A_53, %dma_start3A_54] : memref<32x80x2x125xi32, #tpu.memory_space<hbm>> -> memref<1x1x2x125xi32, #tpu.memory_space<hbm>>
    %dma_start3A_56 = tpu.memref_squeeze %dma_start3A_55 : memref<1x1x2x125xi32, #tpu.memory_space<hbm>> -> memref<2x125xi32, #tpu.memory_space<hbm>>
    tpu.enqueue_dma source(%dma_start3A_56 : memref<2x125xi32, #tpu.memory_space<hbm>>) target(%dma_start3A_52 : memref<2x125xi32, #tpu.memory_space<vmem>>) target_semaphore(%arg14 : memref<!tpu.dma_semaphore, #tpu.memory_space<semaphore_mem>>)
    %dma_start3A_57 = arith.constant 3 : i32
    %dma_start3A_58 = arith.constant 3 : i32
    %dma_start3A_59 = arith.constant 0 : i32
    %dma_start3A_60 = arith.constant 0 : i32
    %dma_start3A_61 = tpu.memref_slice %arg7[%dma_start3A_58, %dma_start3A_59, %dma_start3A_60] : memref<4x2x125xi32, #tpu.memory_space<vmem>> -> memref<1x2x125xi32, #tpu.memory_space<vmem>>
    %dma_start3A_62 = tpu.memref_squeeze %dma_start3A_61 : memref<1x2x125xi32, #tpu.memory_space<vmem>> -> memref<2x125xi32, #tpu.memory_space<vmem>>
    %dma_start3A_63 = arith.constant 0 : i32
    %dma_start3A_64 = arith.constant 0 : i32
    %dma_start3A_65 = tpu.memref_slice %arg3[%add3A, %dma_start3A_57, %dma_start3A_63, %dma_start3A_64] : memref<32x80x2x125xi32, #tpu.memory_space<hbm>> -> memref<1x1x2x125xi32, #tpu.memory_space<hbm>>
    %dma_start3A_66 = tpu.memref_squeeze %dma_start3A_65 : memref<1x1x2x125xi32, #tpu.memory_space<hbm>> -> memref<2x125xi32, #tpu.memory_space<hbm>>
    %dma_start3A_67 = arith.constant 0 : i32
    %dma_start3A_68 = arith.constant 0 : i32
    %dma_start3A_69 = tpu.memref_slice %arg7[%dma_start3A_58, %dma_start3A_67, %dma_start3A_68] : memref<4x2x125xi32, #tpu.memory_space<vmem>> -> memref<1x2x125xi32, #tpu.memory_space<vmem>>
    %dma_start3A_70 = tpu.memref_squeeze %dma_start3A_69 : memref<1x2x125xi32, #tpu.memory_space<vmem>> -> memref<2x125xi32, #tpu.memory_space<vmem>>
    %dma_start3A_71 = arith.constant 0 : i32
    %dma_start3A_72 = arith.constant 0 : i32
    %dma_start3A_73 = tpu.memref_slice %arg3[%add3A, %dma_start3A_57, %dma_start3A_71, %dma_start3A_72] : memref<32x80x2x125xi32, #tpu.memory_space<hbm>> -> memref<1x1x2x125xi32, #tpu.memory_space<hbm>>
    %dma_start3A_74 = tpu.memref_squeeze %dma_start3A_73 : memref<1x1x2x125xi32, #tpu.memory_space<hbm>> -> memref<2x125xi32, #tpu.memory_space<hbm>>
    tpu.enqueue_dma source(%dma_start3A_74 : memref<2x125xi32, #tpu.memory_space<hbm>>) target(%dma_start3A_70 : memref<2x125xi32, #tpu.memory_space<vmem>>) target_semaphore(%arg15 : memref<!tpu.dma_semaphore, #tpu.memory_space<semaphore_mem>>)
    %broadcast_in_dim3A = arith.constant 0.000000e+00 : f32
    %broadcast_in_dim3A_75 = vector.broadcast %broadcast_in_dim3A : f32 to vector<16xf32>
    %scan3A = arith.constant 0 : i32
    %scan3A_76 = arith.constant 0 : i32
    %scan3A_77 = arith.constant 120 : i32
    %scan3A_78 = arith.addi %scan3A_76, %scan3A_77 : i32
    %scan3A_79 = arith.constant 1 : i32
    scf.for %scan3A_151 = %scan3A_76 to %scan3A_78 step %scan3A_79  : i32 {
      %swap3A = arith.index_cast %scan3A_151 : i32 to index
      %swap3A_152 = arith.constant 0 : index
      %swap3A_153 = tpu.vector_load %arg8[%swap3A, %swap3A_152] {strides = array<i32>} : memref<125x128xf32, #tpu.memory_space<vmem>>, vector<1x16xf32>,
      %swap3A_154 = vector.shape_cast %swap3A_153 : vector<1x16xf32> to vector<16xf32>
      %swap3A_155 = vector.shape_cast %broadcast_in_dim3A_75 : vector<16xf32> to vector<1x16xf32>
      tpu.vector_store %arg8[%swap3A, %swap3A_152], %swap3A_155 {strides = array<i32>} : memref<125x128xf32, #tpu.memory_space<vmem>>, vector<1x16xf32>,
      %swap3A_156 = arith.index_cast %scan3A_151 : i32 to index
      %swap3A_157 = arith.constant 16 : index
      %swap3A_158 = tpu.vector_load %arg8[%swap3A_156, %swap3A_157] {strides = array<i32>} : memref<125x128xf32, #tpu.memory_space<vmem>>, vector<1x16xf32>,
      %swap3A_159 = vector.shape_cast %swap3A_158 : vector<1x16xf32> to vector<16xf32>
      %swap3A_160 = vector.shape_cast %broadcast_in_dim3A_75 : vector<16xf32> to vector<1x16xf32>
      tpu.vector_store %arg8[%swap3A_156, %swap3A_157], %swap3A_160 {strides = array<i32>} : memref<125x128xf32, #tpu.memory_space<vmem>>, vector<1x16xf32>,
      %swap3A_161 = arith.index_cast %scan3A_151 : i32 to index
      %swap3A_162 = arith.constant 32 : index
      %swap3A_163 = tpu.vector_load %arg8[%swap3A_161, %swap3A_162] {strides = array<i32>} : memref<125x128xf32, #tpu.memory_space<vmem>>, vector<1x16xf32>,
      %swap3A_164 = vector.shape_cast %swap3A_163 : vector<1x16xf32> to vector<16xf32>
      %swap3A_165 = vector.shape_cast %broadcast_in_dim3A_75 : vector<16xf32> to vector<1x16xf32>
      tpu.vector_store %arg8[%swap3A_161, %swap3A_162], %swap3A_165 {strides = array<i32>} : memref<125x128xf32, #tpu.memory_space<vmem>>, vector<1x16xf32>,
      %swap3A_166 = arith.index_cast %scan3A_151 : i32 to index
      %swap3A_167 = arith.constant 48 : index
      %swap3A_168 = tpu.vector_load %arg8[%swap3A_166, %swap3A_167] {strides = array<i32>} : memref<125x128xf32, #tpu.memory_space<vmem>>, vector<1x16xf32>,
      %swap3A_169 = vector.shape_cast %swap3A_168 : vector<1x16xf32> to vector<16xf32>
      %swap3A_170 = vector.shape_cast %broadcast_in_dim3A_75 : vector<16xf32> to vector<1x16xf32>
      tpu.vector_store %arg8[%swap3A_166, %swap3A_167], %swap3A_170 {strides = array<i32>} : memref<125x128xf32, #tpu.memory_space<vmem>>, vector<1x16xf32>,
      %swap3A_171 = arith.index_cast %scan3A_151 : i32 to index
      %swap3A_172 = arith.constant 64 : index
      %swap3A_173 = tpu.vector_load %arg8[%swap3A_171, %swap3A_172] {strides = array<i32>} : memref<125x128xf32, #tpu.memory_space<vmem>>, vector<1x16xf32>,
      %swap3A_174 = vector.shape_cast %swap3A_173 : vector<1x16xf32> to vector<16xf32>
      %swap3A_175 = vector.shape_cast %broadcast_in_dim3A_75 : vector<16xf32> to vector<1x16xf32>
      tpu.vector_store %arg8[%swap3A_171, %swap3A_172], %swap3A_175 {strides = array<i32>} : memref<125x128xf32, #tpu.memory_space<vmem>>, vector<1x16xf32>,
      %swap3A_176 = arith.index_cast %scan3A_151 : i32 to index
      %swap3A_177 = arith.constant 80 : index
      %swap3A_178 = tpu.vector_load %arg8[%swap3A_176, %swap3A_177] {strides = array<i32>} : memref<125x128xf32, #tpu.memory_space<vmem>>, vector<1x16xf32>,
      %swap3A_179 = vector.shape_cast %swap3A_178 : vector<1x16xf32> to vector<16xf32>
      %swap3A_180 = vector.shape_cast %broadcast_in_dim3A_75 : vector<16xf32> to vector<1x16xf32>
      tpu.vector_store %arg8[%swap3A_176, %swap3A_177], %swap3A_180 {strides = array<i32>} : memref<125x128xf32, #tpu.memory_space<vmem>>, vector<1x16xf32>,
      %swap3A_181 = arith.index_cast %scan3A_151 : i32 to index
      %swap3A_182 = arith.constant 96 : index
      %swap3A_183 = tpu.vector_load %arg8[%swap3A_181, %swap3A_182] {strides = array<i32>} : memref<125x128xf32, #tpu.memory_space<vmem>>, vector<1x16xf32>,
      %swap3A_184 = vector.shape_cast %swap3A_183 : vector<1x16xf32> to vector<16xf32>
      %swap3A_185 = vector.shape_cast %broadcast_in_dim3A_75 : vector<16xf32> to vector<1x16xf32>
      tpu.vector_store %arg8[%swap3A_181, %swap3A_182], %swap3A_185 {strides = array<i32>} : memref<125x128xf32, #tpu.memory_space<vmem>>, vector<1x16xf32>,
      %swap3A_186 = arith.index_cast %scan3A_151 : i32 to index
      %swap3A_187 = arith.constant 112 : index
      %swap3A_188 = tpu.vector_load %arg8[%swap3A_186, %swap3A_187] {strides = array<i32>} : memref<125x128xf32, #tpu.memory_space<vmem>>, vector<1x16xf32>,
      %swap3A_189 = vector.shape_cast %swap3A_188 : vector<1x16xf32> to vector<16xf32>
      %swap3A_190 = vector.shape_cast %broadcast_in_dim3A_75 : vector<16xf32> to vector<1x16xf32>
      tpu.vector_store %arg8[%swap3A_186, %swap3A_187], %swap3A_190 {strides = array<i32>} : memref<125x128xf32, #tpu.memory_space<vmem>>, vector<1x16xf32>,
    }
    %scan3A_80 = arith.constant 120 : i32
    %add3A_81 = arith.constant 0 : i32
    %add3A_82 = arith.addi %multiple_of3A, %add3A_81 : i32
    "tpu.region"() ({
      %run_scoped3A = tpu.sem_alloc : memref<!tpu.dma_semaphore, #tpu.memory_space<semaphore_mem>>
      %dma_start3A_151 = arith.constant 0 : i32
      %dma_start3A_152 = arith.constant 0 : i32
      %dma_start3A_153 = tpu.memref_slice %arg8[%dma_start3A_151, %dma_start3A_152] : memref<125x128xf32, #tpu.memory_space<vmem>> -> memref<120x128xf32, #tpu.memory_space<vmem>>
      %dma_start3A_154 = arith.constant 0 : i32
      %dma_start3A_155 = tpu.memref_slice %arg6[%add3A_82, %dma_start3A_154] : memref<10000x128xf32, #tpu.memory_space<vmem_shared>> -> memref<120x128xf32, #tpu.memory_space<vmem_shared>>
      %dma_start3A_156 = arith.constant 0 : i32
      %dma_start3A_157 = tpu.memref_slice %arg6[%add3A_82, %dma_start3A_156] : memref<10000x128xf32, #tpu.memory_space<vmem_shared>> -> memref<120x128xf32, #tpu.memory_space<vmem_shared>>
      %dma_start3A_158 = arith.constant 0 : i32
      %dma_start3A_159 = arith.constant 0 : i32
      %dma_start3A_160 = tpu.memref_slice %arg8[%dma_start3A_158, %dma_start3A_159] : memref<125x128xf32, #tpu.memory_space<vmem>> -> memref<120x128xf32, #tpu.memory_space<vmem>>
      tpu.enqueue_dma source(%dma_start3A_160 : memref<120x128xf32, #tpu.memory_space<vmem>>) target(%dma_start3A_157 : memref<120x128xf32, #tpu.memory_space<vmem_shared>>) target_semaphore(%run_scoped3A : memref<!tpu.dma_semaphore, #tpu.memory_space<semaphore_mem>>)
      %dma_wait3A_161 = arith.constant 0 : i32
      %dma_wait3A_162 = arith.constant 0 : i32
      %dma_wait3A_163 = tpu.memref_slice %arg8[%dma_wait3A_161, %dma_wait3A_162] : memref<125x128xf32, #tpu.memory_space<vmem>> -> memref<120x128xf32, #tpu.memory_space<vmem>>
      %dma_wait3A_164 = arith.constant 0 : i32
      %dma_wait3A_165 = tpu.memref_slice %arg6[%add3A_82, %dma_wait3A_164] : memref<10000x128xf32, #tpu.memory_space<vmem_shared>> -> memref<120x128xf32, #tpu.memory_space<vmem_shared>>
      %dma_wait3A_166 = arith.constant 0 : i32
      %dma_wait3A_167 = tpu.memref_slice %arg6[%add3A_82, %dma_wait3A_166] : memref<10000x128xf32, #tpu.memory_space<vmem_shared>> -> memref<120x128xf32, #tpu.memory_space<vmem_shared>>
      %dma_wait3A_168 = arith.constant 0 : i32
      %dma_wait3A_169 = arith.constant 0 : i32
      %dma_wait3A_170 = tpu.memref_slice %arg8[%dma_wait3A_168, %dma_wait3A_169] : memref<125x128xf32, #tpu.memory_space<vmem>> -> memref<120x128xf32, #tpu.memory_space<vmem>>
      tpu.wait_dma2 semaphore(%run_scoped3A : memref<!tpu.dma_semaphore, #tpu.memory_space<semaphore_mem>>) src(%dma_wait3A_170 : memref<120x128xf32, #tpu.memory_space<vmem>>) dst(%dma_wait3A_167 : memref<120x128xf32, #tpu.memory_space<vmem_shared>>)
      tpu.yield
    }) : () -> ()
    %add3A_83 = arith.constant 120 : i32
    %add3A_84 = arith.addi %multiple_of3A, %add3A_83 : i32
    "tpu.region"() ({
      %run_scoped3A = tpu.sem_alloc : memref<!tpu.dma_semaphore, #tpu.memory_space<semaphore_mem>>
      %dma_start3A_151 = arith.constant 0 : i32
      %dma_start3A_152 = arith.constant 0 : i32
      %dma_start3A_153 = tpu.memref_slice %arg8[%dma_start3A_151, %dma_start3A_152] : memref<125x128xf32, #tpu.memory_space<vmem>> -> memref<120x128xf32, #tpu.memory_space<vmem>>
      %dma_start3A_154 = arith.constant 0 : i32
      %dma_start3A_155 = tpu.memref_slice %arg6[%add3A_84, %dma_start3A_154] : memref<10000x128xf32, #tpu.memory_space<vmem_shared>> -> memref<120x128xf32, #tpu.memory_space<vmem_shared>>
      %dma_start3A_156 = arith.constant 0 : i32
      %dma_start3A_157 = tpu.memref_slice %arg6[%add3A_84, %dma_start3A_156] : memref<10000x128xf32, #tpu.memory_space<vmem_shared>> -> memref<120x128xf32, #tpu.memory_space<vmem_shared>>
      %dma_start3A_158 = arith.constant 0 : i32
      %dma_start3A_159 = arith.constant 0 : i32
      %dma_start3A_160 = tpu.memref_slice %arg8[%dma_start3A_158, %dma_start3A_159] : memref<125x128xf32, #tpu.memory_space<vmem>> -> memref<120x128xf32, #tpu.memory_space<vmem>>
      tpu.enqueue_dma source(%dma_start3A_160 : memref<120x128xf32, #tpu.memory_space<vmem>>) target(%dma_start3A_157 : memref<120x128xf32, #tpu.memory_space<vmem_shared>>) target_semaphore(%run_scoped3A : memref<!tpu.dma_semaphore, #tpu.memory_space<semaphore_mem>>)
      %dma_wait3A_161 = arith.constant 0 : i32
      %dma_wait3A_162 = arith.constant 0 : i32
      %dma_wait3A_163 = tpu.memref_slice %arg8[%dma_wait3A_161, %dma_wait3A_162] : memref<125x128xf32, #tpu.memory_space<vmem>> -> memref<120x128xf32, #tpu.memory_space<vmem>>
      %dma_wait3A_164 = arith.constant 0 : i32
      %dma_wait3A_165 = tpu.memref_slice %arg6[%add3A_84, %dma_wait3A_164] : memref<10000x128xf32, #tpu.memory_space<vmem_shared>> -> memref<120x128xf32, #tpu.memory_space<vmem_shared>>
      %dma_wait3A_166 = arith.constant 0 : i32
      %dma_wait3A_167 = tpu.memref_slice %arg6[%add3A_84, %dma_wait3A_166] : memref<10000x128xf32, #tpu.memory_space<vmem_shared>> -> memref<120x128xf32, #tpu.memory_space<vmem_shared>>
      %dma_wait3A_168 = arith.constant 0 : i32
      %dma_wait3A_169 = arith.constant 0 : i32
      %dma_wait3A_170 = tpu.memref_slice %arg8[%dma_wait3A_168, %dma_wait3A_169] : memref<125x128xf32, #tpu.memory_space<vmem>> -> memref<120x128xf32, #tpu.memory_space<vmem>>
      tpu.wait_dma2 semaphore(%run_scoped3A : memref<!tpu.dma_semaphore, #tpu.memory_space<semaphore_mem>>) src(%dma_wait3A_170 : memref<120x128xf32, #tpu.memory_space<vmem>>) dst(%dma_wait3A_167 : memref<120x128xf32, #tpu.memory_space<vmem_shared>>)
      tpu.yield
    }) : () -> ()
    %add3A_85 = arith.constant 240 : i32
    %add3A_86 = arith.addi %multiple_of3A, %add3A_85 : i32
    "tpu.region"() ({
      %run_scoped3A = tpu.sem_alloc : memref<!tpu.dma_semaphore, #tpu.memory_space<semaphore_mem>>
      %dma_start3A_151 = arith.constant 0 : i32
      %dma_start3A_152 = arith.constant 0 : i32
      %dma_start3A_153 = tpu.memref_slice %arg8[%dma_start3A_151, %dma_start3A_152] : memref<125x128xf32, #tpu.memory_space<vmem>> -> memref<120x128xf32, #tpu.memory_space<vmem>>
      %dma_start3A_154 = arith.constant 0 : i32
      %dma_start3A_155 = tpu.memref_slice %arg6[%add3A_86, %dma_start3A_154] : memref<10000x128xf32, #tpu.memory_space<vmem_shared>> -> memref<120x128xf32, #tpu.memory_space<vmem_shared>>
      %dma_start3A_156 = arith.constant 0 : i32
      %dma_start3A_157 = tpu.memref_slice %arg6[%add3A_86, %dma_start3A_156] : memref<10000x128xf32, #tpu.memory_space<vmem_shared>> -> memref<120x128xf32, #tpu.memory_space<vmem_shared>>
      %dma_start3A_158 = arith.constant 0 : i32
      %dma_start3A_159 = arith.constant 0 : i32
      %dma_start3A_160 = tpu.memref_slice %arg8[%dma_start3A_158, %dma_start3A_159] : memref<125x128xf32, #tpu.memory_space<vmem>> -> memref<120x128xf32, #tpu.memory_space<vmem>>
      tpu.enqueue_dma source(%dma_start3A_160 : memref<120x128xf32, #tpu.memory_space<vmem>>) target(%dma_start3A_157 : memref<120x128xf32, #tpu.memory_space<vmem_shared>>) target_semaphore(%run_scoped3A : memref<!tpu.dma_semaphore, #tpu.memory_space<semaphore_mem>>)
      %dma_wait3A_161 = arith.constant 0 : i32
      %dma_wait3A_162 = arith.constant 0 : i32
      %dma_wait3A_163 = tpu.memref_slice %arg8[%dma_wait3A_161, %dma_wait3A_162] : memref<125x128xf32, #tpu.memory_space<vmem>> -> memref<120x128xf32, #tpu.memory_space<vmem>>
      %dma_wait3A_164 = arith.constant 0 : i32
      %dma_wait3A_165 = tpu.memref_slice %arg6[%add3A_86, %dma_wait3A_164] : memref<10000x128xf32, #tpu.memory_space<vmem_shared>> -> memref<120x128xf32, #tpu.memory_space<vmem_shared>>
      %dma_wait3A_166 = arith.constant 0 : i32
      %dma_wait3A_167 = tpu.memref_slice %arg6[%add3A_86, %dma_wait3A_166] : memref<10000x128xf32, #tpu.memory_space<vmem_shared>> -> memref<120x128xf32, #tpu.memory_space<vmem_shared>>
      %dma_wait3A_168 = arith.constant 0 : i32
      %dma_wait3A_169 = arith.constant 0 : i32
      %dma_wait3A_170 = tpu.memref_slice %arg8[%dma_wait3A_168, %dma_wait3A_169] : memref<125x128xf32, #tpu.memory_space<vmem>> -> memref<120x128xf32, #tpu.memory_space<vmem>>
      tpu.wait_dma2 semaphore(%run_scoped3A : memref<!tpu.dma_semaphore, #tpu.memory_space<semaphore_mem>>) src(%dma_wait3A_170 : memref<120x128xf32, #tpu.memory_space<vmem>>) dst(%dma_wait3A_167 : memref<120x128xf32, #tpu.memory_space<vmem_shared>>)
      tpu.yield
    }) : () -> ()
    %add3A_87 = arith.constant 360 : i32
    %add3A_88 = arith.addi %multiple_of3A, %add3A_87 : i32
    "tpu.region"() ({
      %run_scoped3A = tpu.sem_alloc : memref<!tpu.dma_semaphore, #tpu.memory_space<semaphore_mem>>
      %dma_start3A_151 = arith.constant 0 : i32
      %dma_start3A_152 = arith.constant 0 : i32
      %dma_start3A_153 = tpu.memref_slice %arg8[%dma_start3A_151, %dma_start3A_152] : memref<125x128xf32, #tpu.memory_space<vmem>> -> memref<120x128xf32, #tpu.memory_space<vmem>>
      %dma_start3A_154 = arith.constant 0 : i32
      %dma_start3A_155 = tpu.memref_slice %arg6[%add3A_88, %dma_start3A_154] : memref<10000x128xf32, #tpu.memory_space<vmem_shared>> -> memref<120x128xf32, #tpu.memory_space<vmem_shared>>
      %dma_start3A_156 = arith.constant 0 : i32
      %dma_start3A_157 = tpu.memref_slice %arg6[%add3A_88, %dma_start3A_156] : memref<10000x128xf32, #tpu.memory_space<vmem_shared>> -> memref<120x128xf32, #tpu.memory_space<vmem_shared>>
      %dma_start3A_158 = arith.constant 0 : i32
      %dma_start3A_159 = arith.constant 0 : i32
      %dma_start3A_160 = tpu.memref_slice %arg8[%dma_start3A_158, %dma_start3A_159] : memref<125x128xf32, #tpu.memory_space<vmem>> -> memref<120x128xf32, #tpu.memory_space<vmem>>
      tpu.enqueue_dma source(%dma_start3A_160 : memref<120x128xf32, #tpu.memory_space<vmem>>) target(%dma_start3A_157 : memref<120x128xf32, #tpu.memory_space<vmem_shared>>) target_semaphore(%run_scoped3A : memref<!tpu.dma_semaphore, #tpu.memory_space<semaphore_mem>>)
      %dma_wait3A_161 = arith.constant 0 : i32
      %dma_wait3A_162 = arith.constant 0 : i32
      %dma_wait3A_163 = tpu.memref_slice %arg8[%dma_wait3A_161, %dma_wait3A_162] : memref<125x128xf32, #tpu.memory_space<vmem>> -> memref<120x128xf32, #tpu.memory_space<vmem>>
      %dma_wait3A_164 = arith.constant 0 : i32
      %dma_wait3A_165 = tpu.memref_slice %arg6[%add3A_88, %dma_wait3A_164] : memref<10000x128xf32, #tpu.memory_space<vmem_shared>> -> memref<120x128xf32, #tpu.memory_space<vmem_shared>>
      %dma_wait3A_166 = arith.constant 0 : i32
      %dma_wait3A_167 = tpu.memref_slice %arg6[%add3A_88, %dma_wait3A_166] : memref<10000x128xf32, #tpu.memory_space<vmem_shared>> -> memref<120x128xf32, #tpu.memory_space<vmem_shared>>
      %dma_wait3A_168 = arith.constant 0 : i32
      %dma_wait3A_169 = arith.constant 0 : i32
      %dma_wait3A_170 = tpu.memref_slice %arg8[%dma_wait3A_168, %dma_wait3A_169] : memref<125x128xf32, #tpu.memory_space<vmem>> -> memref<120x128xf32, #tpu.memory_space<vmem>>
      tpu.wait_dma2 semaphore(%run_scoped3A : memref<!tpu.dma_semaphore, #tpu.memory_space<semaphore_mem>>) src(%dma_wait3A_170 : memref<120x128xf32, #tpu.memory_space<vmem>>) dst(%dma_wait3A_167 : memref<120x128xf32, #tpu.memory_space<vmem_shared>>)
      tpu.yield
    }) : () -> ()
    %add3A_89 = arith.constant 480 : i32
    %add3A_90 = arith.addi %multiple_of3A, %add3A_89 : i32
    "tpu.region"() ({
      %run_scoped3A = tpu.sem_alloc : memref<!tpu.dma_semaphore, #tpu.memory_space<semaphore_mem>>
      %dma_start3A_151 = arith.constant 0 : i32
      %dma_start3A_152 = arith.constant 0 : i32
      %dma_start3A_153 = tpu.memref_slice %arg8[%dma_start3A_151, %dma_start3A_152] : memref<125x128xf32, #tpu.memory_space<vmem>> -> memref<120x128xf32, #tpu.memory_space<vmem>>
      %dma_start3A_154 = arith.constant 0 : i32
      %dma_start3A_155 = tpu.memref_slice %arg6[%add3A_90, %dma_start3A_154] : memref<10000x128xf32, #tpu.memory_space<vmem_shared>> -> memref<120x128xf32, #tpu.memory_space<vmem_shared>>
      %dma_start3A_156 = arith.constant 0 : i32
      %dma_start3A_157 = tpu.memref_slice %arg6[%add3A_90, %dma_start3A_156] : memref<10000x128xf32, #tpu.memory_space<vmem_shared>> -> memref<120x128xf32, #tpu.memory_space<vmem_shared>>
      %dma_start3A_158 = arith.constant 0 : i32
      %dma_start3A_159 = arith.constant 0 : i32
      %dma_start3A_160 = tpu.memref_slice %arg8[%dma_start3A_158, %dma_start3A_159] : memref<125x128xf32, #tpu.memory_space<vmem>> -> memref<120x128xf32, #tpu.memory_space<vmem>>
      tpu.enqueue_dma source(%dma_start3A_160 : memref<120x128xf32, #tpu.memory_space<vmem>>) target(%dma_start3A_157 : memref<120x128xf32, #tpu.memory_space<vmem_shared>>) target_semaphore(%run_scoped3A : memref<!tpu.dma_semaphore, #tpu.memory_space<semaphore_mem>>)
      %dma_wait3A_161 = arith.constant 0 : i32
      %dma_wait3A_162 = arith.constant 0 : i32
      %dma_wait3A_163 = tpu.memref_slice %arg8[%dma_wait3A_161, %dma_wait3A_162] : memref<125x128xf32, #tpu.memory_space<vmem>> -> memref<120x128xf32, #tpu.memory_space<vmem>>
      %dma_wait3A_164 = arith.constant 0 : i32
      %dma_wait3A_165 = tpu.memref_slice %arg6[%add3A_90, %dma_wait3A_164] : memref<10000x128xf32, #tpu.memory_space<vmem_shared>> -> memref<120x128xf32, #tpu.memory_space<vmem_shared>>
      %dma_wait3A_166 = arith.constant 0 : i32
      %dma_wait3A_167 = tpu.memref_slice %arg6[%add3A_90, %dma_wait3A_166] : memref<10000x128xf32, #tpu.memory_space<vmem_shared>> -> memref<120x128xf32, #tpu.memory_space<vmem_shared>>
      %dma_wait3A_168 = arith.constant 0 : i32
      %dma_wait3A_169 = arith.constant 0 : i32
      %dma_wait3A_170 = tpu.memref_slice %arg8[%dma_wait3A_168, %dma_wait3A_169] : memref<125x128xf32, #tpu.memory_space<vmem>> -> memref<120x128xf32, #tpu.memory_space<vmem>>
      tpu.wait_dma2 semaphore(%run_scoped3A : memref<!tpu.dma_semaphore, #tpu.memory_space<semaphore_mem>>) src(%dma_wait3A_170 : memref<120x128xf32, #tpu.memory_space<vmem>>) dst(%dma_wait3A_167 : memref<120x128xf32, #tpu.memory_space<vmem_shared>>)
      tpu.yield
    }) : () -> ()
    %add3A_91 = arith.constant 600 : i32
    %add3A_92 = arith.addi %multiple_of3A, %add3A_91 : i32
    "tpu.region"() ({
      %run_scoped3A = tpu.sem_alloc : memref<!tpu.dma_semaphore, #tpu.memory_space<semaphore_mem>>
      %dma_start3A_151 = arith.constant 0 : i32
      %dma_start3A_152 = arith.constant 0 : i32
      %dma_start3A_153 = tpu.memref_slice %arg8[%dma_start3A_151, %dma_start3A_152] : memref<125x128xf32, #tpu.memory_space<vmem>> -> memref<32x128xf32, #tpu.memory_space<vmem>>
      %dma_start3A_154 = arith.constant 0 : i32
      %dma_start3A_155 = tpu.memref_slice %arg6[%add3A_92, %dma_start3A_154] : memref<10000x128xf32, #tpu.memory_space<vmem_shared>> -> memref<32x128xf32, #tpu.memory_space<vmem_shared>>
      %dma_start3A_156 = arith.constant 0 : i32
      %dma_start3A_157 = tpu.memref_slice %arg6[%add3A_92, %dma_start3A_156] : memref<10000x128xf32, #tpu.memory_space<vmem_shared>> -> memref<32x128xf32, #tpu.memory_space<vmem_shared>>
      %dma_start3A_158 = arith.constant 0 : i32
      %dma_start3A_159 = arith.constant 0 : i32
      %dma_start3A_160 = tpu.memref_slice %arg8[%dma_start3A_158, %dma_start3A_159] : memref<125x128xf32, #tpu.memory_space<vmem>> -> memref<32x128xf32, #tpu.memory_space<vmem>>
      tpu.enqueue_dma source(%dma_start3A_160 : memref<32x128xf32, #tpu.memory_space<vmem>>) target(%dma_start3A_157 : memref<32x128xf32, #tpu.memory_space<vmem_shared>>) target_semaphore(%run_scoped3A : memref<!tpu.dma_semaphore, #tpu.memory_space<semaphore_mem>>)
      %dma_wait3A_161 = arith.constant 0 : i32
      %dma_wait3A_162 = arith.constant 0 : i32
      %dma_wait3A_163 = tpu.memref_slice %arg8[%dma_wait3A_161, %dma_wait3A_162] : memref<125x128xf32, #tpu.memory_space<vmem>> -> memref<32x128xf32, #tpu.memory_space<vmem>>
      %dma_wait3A_164 = arith.constant 0 : i32
      %dma_wait3A_165 = tpu.memref_slice %arg6[%add3A_92, %dma_wait3A_164] : memref<10000x128xf32, #tpu.memory_space<vmem_shared>> -> memref<32x128xf32, #tpu.memory_space<vmem_shared>>
      %dma_wait3A_166 = arith.constant 0 : i32
      %dma_wait3A_167 = tpu.memref_slice %arg6[%add3A_92, %dma_wait3A_166] : memref<10000x128xf32, #tpu.memory_space<vmem_shared>> -> memref<32x128xf32, #tpu.memory_space<vmem_shared>>
      %dma_wait3A_168 = arith.constant 0 : i32
      %dma_wait3A_169 = arith.constant 0 : i32
      %dma_wait3A_170 = tpu.memref_slice %arg8[%dma_wait3A_168, %dma_wait3A_169] : memref<125x128xf32, #tpu.memory_space<vmem>> -> memref<32x128xf32, #tpu.memory_space<vmem>>
      tpu.wait_dma2 semaphore(%run_scoped3A : memref<!tpu.dma_semaphore, #tpu.memory_space<semaphore_mem>>) src(%dma_wait3A_170 : memref<32x128xf32, #tpu.memory_space<vmem>>) dst(%dma_wait3A_167 : memref<32x128xf32, #tpu.memory_space<vmem_shared>>)
      tpu.yield
    }) : () -> ()
    %barrier3A = arith.constant 0 : index
    tpu.barrier barrier_id(%barrier3A)
    %dma_wait3A = arith.constant 0 : i32
    %dma_wait3A_93 = arith.constant 0 : i32
    %dma_wait3A_94 = arith.constant 0 : i32
    %dma_wait3A_95 = arith.constant 0 : i32
    %dma_wait3A_96 = tpu.memref_slice %arg7[%dma_wait3A_93, %dma_wait3A_94, %dma_wait3A_95] : memref<4x2x125xi32, #tpu.memory_space<vmem>> -> memref<1x2x125xi32, #tpu.memory_space<vmem>>
    %dma_wait3A_97 = tpu.memref_squeeze %dma_wait3A_96 : memref<1x2x125xi32, #tpu.memory_space<vmem>> -> memref<2x125xi32, #tpu.memory_space<vmem>>
    %dma_wait3A_98 = arith.constant 0 : i32
    %dma_wait3A_99 = arith.constant 0 : i32
    %dma_wait3A_100 = tpu.memref_slice %arg3[%add3A, %dma_wait3A, %dma_wait3A_98, %dma_wait3A_99] : memref<32x80x2x125xi32, #tpu.memory_space<hbm>> -> memref<1x1x2x125xi32, #tpu.memory_space<hbm>>
    %dma_wait3A_101 = tpu.memref_squeeze %dma_wait3A_100 : memref<1x1x2x125xi32, #tpu.memory_space<hbm>> -> memref<2x125xi32, #tpu.memory_space<hbm>>
    %dma_wait3A_102 = arith.constant 0 : i32
    %dma_wait3A_103 = arith.constant 0 : i32
    %dma_wait3A_104 = tpu.memref_slice %arg7[%dma_wait3A_93, %dma_wait3A_102, %dma_wait3A_103] : memref<4x2x125xi32, #tpu.memory_space<vmem>> -> memref<1x2x125xi32, #tpu.memory_space<vmem>>
    %dma_wait3A_105 = tpu.memref_squeeze %dma_wait3A_104 : memref<1x2x125xi32, #tpu.memory_space<vmem>> -> memref<2x125xi32, #tpu.memory_space<vmem>>
    %dma_wait3A_106 = arith.constant 0 : i32
    %dma_wait3A_107 = arith.constant 0 : i32
    %dma_wait3A_108 = tpu.memref_slice %arg3[%add3A, %dma_wait3A, %dma_wait3A_106, %dma_wait3A_107] : memref<32x80x2x125xi32, #tpu.memory_space<hbm>> -> memref<1x1x2x125xi32, #tpu.memory_space<hbm>>
    %dma_wait3A_109 = tpu.memref_squeeze %dma_wait3A_108 : memref<1x1x2x125xi32, #tpu.memory_space<hbm>> -> memref<2x125xi32, #tpu.memory_space<hbm>>
    tpu.wait_dma2 semaphore(%arg12 : memref<!tpu.dma_semaphore, #tpu.memory_space<semaphore_mem>>) src(%dma_wait3A_109 : memref<2x125xi32, #tpu.memory_space<hbm>>) dst(%dma_wait3A_105 : memref<2x125xi32, #tpu.memory_space<vmem>>)
    %dma_start3A_110 = arith.constant 0 : i32
    %dma_start3A_111 = arith.constant 0 : i32
    %dma_start3A_112 = arith.constant 0 : i32
    %dma_start3A_113 = tpu.memref_slice %arg7[%dma_start3A_110, %dma_start3A_111, %dma_start3A_112] : memref<4x2x125xi32, #tpu.memory_space<vmem>> -> memref<1x1x125xi32, #tpu.memory_space<vmem>>
    %dma_start3A_114 = tpu.memref_squeeze %dma_start3A_113 : memref<1x1x125xi32, #tpu.memory_space<vmem>> -> memref<125xi32, #tpu.memory_space<vmem>>
    %dma_start3A_115 = arith.constant 0 : i32
    %dma_start3A_116 = arith.constant 0 : i32
    %dma_start3A_117 = tpu.memref_slice %arg2[%dma_start3A_115, %dma_start3A_116] : memref<10000x128xf32, #tpu.memory_space<hbm>> -> memref<10000x128xf32, #tpu.memory_space<hbm>>
    tpu.enqueue_indirect_dma source(%dma_start3A_117 : memref<10000x128xf32, #tpu.memory_space<hbm>>) target(%arg8 : memref<125x128xf32, #tpu.memory_space<vmem>>) offsets(%dma_start3A_114 : memref<125xi32, #tpu.memory_space<vmem>>) semaphore(%arg10 : memref<!tpu.dma_semaphore, #tpu.memory_space<semaphore_mem>>)
    %dma_wait3A_118 = arith.constant 1 : i32
    %dma_wait3A_119 = arith.constant 1 : i32
    %dma_wait3A_120 = arith.constant 0 : i32
    %dma_wait3A_121 = arith.constant 0 : i32
    %dma_wait3A_122 = tpu.memref_slice %arg7[%dma_wait3A_119, %dma_wait3A_120, %dma_wait3A_121] : memref<4x2x125xi32, #tpu.memory_space<vmem>> -> memref<1x2x125xi32, #tpu.memory_space<vmem>>
    %dma_wait3A_123 = tpu.memref_squeeze %dma_wait3A_122 : memref<1x2x125xi32, #tpu.memory_space<vmem>> -> memref<2x125xi32, #tpu.memory_space<vmem>>
    %dma_wait3A_124 = arith.constant 0 : i32
    %dma_wait3A_125 = arith.constant 0 : i32
    %dma_wait3A_126 = tpu.memref_slice %arg3[%add3A, %dma_wait3A_118, %dma_wait3A_124, %dma_wait3A_125] : memref<32x80x2x125xi32, #tpu.memory_space<hbm>> -> memref<1x1x2x125xi32, #tpu.memory_space<hbm>>
    %dma_wait3A_127 = tpu.memref_squeeze %dma_wait3A_126 : memref<1x1x2x125xi32, #tpu.memory_space<hbm>> -> memref<2x125xi32, #tpu.memory_space<hbm>>
    %dma_wait3A_128 = arith.constant 0 : i32
    %dma_wait3A_129 = arith.constant 0 : i32
    %dma_wait3A_130 = tpu.memref_slice %arg7[%dma_wait3A_119, %dma_wait3A_128, %dma_wait3A_129] : memref<4x2x125xi32, #tpu.memory_space<vmem>> -> memref<1x2x125xi32, #tpu.memory_space<vmem>>
    %dma_wait3A_131 = tpu.memref_squeeze %dma_wait3A_130 : memref<1x2x125xi32, #tpu.memory_space<vmem>> -> memref<2x125xi32, #tpu.memory_space<vmem>>
    %dma_wait3A_132 = arith.constant 0 : i32
    %dma_wait3A_133 = arith.constant 0 : i32
    %dma_wait3A_134 = tpu.memref_slice %arg3[%add3A, %dma_wait3A_118, %dma_wait3A_132, %dma_wait3A_133] : memref<32x80x2x125xi32, #tpu.memory_space<hbm>> -> memref<1x1x2x125xi32, #tpu.memory_space<hbm>>
    %dma_wait3A_135 = tpu.memref_squeeze %dma_wait3A_134 : memref<1x1x2x125xi32, #tpu.memory_space<hbm>> -> memref<2x125xi32, #tpu.memory_space<hbm>>
    tpu.wait_dma2 semaphore(%arg13 : memref<!tpu.dma_semaphore, #tpu.memory_space<semaphore_mem>>) src(%dma_wait3A_135 : memref<2x125xi32, #tpu.memory_space<hbm>>) dst(%dma_wait3A_131 : memref<2x125xi32, #tpu.memory_space<vmem>>)
    %dma_start3A_136 = arith.constant 1 : i32
    %dma_start3A_137 = arith.constant 0 : i32
    %dma_start3A_138 = arith.constant 0 : i32
    %dma_start3A_139 = tpu.memref_slice %arg7[%dma_start3A_136, %dma_start3A_137, %dma_start3A_138] : memref<4x2x125xi32, #tpu.memory_space<vmem>> -> memref<1x1x125xi32, #tpu.memory_space<vmem>>
    %dma_start3A_140 = tpu.memref_squeeze %dma_start3A_139 : memref<1x1x125xi32, #tpu.memory_space<vmem>> -> memref<125xi32, #tpu.memory_space<vmem>>
    %dma_start3A_141 = arith.constant 0 : i32
    %dma_start3A_142 = arith.constant 0 : i32
    %dma_start3A_143 = tpu.memref_slice %arg2[%dma_start3A_141, %dma_start3A_142] : memref<10000x128xf32, #tpu.memory_space<hbm>> -> memref<10000x128xf32, #tpu.memory_space<hbm>>
    tpu.enqueue_indirect_dma source(%dma_start3A_143 : memref<10000x128xf32, #tpu.memory_space<hbm>>) target(%arg9 : memref<125x128xf32, #tpu.memory_space<vmem>>) offsets(%dma_start3A_140 : memref<125xi32, #tpu.memory_space<vmem>>) semaphore(%arg11 : memref<!tpu.dma_semaphore, #tpu.memory_space<semaphore_mem>>)
    %scan3A_144 = arith.constant 0 : i32
    %scan3A_145 = arith.constant 0 : i32
    %scan3A_146 = arith.constant 20 : i32
    %scan3A_147 = arith.addi %scan3A_145, %scan3A_146 : i32
    %scan3A_148 = arith.constant 1 : i32
    scf.for %scan3A_151 = %scan3A_145 to %scan3A_147 step %scan3A_148  : i32 {
      %mul3A_152 = arith.constant 4 : i32
      %mul3A_153 = arith.muli %mul3A_152, %scan3A_151 : i32
      %add3A_154 = arith.constant 0 : i32
      %add3A_155 = arith.addi %mul3A_153, %add3A_154 : i32
      %dma_wait3A_156 = arith.constant 0 : i32
      %dma_wait3A_157 = arith.constant 0 : i32
      %dma_wait3A_158 = arith.constant 0 : i32
      %dma_wait3A_159 = tpu.memref_slice %arg7[%dma_wait3A_156, %dma_wait3A_157, %dma_wait3A_158] : memref<4x2x125xi32, #tpu.memory_space<vmem>> -> memref<1x1x125xi32, #tpu.memory_space<vmem>>
      %dma_wait3A_160 = tpu.memref_squeeze %dma_wait3A_159 : memref<1x1x125xi32, #tpu.memory_space<vmem>> -> memref<125xi32, #tpu.memory_space<vmem>>
      %dma_wait3A_161 = arith.constant 0 : i32
      %dma_wait3A_162 = arith.constant 0 : i32
      %dma_wait3A_163 = tpu.memref_slice %arg2[%dma_wait3A_161, %dma_wait3A_162] : memref<10000x128xf32, #tpu.memory_space<hbm>> -> memref<10000x128xf32, #tpu.memory_space<hbm>>
      tpu.wait_indirect_dma semaphore(%arg10 : memref<!tpu.dma_semaphore, #tpu.memory_space<semaphore_mem>>) src(%dma_wait3A_163 : memref<10000x128xf32, #tpu.memory_space<hbm>>) dst(%arg8 : memref<125x128xf32, #tpu.memory_space<vmem>>)
      %run_scoped3A = arith.constant 0 : i32
      %run_scoped3A_164 = arith.constant 1 : i32
      "tpu.region"() ({
        %run_scoped3A_254 = tpu.sem_alloc : memref<!tpu.dma_semaphore, #tpu.memory_space<semaphore_mem>>
        %dma_start3A_255 = arith.constant 0 : i32
        %dma_start3A_256 = tpu.memref_slice %arg7[%run_scoped3A, %run_scoped3A_164, %dma_start3A_255] : memref<4x2x125xi32, #tpu.memory_space<vmem>> -> memref<1x1x125xi32, #tpu.memory_space<vmem>>
        %dma_start3A_257 = tpu.memref_squeeze %dma_start3A_256 : memref<1x1x125xi32, #tpu.memory_space<vmem>> -> memref<125xi32, #tpu.memory_space<vmem>>
        %dma_start3A_258 = arith.constant 0 : i32
        %dma_start3A_259 = arith.constant 0 : i32
        %dma_start3A_260 = tpu.memref_slice %arg6[%dma_start3A_258, %dma_start3A_259] : memref<10000x128xf32, #tpu.memory_space<vmem_shared>> -> memref<10000x128xf32, #tpu.memory_space<vmem_shared>>
        tpu.enqueue_indirect_dma source(%arg8 : memref<125x128xf32, #tpu.memory_space<vmem>>) target(%dma_start3A_260 : memref<10000x128xf32, #tpu.memory_space<vmem_shared>>) offsets(%dma_start3A_257 : memref<125xi32, #tpu.memory_space<vmem>>) semaphore(%run_scoped3A_254 : memref<!tpu.dma_semaphore, #tpu.memory_space<semaphore_mem>>) {add = true}
        %dma_wait3A_261 = arith.constant 0 : i32
        %dma_wait3A_262 = tpu.memref_slice %arg7[%run_scoped3A, %run_scoped3A_164, %dma_wait3A_261] : memref<4x2x125xi32, #tpu.memory_space<vmem>> -> memref<1x1x125xi32, #tpu.memory_space<vmem>>
        %dma_wait3A_263 = tpu.memref_squeeze %dma_wait3A_262 : memref<1x1x125xi32, #tpu.memory_space<vmem>> -> memref<125xi32, #tpu.memory_space<vmem>>
        %dma_wait3A_264 = arith.constant 0 : i32
        %dma_wait3A_265 = arith.constant 0 : i32
        %dma_wait3A_266 = tpu.memref_slice %arg6[%dma_wait3A_264, %dma_wait3A_265] : memref<10000x128xf32, #tpu.memory_space<vmem_shared>> -> memref<10000x128xf32, #tpu.memory_space<vmem_shared>>
        tpu.wait_indirect_dma semaphore(%run_scoped3A_254 : memref<!tpu.dma_semaphore, #tpu.memory_space<semaphore_mem>>) src(%arg8 : memref<125x128xf32, #tpu.memory_space<vmem>>) dst(%dma_wait3A_266 : memref<10000x128xf32, #tpu.memory_space<vmem_shared>>)
        tpu.yield
      }) : () -> ()
      %add3A_165 = arith.constant 4 : i32
      %add3A_166 = arith.addi %add3A_155, %add3A_165 : i32
      %lt3A = arith.constant 80 : i32
      %lt3A_167 = arith.cmpi slt, %add3A_166, %lt3A : i32
      %convert_element_type3A = arith.extui %lt3A_167 : i1 to i32
      %cond3A = arith.constant 0 : i32
      %cond3A_168 = arith.cmpi ne, %convert_element_type3A, %cond3A : i32
      scf.if %cond3A_168 {
        %add3A_254 = arith.constant 4 : i32
        %add3A_255 = arith.addi %add3A_155, %add3A_254 : i32
        %dma_start3A_256 = arith.constant 0 : i32
        %dma_start3A_257 = arith.constant 0 : i32
        %dma_start3A_258 = arith.constant 0 : i32
        %dma_start3A_259 = tpu.memref_slice %arg7[%dma_start3A_256, %dma_start3A_257, %dma_start3A_258] : memref<4x2x125xi32, #tpu.memory_space<vmem>> -> memref<1x2x125xi32, #tpu.memory_space<vmem>>
        %dma_start3A_260 = tpu.memref_squeeze %dma_start3A_259 : memref<1x2x125xi32, #tpu.memory_space<vmem>> -> memref<2x125xi32, #tpu.memory_space<vmem>>
        %dma_start3A_261 = arith.constant 0 : i32
        %dma_start3A_262 = arith.constant 0 : i32
        %dma_start3A_263 = tpu.memref_slice %arg3[%add3A, %add3A_255, %dma_start3A_261, %dma_start3A_262] : memref<32x80x2x125xi32, #tpu.memory_space<hbm>> -> memref<1x1x2x125xi32, #tpu.memory_space<hbm>>
        %dma_start3A_264 = tpu.memref_squeeze %dma_start3A_263 : memref<1x1x2x125xi32, #tpu.memory_space<hbm>> -> memref<2x125xi32, #tpu.memory_space<hbm>>
        %dma_start3A_265 = arith.constant 0 : i32
        %dma_start3A_266 = arith.constant 0 : i32
        %dma_start3A_267 = tpu.memref_slice %arg7[%dma_start3A_256, %dma_start3A_265, %dma_start3A_266] : memref<4x2x125xi32, #tpu.memory_space<vmem>> -> memref<1x2x125xi32, #tpu.memory_space<vmem>>
        %dma_start3A_268 = tpu.memref_squeeze %dma_start3A_267 : memref<1x2x125xi32, #tpu.memory_space<vmem>> -> memref<2x125xi32, #tpu.memory_space<vmem>>
        %dma_start3A_269 = arith.constant 0 : i32
        %dma_start3A_270 = arith.constant 0 : i32
        %dma_start3A_271 = tpu.memref_slice %arg3[%add3A, %add3A_255, %dma_start3A_269, %dma_start3A_270] : memref<32x80x2x125xi32, #tpu.memory_space<hbm>> -> memref<1x1x2x125xi32, #tpu.memory_space<hbm>>
        %dma_start3A_272 = tpu.memref_squeeze %dma_start3A_271 : memref<1x1x2x125xi32, #tpu.memory_space<hbm>> -> memref<2x125xi32, #tpu.memory_space<hbm>>
        tpu.enqueue_dma source(%dma_start3A_272 : memref<2x125xi32, #tpu.memory_space<hbm>>) target(%dma_start3A_268 : memref<2x125xi32, #tpu.memory_space<vmem>>) target_semaphore(%arg12 : memref<!tpu.dma_semaphore, #tpu.memory_space<semaphore_mem>>)
      } else {
      }
      %add3A_169 = arith.constant 2 : i32
      %add3A_170 = arith.addi %add3A_155, %add3A_169 : i32
      %lt3A_171 = arith.constant 80 : i32
      %lt3A_172 = arith.cmpi slt, %add3A_170, %lt3A_171 : i32
      %convert_element_type3A_173 = arith.extui %lt3A_172 : i1 to i32
      %cond3A_174 = arith.constant 0 : i32
      %cond3A_175 = arith.cmpi ne, %convert_element_type3A_173, %cond3A_174 : i32
      scf.if %cond3A_175 {
        %add3A_254 = arith.constant 2 : i32
        %add3A_255 = arith.addi %add3A_155, %add3A_254 : i32
        %dma_wait3A_256 = arith.constant 2 : i32
        %dma_wait3A_257 = arith.constant 0 : i32
        %dma_wait3A_258 = arith.constant 0 : i32
        %dma_wait3A_259 = tpu.memref_slice %arg7[%dma_wait3A_256, %dma_wait3A_257, %dma_wait3A_258] : memref<4x2x125xi32, #tpu.memory_space<vmem>> -> memref<1x2x125xi32, #tpu.memory_space<vmem>>
        %dma_wait3A_260 = tpu.memref_squeeze %dma_wait3A_259 : memref<1x2x125xi32, #tpu.memory_space<vmem>> -> memref<2x125xi32, #tpu.memory_space<vmem>>
        %dma_wait3A_261 = arith.constant 0 : i32
        %dma_wait3A_262 = arith.constant 0 : i32
        %dma_wait3A_263 = tpu.memref_slice %arg3[%add3A, %add3A_255, %dma_wait3A_261, %dma_wait3A_262] : memref<32x80x2x125xi32, #tpu.memory_space<hbm>> -> memref<1x1x2x125xi32, #tpu.memory_space<hbm>>
        %dma_wait3A_264 = tpu.memref_squeeze %dma_wait3A_263 : memref<1x1x2x125xi32, #tpu.memory_space<hbm>> -> memref<2x125xi32, #tpu.memory_space<hbm>>
        %dma_wait3A_265 = arith.constant 0 : i32
        %dma_wait3A_266 = arith.constant 0 : i32
        %dma_wait3A_267 = tpu.memref_slice %arg7[%dma_wait3A_256, %dma_wait3A_265, %dma_wait3A_266] : memref<4x2x125xi32, #tpu.memory_space<vmem>> -> memref<1x2x125xi32, #tpu.memory_space<vmem>>
        %dma_wait3A_268 = tpu.memref_squeeze %dma_wait3A_267 : memref<1x2x125xi32, #tpu.memory_space<vmem>> -> memref<2x125xi32, #tpu.memory_space<vmem>>
        %dma_wait3A_269 = arith.constant 0 : i32
        %dma_wait3A_270 = arith.constant 0 : i32
        %dma_wait3A_271 = tpu.memref_slice %arg3[%add3A, %add3A_255, %dma_wait3A_269, %dma_wait3A_270] : memref<32x80x2x125xi32, #tpu.memory_space<hbm>> -> memref<1x1x2x125xi32, #tpu.memory_space<hbm>>
        %dma_wait3A_272 = tpu.memref_squeeze %dma_wait3A_271 : memref<1x1x2x125xi32, #tpu.memory_space<hbm>> -> memref<2x125xi32, #tpu.memory_space<hbm>>
        tpu.wait_dma2 semaphore(%arg14 : memref<!tpu.dma_semaphore, #tpu.memory_space<semaphore_mem>>) src(%dma_wait3A_272 : memref<2x125xi32, #tpu.memory_space<hbm>>) dst(%dma_wait3A_268 : memref<2x125xi32, #tpu.memory_space<vmem>>)
        %dma_start3A_273 = arith.constant 2 : i32
        %dma_start3A_274 = arith.constant 0 : i32
        %dma_start3A_275 = arith.constant 0 : i32
        %dma_start3A_276 = tpu.memref_slice %arg7[%dma_start3A_273, %dma_start3A_274, %dma_start3A_275] : memref<4x2x125xi32, #tpu.memory_space<vmem>> -> memref<1x1x125xi32, #tpu.memory_space<vmem>>
        %dma_start3A_277 = tpu.memref_squeeze %dma_start3A_276 : memref<1x1x125xi32, #tpu.memory_space<vmem>> -> memref<125xi32, #tpu.memory_space<vmem>>
        %dma_start3A_278 = arith.constant 0 : i32
        %dma_start3A_279 = arith.constant 0 : i32
        %dma_start3A_280 = tpu.memref_slice %arg2[%dma_start3A_278, %dma_start3A_279] : memref<10000x128xf32, #tpu.memory_space<hbm>> -> memref<10000x128xf32, #tpu.memory_space<hbm>>
        tpu.enqueue_indirect_dma source(%dma_start3A_280 : memref<10000x128xf32, #tpu.memory_space<hbm>>) target(%arg8 : memref<125x128xf32, #tpu.memory_space<vmem>>) offsets(%dma_start3A_277 : memref<125xi32, #tpu.memory_space<vmem>>) semaphore(%arg10 : memref<!tpu.dma_semaphore, #tpu.memory_space<semaphore_mem>>)
      } else {
      }
      %add3A_176 = arith.constant 1 : i32
      %add3A_177 = arith.addi %mul3A_153, %add3A_176 : i32
      %dma_wait3A_178 = arith.constant 1 : i32
      %dma_wait3A_179 = arith.constant 0 : i32
      %dma_wait3A_180 = arith.constant 0 : i32
      %dma_wait3A_181 = tpu.memref_slice %arg7[%dma_wait3A_178, %dma_wait3A_179, %dma_wait3A_180] : memref<4x2x125xi32, #tpu.memory_space<vmem>> -> memref<1x1x125xi32, #tpu.memory_space<vmem>>
      %dma_wait3A_182 = tpu.memref_squeeze %dma_wait3A_181 : memref<1x1x125xi32, #tpu.memory_space<vmem>> -> memref<125xi32, #tpu.memory_space<vmem>>
      %dma_wait3A_183 = arith.constant 0 : i32
      %dma_wait3A_184 = arith.constant 0 : i32
      %dma_wait3A_185 = tpu.memref_slice %arg2[%dma_wait3A_183, %dma_wait3A_184] : memref<10000x128xf32, #tpu.memory_space<hbm>> -> memref<10000x128xf32, #tpu.memory_space<hbm>>
      tpu.wait_indirect_dma semaphore(%arg11 : memref<!tpu.dma_semaphore, #tpu.memory_space<semaphore_mem>>) src(%dma_wait3A_185 : memref<10000x128xf32, #tpu.memory_space<hbm>>) dst(%arg9 : memref<125x128xf32, #tpu.memory_space<vmem>>)
      %run_scoped3A_186 = arith.constant 1 : i32
      %run_scoped3A_187 = arith.constant 1 : i32
      "tpu.region"() ({
        %run_scoped3A_254 = tpu.sem_alloc : memref<!tpu.dma_semaphore, #tpu.memory_space<semaphore_mem>>
        %dma_start3A_255 = arith.constant 0 : i32
        %dma_start3A_256 = tpu.memref_slice %arg7[%run_scoped3A_186, %run_scoped3A_187, %dma_start3A_255] : memref<4x2x125xi32, #tpu.memory_space<vmem>> -> memref<1x1x125xi32, #tpu.memory_space<vmem>>
        %dma_start3A_257 = tpu.memref_squeeze %dma_start3A_256 : memref<1x1x125xi32, #tpu.memory_space<vmem>> -> memref<125xi32, #tpu.memory_space<vmem>>
        %dma_start3A_258 = arith.constant 0 : i32
        %dma_start3A_259 = arith.constant 0 : i32
        %dma_start3A_260 = tpu.memref_slice %arg6[%dma_start3A_258, %dma_start3A_259] : memref<10000x128xf32, #tpu.memory_space<vmem_shared>> -> memref<10000x128xf32, #tpu.memory_space<vmem_shared>>
        tpu.enqueue_indirect_dma source(%arg9 : memref<125x128xf32, #tpu.memory_space<vmem>>) target(%dma_start3A_260 : memref<10000x128xf32, #tpu.memory_space<vmem_shared>>) offsets(%dma_start3A_257 : memref<125xi32, #tpu.memory_space<vmem>>) semaphore(%run_scoped3A_254 : memref<!tpu.dma_semaphore, #tpu.memory_space<semaphore_mem>>) {add = true}
        %dma_wait3A_261 = arith.constant 0 : i32
        %dma_wait3A_262 = tpu.memref_slice %arg7[%run_scoped3A_186, %run_scoped3A_187, %dma_wait3A_261] : memref<4x2x125xi32, #tpu.memory_space<vmem>> -> memref<1x1x125xi32, #tpu.memory_space<vmem>>
        %dma_wait3A_263 = tpu.memref_squeeze %dma_wait3A_262 : memref<1x1x125xi32, #tpu.memory_space<vmem>> -> memref<125xi32, #tpu.memory_space<vmem>>
        %dma_wait3A_264 = arith.constant 0 : i32
        %dma_wait3A_265 = arith.constant 0 : i32
        %dma_wait3A_266 = tpu.memref_slice %arg6[%dma_wait3A_264, %dma_wait3A_265] : memref<10000x128xf32, #tpu.memory_space<vmem_shared>> -> memref<10000x128xf32, #tpu.memory_space<vmem_shared>>
        tpu.wait_indirect_dma semaphore(%run_scoped3A_254 : memref<!tpu.dma_semaphore, #tpu.memory_space<semaphore_mem>>) src(%arg9 : memref<125x128xf32, #tpu.memory_space<vmem>>) dst(%dma_wait3A_266 : memref<10000x128xf32, #tpu.memory_space<vmem_shared>>)
        tpu.yield
      }) : () -> ()
      %add3A_188 = arith.constant 4 : i32
      %add3A_189 = arith.addi %add3A_177, %add3A_188 : i32
      %lt3A_190 = arith.constant 80 : i32
      %lt3A_191 = arith.cmpi slt, %add3A_189, %lt3A_190 : i32
      %convert_element_type3A_192 = arith.extui %lt3A_191 : i1 to i32
      %cond3A_193 = arith.constant 0 : i32
      %cond3A_194 = arith.cmpi ne, %convert_element_type3A_192, %cond3A_193 : i32
      scf.if %cond3A_194 {
        %add3A_254 = arith.constant 4 : i32
        %add3A_255 = arith.addi %add3A_177, %add3A_254 : i32
        %dma_start3A_256 = arith.constant 1 : i32
        %dma_start3A_257 = arith.constant 0 : i32
        %dma_start3A_258 = arith.constant 0 : i32
        %dma_start3A_259 = tpu.memref_slice %arg7[%dma_start3A_256, %dma_start3A_257, %dma_start3A_258] : memref<4x2x125xi32, #tpu.memory_space<vmem>> -> memref<1x2x125xi32, #tpu.memory_space<vmem>>
        %dma_start3A_260 = tpu.memref_squeeze %dma_start3A_259 : memref<1x2x125xi32, #tpu.memory_space<vmem>> -> memref<2x125xi32, #tpu.memory_space<vmem>>
        %dma_start3A_261 = arith.constant 0 : i32
        %dma_start3A_262 = arith.constant 0 : i32
        %dma_start3A_263 = tpu.memref_slice %arg3[%add3A, %add3A_255, %dma_start3A_261, %dma_start3A_262] : memref<32x80x2x125xi32, #tpu.memory_space<hbm>> -> memref<1x1x2x125xi32, #tpu.memory_space<hbm>>
        %dma_start3A_264 = tpu.memref_squeeze %dma_start3A_263 : memref<1x1x2x125xi32, #tpu.memory_space<hbm>> -> memref<2x125xi32, #tpu.memory_space<hbm>>
        %dma_start3A_265 = arith.constant 0 : i32
        %dma_start3A_266 = arith.constant 0 : i32
        %dma_start3A_267 = tpu.memref_slice %arg7[%dma_start3A_256, %dma_start3A_265, %dma_start3A_266] : memref<4x2x125xi32, #tpu.memory_space<vmem>> -> memref<1x2x125xi32, #tpu.memory_space<vmem>>
        %dma_start3A_268 = tpu.memref_squeeze %dma_start3A_267 : memref<1x2x125xi32, #tpu.memory_space<vmem>> -> memref<2x125xi32, #tpu.memory_space<vmem>>
        %dma_start3A_269 = arith.constant 0 : i32
        %dma_start3A_270 = arith.constant 0 : i32
        %dma_start3A_271 = tpu.memref_slice %arg3[%add3A, %add3A_255, %dma_start3A_269, %dma_start3A_270] : memref<32x80x2x125xi32, #tpu.memory_space<hbm>> -> memref<1x1x2x125xi32, #tpu.memory_space<hbm>>
        %dma_start3A_272 = tpu.memref_squeeze %dma_start3A_271 : memref<1x1x2x125xi32, #tpu.memory_space<hbm>> -> memref<2x125xi32, #tpu.memory_space<hbm>>
        tpu.enqueue_dma source(%dma_start3A_272 : memref<2x125xi32, #tpu.memory_space<hbm>>) target(%dma_start3A_268 : memref<2x125xi32, #tpu.memory_space<vmem>>) target_semaphore(%arg13 : memref<!tpu.dma_semaphore, #tpu.memory_space<semaphore_mem>>)
      } else {
      }
      %add3A_195 = arith.constant 2 : i32
      %add3A_196 = arith.addi %add3A_177, %add3A_195 : i32
      %lt3A_197 = arith.constant 80 : i32
      %lt3A_198 = arith.cmpi slt, %add3A_196, %lt3A_197 : i32
      %convert_element_type3A_199 = arith.extui %lt3A_198 : i1 to i32
      %cond3A_200 = arith.constant 0 : i32
      %cond3A_201 = arith.cmpi ne, %convert_element_type3A_199, %cond3A_200 : i32
      scf.if %cond3A_201 {
        %add3A_254 = arith.constant 2 : i32
        %add3A_255 = arith.addi %add3A_177, %add3A_254 : i32
        %dma_wait3A_256 = arith.constant 3 : i32
        %dma_wait3A_257 = arith.constant 0 : i32
        %dma_wait3A_258 = arith.constant 0 : i32
        %dma_wait3A_259 = tpu.memref_slice %arg7[%dma_wait3A_256, %dma_wait3A_257, %dma_wait3A_258] : memref<4x2x125xi32, #tpu.memory_space<vmem>> -> memref<1x2x125xi32, #tpu.memory_space<vmem>>
        %dma_wait3A_260 = tpu.memref_squeeze %dma_wait3A_259 : memref<1x2x125xi32, #tpu.memory_space<vmem>> -> memref<2x125xi32, #tpu.memory_space<vmem>>
        %dma_wait3A_261 = arith.constant 0 : i32
        %dma_wait3A_262 = arith.constant 0 : i32
        %dma_wait3A_263 = tpu.memref_slice %arg3[%add3A, %add3A_255, %dma_wait3A_261, %dma_wait3A_262] : memref<32x80x2x125xi32, #tpu.memory_space<hbm>> -> memref<1x1x2x125xi32, #tpu.memory_space<hbm>>
        %dma_wait3A_264 = tpu.memref_squeeze %dma_wait3A_263 : memref<1x1x2x125xi32, #tpu.memory_space<hbm>> -> memref<2x125xi32, #tpu.memory_space<hbm>>
        %dma_wait3A_265 = arith.constant 0 : i32
        %dma_wait3A_266 = arith.constant 0 : i32
        %dma_wait3A_267 = tpu.memref_slice %arg7[%dma_wait3A_256, %dma_wait3A_265, %dma_wait3A_266] : memref<4x2x125xi32, #tpu.memory_space<vmem>> -> memref<1x2x125xi32, #tpu.memory_space<vmem>>
        %dma_wait3A_268 = tpu.memref_squeeze %dma_wait3A_267 : memref<1x2x125xi32, #tpu.memory_space<vmem>> -> memref<2x125xi32, #tpu.memory_space<vmem>>
        %dma_wait3A_269 = arith.constant 0 : i32
        %dma_wait3A_270 = arith.constant 0 : i32
        %dma_wait3A_271 = tpu.memref_slice %arg3[%add3A, %add3A_255, %dma_wait3A_269, %dma_wait3A_270] : memref<32x80x2x125xi32, #tpu.memory_space<hbm>> -> memref<1x1x2x125xi32, #tpu.memory_space<hbm>>
        %dma_wait3A_272 = tpu.memref_squeeze %dma_wait3A_271 : memref<1x1x2x125xi32, #tpu.memory_space<hbm>> -> memref<2x125xi32, #tpu.memory_space<hbm>>
        tpu.wait_dma2 semaphore(%arg15 : memref<!tpu.dma_semaphore, #tpu.memory_space<semaphore_mem>>) src(%dma_wait3A_272 : memref<2x125xi32, #tpu.memory_space<hbm>>) dst(%dma_wait3A_268 : memref<2x125xi32, #tpu.memory_space<vmem>>)
        %dma_start3A_273 = arith.constant 3 : i32
        %dma_start3A_274 = arith.constant 0 : i32
        %dma_start3A_275 = arith.constant 0 : i32
        %dma_start3A_276 = tpu.memref_slice %arg7[%dma_start3A_273, %dma_start3A_274, %dma_start3A_275] : memref<4x2x125xi32, #tpu.memory_space<vmem>> -> memref<1x1x125xi32, #tpu.memory_space<vmem>>
        %dma_start3A_277 = tpu.memref_squeeze %dma_start3A_276 : memref<1x1x125xi32, #tpu.memory_space<vmem>> -> memref<125xi32, #tpu.memory_space<vmem>>
        %dma_start3A_278 = arith.constant 0 : i32
        %dma_start3A_279 = arith.constant 0 : i32
        %dma_start3A_280 = tpu.memref_slice %arg2[%dma_start3A_278, %dma_start3A_279] : memref<10000x128xf32, #tpu.memory_space<hbm>> -> memref<10000x128xf32, #tpu.memory_space<hbm>>
        tpu.enqueue_indirect_dma source(%dma_start3A_280 : memref<10000x128xf32, #tpu.memory_space<hbm>>) target(%arg9 : memref<125x128xf32, #tpu.memory_space<vmem>>) offsets(%dma_start3A_277 : memref<125xi32, #tpu.memory_space<vmem>>) semaphore(%arg11 : memref<!tpu.dma_semaphore, #tpu.memory_space<semaphore_mem>>)
      } else {
      }
      %add3A_202 = arith.constant 2 : i32
      %add3A_203 = arith.addi %mul3A_153, %add3A_202 : i32
      %dma_wait3A_204 = arith.constant 2 : i32
      %dma_wait3A_205 = arith.constant 0 : i32
      %dma_wait3A_206 = arith.constant 0 : i32
      %dma_wait3A_207 = tpu.memref_slice %arg7[%dma_wait3A_204, %dma_wait3A_205, %dma_wait3A_206] : memref<4x2x125xi32, #tpu.memory_space<vmem>> -> memref<1x1x125xi32, #tpu.memory_space<vmem>>
      %dma_wait3A_208 = tpu.memref_squeeze %dma_wait3A_207 : memref<1x1x125xi32, #tpu.memory_space<vmem>> -> memref<125xi32, #tpu.memory_space<vmem>>
      %dma_wait3A_209 = arith.constant 0 : i32
      %dma_wait3A_210 = arith.constant 0 : i32
      %dma_wait3A_211 = tpu.memref_slice %arg2[%dma_wait3A_209, %dma_wait3A_210] : memref<10000x128xf32, #tpu.memory_space<hbm>> -> memref<10000x128xf32, #tpu.memory_space<hbm>>
      tpu.wait_indirect_dma semaphore(%arg10 : memref<!tpu.dma_semaphore, #tpu.memory_space<semaphore_mem>>) src(%dma_wait3A_211 : memref<10000x128xf32, #tpu.memory_space<hbm>>) dst(%arg8 : memref<125x128xf32, #tpu.memory_space<vmem>>)
      %run_scoped3A_212 = arith.constant 2 : i32
      %run_scoped3A_213 = arith.constant 1 : i32
      "tpu.region"() ({
        %run_scoped3A_254 = tpu.sem_alloc : memref<!tpu.dma_semaphore, #tpu.memory_space<semaphore_mem>>
        %dma_start3A_255 = arith.constant 0 : i32
        %dma_start3A_256 = tpu.memref_slice %arg7[%run_scoped3A_212, %run_scoped3A_213, %dma_start3A_255] : memref<4x2x125xi32, #tpu.memory_space<vmem>> -> memref<1x1x125xi32, #tpu.memory_space<vmem>>
        %dma_start3A_257 = tpu.memref_squeeze %dma_start3A_256 : memref<1x1x125xi32, #tpu.memory_space<vmem>> -> memref<125xi32, #tpu.memory_space<vmem>>
        %dma_start3A_258 = arith.constant 0 : i32
        %dma_start3A_259 = arith.constant 0 : i32
        %dma_start3A_260 = tpu.memref_slice %arg6[%dma_start3A_258, %dma_start3A_259] : memref<10000x128xf32, #tpu.memory_space<vmem_shared>> -> memref<10000x128xf32, #tpu.memory_space<vmem_shared>>
        tpu.enqueue_indirect_dma source(%arg8 : memref<125x128xf32, #tpu.memory_space<vmem>>) target(%dma_start3A_260 : memref<10000x128xf32, #tpu.memory_space<vmem_shared>>) offsets(%dma_start3A_257 : memref<125xi32, #tpu.memory_space<vmem>>) semaphore(%run_scoped3A_254 : memref<!tpu.dma_semaphore, #tpu.memory_space<semaphore_mem>>) {add = true}
        %dma_wait3A_261 = arith.constant 0 : i32
        %dma_wait3A_262 = tpu.memref_slice %arg7[%run_scoped3A_212, %run_scoped3A_213, %dma_wait3A_261] : memref<4x2x125xi32, #tpu.memory_space<vmem>> -> memref<1x1x125xi32, #tpu.memory_space<vmem>>
        %dma_wait3A_263 = tpu.memref_squeeze %dma_wait3A_262 : memref<1x1x125xi32, #tpu.memory_space<vmem>> -> memref<125xi32, #tpu.memory_space<vmem>>
        %dma_wait3A_264 = arith.constant 0 : i32
        %dma_wait3A_265 = arith.constant 0 : i32
        %dma_wait3A_266 = tpu.memref_slice %arg6[%dma_wait3A_264, %dma_wait3A_265] : memref<10000x128xf32, #tpu.memory_space<vmem_shared>> -> memref<10000x128xf32, #tpu.memory_space<vmem_shared>>
        tpu.wait_indirect_dma semaphore(%run_scoped3A_254 : memref<!tpu.dma_semaphore, #tpu.memory_space<semaphore_mem>>) src(%arg8 : memref<125x128xf32, #tpu.memory_space<vmem>>) dst(%dma_wait3A_266 : memref<10000x128xf32, #tpu.memory_space<vmem_shared>>)
        tpu.yield
      }) : () -> ()
      %add3A_214 = arith.constant 4 : i32
      %add3A_215 = arith.addi %add3A_203, %add3A_214 : i32
      %lt3A_216 = arith.constant 80 : i32
      %lt3A_217 = arith.cmpi slt, %add3A_215, %lt3A_216 : i32
      %convert_element_type3A_218 = arith.extui %lt3A_217 : i1 to i32
      %cond3A_219 = arith.constant 0 : i32
      %cond3A_220 = arith.cmpi ne, %convert_element_type3A_218, %cond3A_219 : i32
      scf.if %cond3A_220 {
        %add3A_254 = arith.constant 4 : i32
        %add3A_255 = arith.addi %add3A_203, %add3A_254 : i32
        %dma_start3A_256 = arith.constant 2 : i32
        %dma_start3A_257 = arith.constant 0 : i32
        %dma_start3A_258 = arith.constant 0 : i32
        %dma_start3A_259 = tpu.memref_slice %arg7[%dma_start3A_256, %dma_start3A_257, %dma_start3A_258] : memref<4x2x125xi32, #tpu.memory_space<vmem>> -> memref<1x2x125xi32, #tpu.memory_space<vmem>>
        %dma_start3A_260 = tpu.memref_squeeze %dma_start3A_259 : memref<1x2x125xi32, #tpu.memory_space<vmem>> -> memref<2x125xi32, #tpu.memory_space<vmem>>
        %dma_start3A_261 = arith.constant 0 : i32
        %dma_start3A_262 = arith.constant 0 : i32
        %dma_start3A_263 = tpu.memref_slice %arg3[%add3A, %add3A_255, %dma_start3A_261, %dma_start3A_262] : memref<32x80x2x125xi32, #tpu.memory_space<hbm>> -> memref<1x1x2x125xi32, #tpu.memory_space<hbm>>
        %dma_start3A_264 = tpu.memref_squeeze %dma_start3A_263 : memref<1x1x2x125xi32, #tpu.memory_space<hbm>> -> memref<2x125xi32, #tpu.memory_space<hbm>>
        %dma_start3A_265 = arith.constant 0 : i32
        %dma_start3A_266 = arith.constant 0 : i32
        %dma_start3A_267 = tpu.memref_slice %arg7[%dma_start3A_256, %dma_start3A_265, %dma_start3A_266] : memref<4x2x125xi32, #tpu.memory_space<vmem>> -> memref<1x2x125xi32, #tpu.memory_space<vmem>>
        %dma_start3A_268 = tpu.memref_squeeze %dma_start3A_267 : memref<1x2x125xi32, #tpu.memory_space<vmem>> -> memref<2x125xi32, #tpu.memory_space<vmem>>
        %dma_start3A_269 = arith.constant 0 : i32
        %dma_start3A_270 = arith.constant 0 : i32
        %dma_start3A_271 = tpu.memref_slice %arg3[%add3A, %add3A_255, %dma_start3A_269, %dma_start3A_270] : memref<32x80x2x125xi32, #tpu.memory_space<hbm>> -> memref<1x1x2x125xi32, #tpu.memory_space<hbm>>
        %dma_start3A_272 = tpu.memref_squeeze %dma_start3A_271 : memref<1x1x2x125xi32, #tpu.memory_space<hbm>> -> memref<2x125xi32, #tpu.memory_space<hbm>>
        tpu.enqueue_dma source(%dma_start3A_272 : memref<2x125xi32, #tpu.memory_space<hbm>>) target(%dma_start3A_268 : memref<2x125xi32, #tpu.memory_space<vmem>>) target_semaphore(%arg14 : memref<!tpu.dma_semaphore, #tpu.memory_space<semaphore_mem>>)
      } else {
      }
      %add3A_221 = arith.constant 2 : i32
      %add3A_222 = arith.addi %add3A_203, %add3A_221 : i32
      %lt3A_223 = arith.constant 80 : i32
      %lt3A_224 = arith.cmpi slt, %add3A_222, %lt3A_223 : i32
      %convert_element_type3A_225 = arith.extui %lt3A_224 : i1 to i32
      %cond3A_226 = arith.constant 0 : i32
      %cond3A_227 = arith.cmpi ne, %convert_element_type3A_225, %cond3A_226 : i32
      scf.if %cond3A_227 {
        %add3A_254 = arith.constant 2 : i32
        %add3A_255 = arith.addi %add3A_203, %add3A_254 : i32
        %dma_wait3A_256 = arith.constant 0 : i32
        %dma_wait3A_257 = arith.constant 0 : i32
        %dma_wait3A_258 = arith.constant 0 : i32
        %dma_wait3A_259 = tpu.memref_slice %arg7[%dma_wait3A_256, %dma_wait3A_257, %dma_wait3A_258] : memref<4x2x125xi32, #tpu.memory_space<vmem>> -> memref<1x2x125xi32, #tpu.memory_space<vmem>>
        %dma_wait3A_260 = tpu.memref_squeeze %dma_wait3A_259 : memref<1x2x125xi32, #tpu.memory_space<vmem>> -> memref<2x125xi32, #tpu.memory_space<vmem>>
        %dma_wait3A_261 = arith.constant 0 : i32
        %dma_wait3A_262 = arith.constant 0 : i32
        %dma_wait3A_263 = tpu.memref_slice %arg3[%add3A, %add3A_255, %dma_wait3A_261, %dma_wait3A_262] : memref<32x80x2x125xi32, #tpu.memory_space<hbm>> -> memref<1x1x2x125xi32, #tpu.memory_space<hbm>>
        %dma_wait3A_264 = tpu.memref_squeeze %dma_wait3A_263 : memref<1x1x2x125xi32, #tpu.memory_space<hbm>> -> memref<2x125xi32, #tpu.memory_space<hbm>>
        %dma_wait3A_265 = arith.constant 0 : i32
        %dma_wait3A_266 = arith.constant 0 : i32
        %dma_wait3A_267 = tpu.memref_slice %arg7[%dma_wait3A_256, %dma_wait3A_265, %dma_wait3A_266] : memref<4x2x125xi32, #tpu.memory_space<vmem>> -> memref<1x2x125xi32, #tpu.memory_space<vmem>>
        %dma_wait3A_268 = tpu.memref_squeeze %dma_wait3A_267 : memref<1x2x125xi32, #tpu.memory_space<vmem>> -> memref<2x125xi32, #tpu.memory_space<vmem>>
        %dma_wait3A_269 = arith.constant 0 : i32
        %dma_wait3A_270 = arith.constant 0 : i32
        %dma_wait3A_271 = tpu.memref_slice %arg3[%add3A, %add3A_255, %dma_wait3A_269, %dma_wait3A_270] : memref<32x80x2x125xi32, #tpu.memory_space<hbm>> -> memref<1x1x2x125xi32, #tpu.memory_space<hbm>>
        %dma_wait3A_272 = tpu.memref_squeeze %dma_wait3A_271 : memref<1x1x2x125xi32, #tpu.memory_space<hbm>> -> memref<2x125xi32, #tpu.memory_space<hbm>>
        tpu.wait_dma2 semaphore(%arg12 : memref<!tpu.dma_semaphore, #tpu.memory_space<semaphore_mem>>) src(%dma_wait3A_272 : memref<2x125xi32, #tpu.memory_space<hbm>>) dst(%dma_wait3A_268 : memref<2x125xi32, #tpu.memory_space<vmem>>)
        %dma_start3A_273 = arith.constant 0 : i32
        %dma_start3A_274 = arith.constant 0 : i32
        %dma_start3A_275 = arith.constant 0 : i32
        %dma_start3A_276 = tpu.memref_slice %arg7[%dma_start3A_273, %dma_start3A_274, %dma_start3A_275] : memref<4x2x125xi32, #tpu.memory_space<vmem>> -> memref<1x1x125xi32, #tpu.memory_space<vmem>>
        %dma_start3A_277 = tpu.memref_squeeze %dma_start3A_276 : memref<1x1x125xi32, #tpu.memory_space<vmem>> -> memref<125xi32, #tpu.memory_space<vmem>>
        %dma_start3A_278 = arith.constant 0 : i32
        %dma_start3A_279 = arith.constant 0 : i32
        %dma_start3A_280 = tpu.memref_slice %arg2[%dma_start3A_278, %dma_start3A_279] : memref<10000x128xf32, #tpu.memory_space<hbm>> -> memref<10000x128xf32, #tpu.memory_space<hbm>>
        tpu.enqueue_indirect_dma source(%dma_start3A_280 : memref<10000x128xf32, #tpu.memory_space<hbm>>) target(%arg8 : memref<125x128xf32, #tpu.memory_space<vmem>>) offsets(%dma_start3A_277 : memref<125xi32, #tpu.memory_space<vmem>>) semaphore(%arg10 : memref<!tpu.dma_semaphore, #tpu.memory_space<semaphore_mem>>)
      } else {
      }
      %add3A_228 = arith.constant 3 : i32
      %add3A_229 = arith.addi %mul3A_153, %add3A_228 : i32
      %dma_wait3A_230 = arith.constant 3 : i32
      %dma_wait3A_231 = arith.constant 0 : i32
      %dma_wait3A_232 = arith.constant 0 : i32
      %dma_wait3A_233 = tpu.memref_slice %arg7[%dma_wait3A_230, %dma_wait3A_231, %dma_wait3A_232] : memref<4x2x125xi32, #tpu.memory_space<vmem>> -> memref<1x1x125xi32, #tpu.memory_space<vmem>>
      %dma_wait3A_234 = tpu.memref_squeeze %dma_wait3A_233 : memref<1x1x125xi32, #tpu.memory_space<vmem>> -> memref<125xi32, #tpu.memory_space<vmem>>
      %dma_wait3A_235 = arith.constant 0 : i32
      %dma_wait3A_236 = arith.constant 0 : i32
      %dma_wait3A_237 = tpu.memref_slice %arg2[%dma_wait3A_235, %dma_wait3A_236] : memref<10000x128xf32, #tpu.memory_space<hbm>> -> memref<10000x128xf32, #tpu.memory_space<hbm>>
      tpu.wait_indirect_dma semaphore(%arg11 : memref<!tpu.dma_semaphore, #tpu.memory_space<semaphore_mem>>) src(%dma_wait3A_237 : memref<10000x128xf32, #tpu.memory_space<hbm>>) dst(%arg9 : memref<125x128xf32, #tpu.memory_space<vmem>>)
      %run_scoped3A_238 = arith.constant 3 : i32
      %run_scoped3A_239 = arith.constant 1 : i32
      "tpu.region"() ({
        %run_scoped3A_254 = tpu.sem_alloc : memref<!tpu.dma_semaphore, #tpu.memory_space<semaphore_mem>>
        %dma_start3A_255 = arith.constant 0 : i32
        %dma_start3A_256 = tpu.memref_slice %arg7[%run_scoped3A_238, %run_scoped3A_239, %dma_start3A_255] : memref<4x2x125xi32, #tpu.memory_space<vmem>> -> memref<1x1x125xi32, #tpu.memory_space<vmem>>
        %dma_start3A_257 = tpu.memref_squeeze %dma_start3A_256 : memref<1x1x125xi32, #tpu.memory_space<vmem>> -> memref<125xi32, #tpu.memory_space<vmem>>
        %dma_start3A_258 = arith.constant 0 : i32
        %dma_start3A_259 = arith.constant 0 : i32
        %dma_start3A_260 = tpu.memref_slice %arg6[%dma_start3A_258, %dma_start3A_259] : memref<10000x128xf32, #tpu.memory_space<vmem_shared>> -> memref<10000x128xf32, #tpu.memory_space<vmem_shared>>
        tpu.enqueue_indirect_dma source(%arg9 : memref<125x128xf32, #tpu.memory_space<vmem>>) target(%dma_start3A_260 : memref<10000x128xf32, #tpu.memory_space<vmem_shared>>) offsets(%dma_start3A_257 : memref<125xi32, #tpu.memory_space<vmem>>) semaphore(%run_scoped3A_254 : memref<!tpu.dma_semaphore, #tpu.memory_space<semaphore_mem>>) {add = true}
        %dma_wait3A_261 = arith.constant 0 : i32
        %dma_wait3A_262 = tpu.memref_slice %arg7[%run_scoped3A_238, %run_scoped3A_239, %dma_wait3A_261] : memref<4x2x125xi32, #tpu.memory_space<vmem>> -> memref<1x1x125xi32, #tpu.memory_space<vmem>>
        %dma_wait3A_263 = tpu.memref_squeeze %dma_wait3A_262 : memref<1x1x125xi32, #tpu.memory_space<vmem>> -> memref<125xi32, #tpu.memory_space<vmem>>
        %dma_wait3A_264 = arith.constant 0 : i32
        %dma_wait3A_265 = arith.constant 0 : i32
        %dma_wait3A_266 = tpu.memref_slice %arg6[%dma_wait3A_264, %dma_wait3A_265] : memref<10000x128xf32, #tpu.memory_space<vmem_shared>> -> memref<10000x128xf32, #tpu.memory_space<vmem_shared>>
        tpu.wait_indirect_dma semaphore(%run_scoped3A_254 : memref<!tpu.dma_semaphore, #tpu.memory_space<semaphore_mem>>) src(%arg9 : memref<125x128xf32, #tpu.memory_space<vmem>>) dst(%dma_wait3A_266 : memref<10000x128xf32, #tpu.memory_space<vmem_shared>>)
        tpu.yield
      }) : () -> ()
      %add3A_240 = arith.constant 4 : i32
      %add3A_241 = arith.addi %add3A_229, %add3A_240 : i32
      %lt3A_242 = arith.constant 80 : i32
      %lt3A_243 = arith.cmpi slt, %add3A_241, %lt3A_242 : i32
      %convert_element_type3A_244 = arith.extui %lt3A_243 : i1 to i32
      %cond3A_245 = arith.constant 0 : i32
      %cond3A_246 = arith.cmpi ne, %convert_element_type3A_244, %cond3A_245 : i32
      scf.if %cond3A_246 {
        %add3A_254 = arith.constant 4 : i32
        %add3A_255 = arith.addi %add3A_229, %add3A_254 : i32
        %dma_start3A_256 = arith.constant 3 : i32
        %dma_start3A_257 = arith.constant 0 : i32
        %dma_start3A_258 = arith.constant 0 : i32
        %dma_start3A_259 = tpu.memref_slice %arg7[%dma_start3A_256, %dma_start3A_257, %dma_start3A_258] : memref<4x2x125xi32, #tpu.memory_space<vmem>> -> memref<1x2x125xi32, #tpu.memory_space<vmem>>
        %dma_start3A_260 = tpu.memref_squeeze %dma_start3A_259 : memref<1x2x125xi32, #tpu.memory_space<vmem>> -> memref<2x125xi32, #tpu.memory_space<vmem>>
        %dma_start3A_261 = arith.constant 0 : i32
        %dma_start3A_262 = arith.constant 0 : i32
        %dma_start3A_263 = tpu.memref_slice %arg3[%add3A, %add3A_255, %dma_start3A_261, %dma_start3A_262] : memref<32x80x2x125xi32, #tpu.memory_space<hbm>> -> memref<1x1x2x125xi32, #tpu.memory_space<hbm>>
        %dma_start3A_264 = tpu.memref_squeeze %dma_start3A_263 : memref<1x1x2x125xi32, #tpu.memory_space<hbm>> -> memref<2x125xi32, #tpu.memory_space<hbm>>
        %dma_start3A_265 = arith.constant 0 : i32
        %dma_start3A_266 = arith.constant 0 : i32
        %dma_start3A_267 = tpu.memref_slice %arg7[%dma_start3A_256, %dma_start3A_265, %dma_start3A_266] : memref<4x2x125xi32, #tpu.memory_space<vmem>> -> memref<1x2x125xi32, #tpu.memory_space<vmem>>
        %dma_start3A_268 = tpu.memref_squeeze %dma_start3A_267 : memref<1x2x125xi32, #tpu.memory_space<vmem>> -> memref<2x125xi32, #tpu.memory_space<vmem>>
        %dma_start3A_269 = arith.constant 0 : i32
        %dma_start3A_270 = arith.constant 0 : i32
        %dma_start3A_271 = tpu.memref_slice %arg3[%add3A, %add3A_255, %dma_start3A_269, %dma_start3A_270] : memref<32x80x2x125xi32, #tpu.memory_space<hbm>> -> memref<1x1x2x125xi32, #tpu.memory_space<hbm>>
        %dma_start3A_272 = tpu.memref_squeeze %dma_start3A_271 : memref<1x1x2x125xi32, #tpu.memory_space<hbm>> -> memref<2x125xi32, #tpu.memory_space<hbm>>
        tpu.enqueue_dma source(%dma_start3A_272 : memref<2x125xi32, #tpu.memory_space<hbm>>) target(%dma_start3A_268 : memref<2x125xi32, #tpu.memory_space<vmem>>) target_semaphore(%arg15 : memref<!tpu.dma_semaphore, #tpu.memory_space<semaphore_mem>>)
      } else {
      }
      %add3A_247 = arith.constant 2 : i32
      %add3A_248 = arith.addi %add3A_229, %add3A_247 : i32
      %lt3A_249 = arith.constant 80 : i32
      %lt3A_250 = arith.cmpi slt, %add3A_248, %lt3A_249 : i32
      %convert_element_type3A_251 = arith.extui %lt3A_250 : i1 to i32
      %cond3A_252 = arith.constant 0 : i32
      %cond3A_253 = arith.cmpi ne, %convert_element_type3A_251, %cond3A_252 : i32
      scf.if %cond3A_253 {
        %add3A_254 = arith.constant 2 : i32
        %add3A_255 = arith.addi %add3A_229, %add3A_254 : i32
        %dma_wait3A_256 = arith.constant 1 : i32
        %dma_wait3A_257 = arith.constant 0 : i32
        %dma_wait3A_258 = arith.constant 0 : i32
        %dma_wait3A_259 = tpu.memref_slice %arg7[%dma_wait3A_256, %dma_wait3A_257, %dma_wait3A_258] : memref<4x2x125xi32, #tpu.memory_space<vmem>> -> memref<1x2x125xi32, #tpu.memory_space<vmem>>
        %dma_wait3A_260 = tpu.memref_squeeze %dma_wait3A_259 : memref<1x2x125xi32, #tpu.memory_space<vmem>> -> memref<2x125xi32, #tpu.memory_space<vmem>>
        %dma_wait3A_261 = arith.constant 0 : i32
        %dma_wait3A_262 = arith.constant 0 : i32
        %dma_wait3A_263 = tpu.memref_slice %arg3[%add3A, %add3A_255, %dma_wait3A_261, %dma_wait3A_262] : memref<32x80x2x125xi32, #tpu.memory_space<hbm>> -> memref<1x1x2x125xi32, #tpu.memory_space<hbm>>
        %dma_wait3A_264 = tpu.memref_squeeze %dma_wait3A_263 : memref<1x1x2x125xi32, #tpu.memory_space<hbm>> -> memref<2x125xi32, #tpu.memory_space<hbm>>
        %dma_wait3A_265 = arith.constant 0 : i32
        %dma_wait3A_266 = arith.constant 0 : i32
        %dma_wait3A_267 = tpu.memref_slice %arg7[%dma_wait3A_256, %dma_wait3A_265, %dma_wait3A_266] : memref<4x2x125xi32, #tpu.memory_space<vmem>> -> memref<1x2x125xi32, #tpu.memory_space<vmem>>
        %dma_wait3A_268 = tpu.memref_squeeze %dma_wait3A_267 : memref<1x2x125xi32, #tpu.memory_space<vmem>> -> memref<2x125xi32, #tpu.memory_space<vmem>>
        %dma_wait3A_269 = arith.constant 0 : i32
        %dma_wait3A_270 = arith.constant 0 : i32
        %dma_wait3A_271 = tpu.memref_slice %arg3[%add3A, %add3A_255, %dma_wait3A_269, %dma_wait3A_270] : memref<32x80x2x125xi32, #tpu.memory_space<hbm>> -> memref<1x1x2x125xi32, #tpu.memory_space<hbm>>
        %dma_wait3A_272 = tpu.memref_squeeze %dma_wait3A_271 : memref<1x1x2x125xi32, #tpu.memory_space<hbm>> -> memref<2x125xi32, #tpu.memory_space<hbm>>
        tpu.wait_dma2 semaphore(%arg13 : memref<!tpu.dma_semaphore, #tpu.memory_space<semaphore_mem>>) src(%dma_wait3A_272 : memref<2x125xi32, #tpu.memory_space<hbm>>) dst(%dma_wait3A_268 : memref<2x125xi32, #tpu.memory_space<vmem>>)
        %dma_start3A_273 = arith.constant 1 : i32
        %dma_start3A_274 = arith.constant 0 : i32
        %dma_start3A_275 = arith.constant 0 : i32
        %dma_start3A_276 = tpu.memref_slice %arg7[%dma_start3A_273, %dma_start3A_274, %dma_start3A_275] : memref<4x2x125xi32, #tpu.memory_space<vmem>> -> memref<1x1x125xi32, #tpu.memory_space<vmem>>
        %dma_start3A_277 = tpu.memref_squeeze %dma_start3A_276 : memref<1x1x125xi32, #tpu.memory_space<vmem>> -> memref<125xi32, #tpu.memory_space<vmem>>
        %dma_start3A_278 = arith.constant 0 : i32
        %dma_start3A_279 = arith.constant 0 : i32
        %dma_start3A_280 = tpu.memref_slice %arg2[%dma_start3A_278, %dma_start3A_279] : memref<10000x128xf32, #tpu.memory_space<hbm>> -> memref<10000x128xf32, #tpu.memory_space<hbm>>
        tpu.enqueue_indirect_dma source(%dma_start3A_280 : memref<10000x128xf32, #tpu.memory_space<hbm>>) target(%arg9 : memref<125x128xf32, #tpu.memory_space<vmem>>) offsets(%dma_start3A_277 : memref<125xi32, #tpu.memory_space<vmem>>) semaphore(%arg11 : memref<!tpu.dma_semaphore, #tpu.memory_space<semaphore_mem>>)
      } else {
      }
    }
    %scan3A_149 = arith.constant 20 : i32
    %barrier3A_150 = arith.constant 0 : index
    tpu.barrier barrier_id(%barrier3A_150)
    "tpu.region"() ({
      %run_scoped3A = tpu.sem_alloc : memref<!tpu.dma_semaphore, #tpu.memory_space<semaphore_mem>>
      %dma_start3A_151 = arith.constant 0 : i32
      %dma_start3A_152 = tpu.memref_slice %arg5[%arg0, %multiple_of3A, %dma_start3A_151] : memref<2x10000x128xf32, #tpu.memory_space<hbm>> -> memref<1x632x128xf32, #tpu.memory_space<hbm>>
      %dma_start3A_153 = tpu.memref_squeeze %dma_start3A_152 : memref<1x632x128xf32, #tpu.memory_space<hbm>> -> memref<632x128xf32, #tpu.memory_space<hbm>>
      %dma_start3A_154 = arith.constant 0 : i32
      %dma_start3A_155 = tpu.memref_slice %arg6[%multiple_of3A, %dma_start3A_154] : memref<10000x128xf32, #tpu.memory_space<vmem_shared>> -> memref<632x128xf32, #tpu.memory_space<vmem_shared>>
      tpu.enqueue_dma source(%dma_start3A_155 : memref<632x128xf32, #tpu.memory_space<vmem_shared>>) target(%dma_start3A_153 : memref<632x128xf32, #tpu.memory_space<hbm>>) target_semaphore(%run_scoped3A : memref<!tpu.dma_semaphore, #tpu.memory_space<semaphore_mem>>)
      %dma_wait3A_156 = arith.constant 0 : i32
      %dma_wait3A_157 = tpu.memref_slice %arg5[%arg0, %multiple_of3A, %dma_wait3A_156] : memref<2x10000x128xf32, #tpu.memory_space<hbm>> -> memref<1x632x128xf32, #tpu.memory_space<hbm>>
      %dma_wait3A_158 = tpu.memref_squeeze %dma_wait3A_157 : memref<1x632x128xf32, #tpu.memory_space<hbm>> -> memref<632x128xf32, #tpu.memory_space<hbm>>
      %dma_wait3A_159 = arith.constant 0 : i32
      %dma_wait3A_160 = tpu.memref_slice %arg6[%multiple_of3A, %dma_wait3A_159] : memref<10000x128xf32, #tpu.memory_space<vmem_shared>> -> memref<632x128xf32, #tpu.memory_space<vmem_shared>>
      tpu.wait_dma2 semaphore(%run_scoped3A : memref<!tpu.dma_semaphore, #tpu.memory_space<semaphore_mem>>) src(%dma_wait3A_160 : memref<632x128xf32, #tpu.memory_space<vmem_shared>>) dst(%dma_wait3A_158 : memref<632x128xf32, #tpu.memory_space<hbm>>)
      tpu.yield
    }) : () -> ()
    return
  }
}

module attributes {stable_mosaic.version = 14 : i64} {
  func.func @_proj_relu_body(%arg0: memref<10000x128xf32, #tpu.memory_space<vmem>>, %arg1: memref<128x128xf32, #tpu.memory_space<vmem>>, %arg2: memref<1x128xf32, #tpu.memory_space<vmem>>, %arg3: memref<10000x128xf32, #tpu.memory_space<vmem>>) attributes {dimension_semantics = [], scalar_prefetch = 0 : i64, scratch_operands = 0 : i64, tpu.core_type = #tpu.core_type<tc>} {
    %get3A = arith.constant 0 : index
    %get3A_0 = arith.constant 0 : index
    %get3A_1 = vector.load %arg0[%get3A, %get3A_0] : memref<10000x128xf32, #tpu.memory_space<vmem>>, vector<10000x128xf32>
    %get3A_2 = arith.constant 0 : index
    %get3A_3 = arith.constant 0 : index
    %get3A_4 = vector.load %arg1[%get3A_2, %get3A_3] : memref<128x128xf32, #tpu.memory_space<vmem>>, vector<128x128xf32>
    %dot_general3A = arith.constant dense<0.000000e+00> : vector<10000x128xf32>
    %dot_general3A_5 = tpu.matmul %get3A_1, %get3A_4, %dot_general3A {dimension_numbers = #tpu.dot_dimension_numbers<[1], [0], [0], [1], [0, 0, 1, 1], [], []>, transpose_lhs_hint = false} : vector<10000x128xf32>, vector<128x128xf32>, vector<10000x128xf32> -> vector<10000x128xf32>
    %get3A_6 = arith.constant 0 : index
    %get3A_7 = arith.constant 0 : index
    %get3A_8 = vector.load %arg2[%get3A_6, %get3A_7] : memref<1x128xf32, #tpu.memory_space<vmem>>, vector<1x128xf32>
    %add3A = vector.broadcast %get3A_8 : vector<1x128xf32> to vector<10000x128xf32>
    %add3A_9 = arith.addf %dot_general3A_5, %add3A : vector<10000x128xf32>
    %max3A = arith.constant 0.000000e+00 : f32
    %max3A_10 = vector.broadcast %max3A : f32 to vector<10000x128xf32>
    %max3A_11 = arith.maximumf %add3A_9, %max3A_10 : vector<10000x128xf32>
    %swap3A = arith.constant 0 : index
    %swap3A_12 = arith.constant 0 : index
    %swap3A_13 = vector.load %arg3[%swap3A, %swap3A_12] : memref<10000x128xf32, #tpu.memory_space<vmem>>, vector<10000x128xf32>
    tpu.vector_store %arg3[%swap3A, %swap3A_12], %max3A_11 {strides = array<i32>} : memref<10000x128xf32, #tpu.memory_space<vmem>>, vector<10000x128xf32>,
    return
  }
}

module attributes {stable_mosaic.version = 14 : i64} {
  func.func @_sage_bn_body(%arg0: memref<2x10000x128xf32, #tpu.memory_space<vmem>>, %arg1: memref<2x10000x16xf32, #tpu.memory_space<vmem>>, %arg2: memref<10000x128xf32, #tpu.memory_space<vmem>>, %arg3: memref<128x128xf32, #tpu.memory_space<vmem>>, %arg4: memref<128x128xf32, #tpu.memory_space<vmem>>, %arg5: memref<1x128xf32, #tpu.memory_space<vmem>>, %arg6: memref<1x128xf32, #tpu.memory_space<vmem>>, %arg7: memref<1x128xf32, #tpu.memory_space<vmem>>, %arg8: memref<10000x128xf32, #tpu.memory_space<vmem>>) attributes {dimension_semantics = [], scalar_prefetch = 0 : i64, scratch_operands = 0 : i64, tpu.core_type = #tpu.core_type<tc>} {
    %get3A = arith.constant 0 : index
    %get3A_0 = arith.constant 0 : index
    %get3A_1 = arith.constant 0 : index
    %get3A_2 = vector.load %arg0[%get3A, %get3A_0, %get3A_1] : memref<2x10000x128xf32, #tpu.memory_space<vmem>>, vector<1x10000x128xf32>
    %get3A_3 = vector.shape_cast %get3A_2 : vector<1x10000x128xf32> to vector<10000x128xf32>
    %get3A_4 = arith.constant 1 : index
    %get3A_5 = arith.constant 0 : index
    %get3A_6 = arith.constant 0 : index
    %get3A_7 = vector.load %arg0[%get3A_4, %get3A_5, %get3A_6] : memref<2x10000x128xf32, #tpu.memory_space<vmem>>, vector<1x10000x128xf32>
    %get3A_8 = vector.shape_cast %get3A_7 : vector<1x10000x128xf32> to vector<10000x128xf32>
    %add3A = arith.addf %get3A_3, %get3A_8 : vector<10000x128xf32>
    %get3A_9 = arith.constant 0 : index
    %get3A_10 = arith.constant 0 : index
    %get3A_11 = arith.constant 0 : index
    %get3A_12 = vector.load %arg1[%get3A_9, %get3A_10, %get3A_11] : memref<2x10000x16xf32, #tpu.memory_space<vmem>>, vector<1x10000x1xf32>
    %get3A_13 = vector.shape_cast %get3A_12 : vector<1x10000x1xf32> to vector<10000x1xf32>
    %get3A_14 = arith.constant 1 : index
    %get3A_15 = arith.constant 0 : index
    %get3A_16 = arith.constant 0 : index
    %get3A_17 = vector.load %arg1[%get3A_14, %get3A_15, %get3A_16] : memref<2x10000x16xf32, #tpu.memory_space<vmem>>, vector<1x10000x1xf32>
    %get3A_18 = vector.shape_cast %get3A_17 : vector<1x10000x1xf32> to vector<10000x1xf32>
    %add3A_19 = arith.addf %get3A_13, %get3A_18 : vector<10000x1xf32>
    %max3A = arith.constant 1.000000e+00 : f32
    %max3A_20 = vector.broadcast %max3A : f32 to vector<10000x1xf32>
    %max3A_21 = arith.maximumf %add3A_19, %max3A_20 : vector<10000x1xf32>
    %div3A = arith.constant 1.000000e+00 : f32
    %div3A_22 = vector.broadcast %div3A : f32 to vector<10000x1xf32>
    %div3A_23 = arith.divf %div3A_22, %max3A_21 : vector<10000x1xf32>
    %mul3A = vector.broadcast %div3A_23 : vector<10000x1xf32> to vector<10000x128xf32>
    %mul3A_24 = arith.mulf %add3A, %mul3A : vector<10000x128xf32>
    %get3A_25 = arith.constant 0 : index
    %get3A_26 = arith.constant 0 : index
    %get3A_27 = vector.load %arg3[%get3A_25, %get3A_26] : memref<128x128xf32, #tpu.memory_space<vmem>>, vector<128x128xf32>
    %dot_general3A = arith.constant dense<0.000000e+00> : vector<10000x128xf32>
    %dot_general3A_28 = tpu.matmul %mul3A_24, %get3A_27, %dot_general3A {dimension_numbers = #tpu.dot_dimension_numbers<[1], [0], [0], [1], [0, 0, 1, 1], [], []>, transpose_lhs_hint = false} : vector<10000x128xf32>, vector<128x128xf32>, vector<10000x128xf32> -> vector<10000x128xf32>
    %get3A_29 = arith.constant 0 : index
    %get3A_30 = arith.constant 0 : index
    %get3A_31 = vector.load %arg2[%get3A_29, %get3A_30] : memref<10000x128xf32, #tpu.memory_space<vmem>>, vector<10000x128xf32>
    %get3A_32 = arith.constant 0 : index
    %get3A_33 = arith.constant 0 : index
    %get3A_34 = vector.load %arg4[%get3A_32, %get3A_33] : memref<128x128xf32, #tpu.memory_space<vmem>>, vector<128x128xf32>
    %dot_general3A_35 = arith.constant dense<0.000000e+00> : vector<10000x128xf32>
    %dot_general3A_36 = tpu.matmul %get3A_31, %get3A_34, %dot_general3A_35 {dimension_numbers = #tpu.dot_dimension_numbers<[1], [0], [0], [1], [0, 0, 1, 1], [], []>, transpose_lhs_hint = false} : vector<10000x128xf32>, vector<128x128xf32>, vector<10000x128xf32> -> vector<10000x128xf32>
    %add3A_37 = arith.addf %dot_general3A_28, %dot_general3A_36 : vector<10000x128xf32>
    %get3A_38 = arith.constant 0 : index
    %get3A_39 = arith.constant 0 : index
    %get3A_40 = vector.load %arg5[%get3A_38, %get3A_39] : memref<1x128xf32, #tpu.memory_space<vmem>>, vector<1x128xf32>
    %add3A_41 = vector.broadcast %get3A_40 : vector<1x128xf32> to vector<10000x128xf32>
    %add3A_42 = arith.addf %add3A_37, %add3A_41 : vector<10000x128xf32>
    %reduce_sum3A = arith.constant dense<0.000000e+00> : vector<128xf32>
    %reduce_sum3A_43 = vector.multi_reduction <add>, %add3A_42, %reduce_sum3A [0] : vector<10000x128xf32> to vector<128xf32>
    %broadcast_in_dim3A = vector.shape_cast %reduce_sum3A_43 : vector<128xf32> to vector<1x128xf32>
    %div3A_44 = arith.constant 1.000000e+04 : f32
    %div3A_45 = vector.broadcast %div3A_44 : f32 to vector<1x128xf32>
    %div3A_46 = arith.divf %broadcast_in_dim3A, %div3A_45 : vector<1x128xf32>
    %sub3A = vector.broadcast %div3A_46 : vector<1x128xf32> to vector<10000x128xf32>
    %sub3A_47 = arith.subf %add3A_42, %sub3A : vector<10000x128xf32>
    %sub3A_48 = vector.broadcast %div3A_46 : vector<1x128xf32> to vector<10000x128xf32>
    %sub3A_49 = arith.subf %add3A_42, %sub3A_48 : vector<10000x128xf32>
    %mul3A_50 = arith.mulf %sub3A_47, %sub3A_49 : vector<10000x128xf32>
    %reduce_sum3A_51 = arith.constant dense<0.000000e+00> : vector<128xf32>
    %reduce_sum3A_52 = vector.multi_reduction <add>, %mul3A_50, %reduce_sum3A_51 [0] : vector<10000x128xf32> to vector<128xf32>
    %broadcast_in_dim3A_53 = vector.shape_cast %reduce_sum3A_52 : vector<128xf32> to vector<1x128xf32>
    %div3A_54 = arith.constant 1.000000e+04 : f32
    %div3A_55 = vector.broadcast %div3A_54 : f32 to vector<1x128xf32>
    %div3A_56 = arith.divf %broadcast_in_dim3A_53, %div3A_55 : vector<1x128xf32>
    %sub3A_57 = vector.broadcast %div3A_46 : vector<1x128xf32> to vector<10000x128xf32>
    %sub3A_58 = arith.subf %add3A_42, %sub3A_57 : vector<10000x128xf32>
    %add3A_59 = arith.constant 9.99999974E-6 : f32
    %add3A_60 = vector.broadcast %add3A_59 : f32 to vector<1x128xf32>
    %add3A_61 = arith.addf %div3A_56, %add3A_60 : vector<1x128xf32>
    %rsqrt3A = math.rsqrt %add3A_61 : vector<1x128xf32>
    %mul3A_62 = vector.broadcast %rsqrt3A : vector<1x128xf32> to vector<10000x128xf32>
    %mul3A_63 = arith.mulf %sub3A_58, %mul3A_62 : vector<10000x128xf32>
    %get3A_64 = arith.constant 0 : index
    %get3A_65 = arith.constant 0 : index
    %get3A_66 = vector.load %arg6[%get3A_64, %get3A_65] : memref<1x128xf32, #tpu.memory_space<vmem>>, vector<1x128xf32>
    %mul3A_67 = vector.broadcast %get3A_66 : vector<1x128xf32> to vector<10000x128xf32>
    %mul3A_68 = arith.mulf %mul3A_63, %mul3A_67 : vector<10000x128xf32>
    %get3A_69 = arith.constant 0 : index
    %get3A_70 = arith.constant 0 : index
    %get3A_71 = vector.load %arg7[%get3A_69, %get3A_70] : memref<1x128xf32, #tpu.memory_space<vmem>>, vector<1x128xf32>
    %add3A_72 = vector.broadcast %get3A_71 : vector<1x128xf32> to vector<10000x128xf32>
    %add3A_73 = arith.addf %mul3A_68, %add3A_72 : vector<10000x128xf32>
    %max3A_74 = arith.constant 0.000000e+00 : f32
    %max3A_75 = vector.broadcast %max3A_74 : f32 to vector<10000x128xf32>
    %max3A_76 = arith.maximumf %add3A_73, %max3A_75 : vector<10000x128xf32>
    %swap3A = arith.constant 0 : index
    %swap3A_77 = arith.constant 0 : index
    %swap3A_78 = vector.load %arg8[%swap3A, %swap3A_77] : memref<10000x128xf32, #tpu.memory_space<vmem>>, vector<10000x128xf32>
    tpu.vector_store %arg8[%swap3A, %swap3A_77], %max3A_76 {strides = array<i32>} : memref<10000x128xf32, #tpu.memory_space<vmem>>, vector<10000x128xf32>,
    return
  }
}

module attributes {stable_mosaic.version = 14 : i64} {
  func.func @_sage_bn_proj_body(%arg0: memref<2x10000x128xf32, #tpu.memory_space<vmem>>, %arg1: memref<2x10000x16xf32, #tpu.memory_space<vmem>>, %arg2: memref<10000x128xf32, #tpu.memory_space<vmem>>, %arg3: memref<128x128xf32, #tpu.memory_space<vmem>>, %arg4: memref<128x128xf32, #tpu.memory_space<vmem>>, %arg5: memref<1x128xf32, #tpu.memory_space<vmem>>, %arg6: memref<1x128xf32, #tpu.memory_space<vmem>>, %arg7: memref<1x128xf32, #tpu.memory_space<vmem>>, %arg8: memref<128x64xf32, #tpu.memory_space<vmem>>, %arg9: memref<1x64xf32, #tpu.memory_space<vmem>>, %arg10: memref<10000x64xf32, #tpu.memory_space<vmem>>) attributes {dimension_semantics = [], scalar_prefetch = 0 : i64, scratch_operands = 0 : i64, tpu.core_type = #tpu.core_type<tc>} {
    %get3A = arith.constant 0 : index
    %get3A_0 = arith.constant 0 : index
    %get3A_1 = arith.constant 0 : index
    %get3A_2 = vector.load %arg0[%get3A, %get3A_0, %get3A_1] : memref<2x10000x128xf32, #tpu.memory_space<vmem>>, vector<1x10000x128xf32>
    %get3A_3 = vector.shape_cast %get3A_2 : vector<1x10000x128xf32> to vector<10000x128xf32>
    %get3A_4 = arith.constant 1 : index
    %get3A_5 = arith.constant 0 : index
    %get3A_6 = arith.constant 0 : index
    %get3A_7 = vector.load %arg0[%get3A_4, %get3A_5, %get3A_6] : memref<2x10000x128xf32, #tpu.memory_space<vmem>>, vector<1x10000x128xf32>
    %get3A_8 = vector.shape_cast %get3A_7 : vector<1x10000x128xf32> to vector<10000x128xf32>
    %add3A = arith.addf %get3A_3, %get3A_8 : vector<10000x128xf32>
    %get3A_9 = arith.constant 0 : index
    %get3A_10 = arith.constant 0 : index
    %get3A_11 = arith.constant 0 : index
    %get3A_12 = vector.load %arg1[%get3A_9, %get3A_10, %get3A_11] : memref<2x10000x16xf32, #tpu.memory_space<vmem>>, vector<1x10000x1xf32>
    %get3A_13 = vector.shape_cast %get3A_12 : vector<1x10000x1xf32> to vector<10000x1xf32>
    %get3A_14 = arith.constant 1 : index
    %get3A_15 = arith.constant 0 : index
    %get3A_16 = arith.constant 0 : index
    %get3A_17 = vector.load %arg1[%get3A_14, %get3A_15, %get3A_16] : memref<2x10000x16xf32, #tpu.memory_space<vmem>>, vector<1x10000x1xf32>
    %get3A_18 = vector.shape_cast %get3A_17 : vector<1x10000x1xf32> to vector<10000x1xf32>
    %add3A_19 = arith.addf %get3A_13, %get3A_18 : vector<10000x1xf32>
    %max3A = arith.constant 1.000000e+00 : f32
    %max3A_20 = vector.broadcast %max3A : f32 to vector<10000x1xf32>
    %max3A_21 = arith.maximumf %add3A_19, %max3A_20 : vector<10000x1xf32>
    %div3A = arith.constant 1.000000e+00 : f32
    %div3A_22 = vector.broadcast %div3A : f32 to vector<10000x1xf32>
    %div3A_23 = arith.divf %div3A_22, %max3A_21 : vector<10000x1xf32>
    %mul3A = vector.broadcast %div3A_23 : vector<10000x1xf32> to vector<10000x128xf32>
    %mul3A_24 = arith.mulf %add3A, %mul3A : vector<10000x128xf32>
    %get3A_25 = arith.constant 0 : index
    %get3A_26 = arith.constant 0 : index
    %get3A_27 = vector.load %arg3[%get3A_25, %get3A_26] : memref<128x128xf32, #tpu.memory_space<vmem>>, vector<128x128xf32>
    %dot_general3A = arith.constant dense<0.000000e+00> : vector<10000x128xf32>
    %dot_general3A_28 = tpu.matmul %mul3A_24, %get3A_27, %dot_general3A {dimension_numbers = #tpu.dot_dimension_numbers<[1], [0], [0], [1], [0, 0, 1, 1], [], []>, transpose_lhs_hint = false} : vector<10000x128xf32>, vector<128x128xf32>, vector<10000x128xf32> -> vector<10000x128xf32>
    %get3A_29 = arith.constant 0 : index
    %get3A_30 = arith.constant 0 : index
    %get3A_31 = vector.load %arg2[%get3A_29, %get3A_30] : memref<10000x128xf32, #tpu.memory_space<vmem>>, vector<10000x128xf32>
    %get3A_32 = arith.constant 0 : index
    %get3A_33 = arith.constant 0 : index
    %get3A_34 = vector.load %arg4[%get3A_32, %get3A_33] : memref<128x128xf32, #tpu.memory_space<vmem>>, vector<128x128xf32>
    %dot_general3A_35 = arith.constant dense<0.000000e+00> : vector<10000x128xf32>
    %dot_general3A_36 = tpu.matmul %get3A_31, %get3A_34, %dot_general3A_35 {dimension_numbers = #tpu.dot_dimension_numbers<[1], [0], [0], [1], [0, 0, 1, 1], [], []>, transpose_lhs_hint = false} : vector<10000x128xf32>, vector<128x128xf32>, vector<10000x128xf32> -> vector<10000x128xf32>
    %add3A_37 = arith.addf %dot_general3A_28, %dot_general3A_36 : vector<10000x128xf32>
    %get3A_38 = arith.constant 0 : index
    %get3A_39 = arith.constant 0 : index
    %get3A_40 = vector.load %arg5[%get3A_38, %get3A_39] : memref<1x128xf32, #tpu.memory_space<vmem>>, vector<1x128xf32>
    %add3A_41 = vector.broadcast %get3A_40 : vector<1x128xf32> to vector<10000x128xf32>
    %add3A_42 = arith.addf %add3A_37, %add3A_41 : vector<10000x128xf32>
    %reduce_sum3A = arith.constant dense<0.000000e+00> : vector<128xf32>
    %reduce_sum3A_43 = vector.multi_reduction <add>, %add3A_42, %reduce_sum3A [0] : vector<10000x128xf32> to vector<128xf32>
    %broadcast_in_dim3A = vector.shape_cast %reduce_sum3A_43 : vector<128xf32> to vector<1x128xf32>
    %div3A_44 = arith.constant 1.000000e+04 : f32
    %div3A_45 = vector.broadcast %div3A_44 : f32 to vector<1x128xf32>
    %div3A_46 = arith.divf %broadcast_in_dim3A, %div3A_45 : vector<1x128xf32>
    %sub3A = vector.broadcast %div3A_46 : vector<1x128xf32> to vector<10000x128xf32>
    %sub3A_47 = arith.subf %add3A_42, %sub3A : vector<10000x128xf32>
    %sub3A_48 = vector.broadcast %div3A_46 : vector<1x128xf32> to vector<10000x128xf32>
    %sub3A_49 = arith.subf %add3A_42, %sub3A_48 : vector<10000x128xf32>
    %mul3A_50 = arith.mulf %sub3A_47, %sub3A_49 : vector<10000x128xf32>
    %reduce_sum3A_51 = arith.constant dense<0.000000e+00> : vector<128xf32>
    %reduce_sum3A_52 = vector.multi_reduction <add>, %mul3A_50, %reduce_sum3A_51 [0] : vector<10000x128xf32> to vector<128xf32>
    %broadcast_in_dim3A_53 = vector.shape_cast %reduce_sum3A_52 : vector<128xf32> to vector<1x128xf32>
    %div3A_54 = arith.constant 1.000000e+04 : f32
    %div3A_55 = vector.broadcast %div3A_54 : f32 to vector<1x128xf32>
    %div3A_56 = arith.divf %broadcast_in_dim3A_53, %div3A_55 : vector<1x128xf32>
    %sub3A_57 = vector.broadcast %div3A_46 : vector<1x128xf32> to vector<10000x128xf32>
    %sub3A_58 = arith.subf %add3A_42, %sub3A_57 : vector<10000x128xf32>
    %add3A_59 = arith.constant 9.99999974E-6 : f32
    %add3A_60 = vector.broadcast %add3A_59 : f32 to vector<1x128xf32>
    %add3A_61 = arith.addf %div3A_56, %add3A_60 : vector<1x128xf32>
    %rsqrt3A = math.rsqrt %add3A_61 : vector<1x128xf32>
    %mul3A_62 = vector.broadcast %rsqrt3A : vector<1x128xf32> to vector<10000x128xf32>
    %mul3A_63 = arith.mulf %sub3A_58, %mul3A_62 : vector<10000x128xf32>
    %get3A_64 = arith.constant 0 : index
    %get3A_65 = arith.constant 0 : index
    %get3A_66 = vector.load %arg6[%get3A_64, %get3A_65] : memref<1x128xf32, #tpu.memory_space<vmem>>, vector<1x128xf32>
    %mul3A_67 = vector.broadcast %get3A_66 : vector<1x128xf32> to vector<10000x128xf32>
    %mul3A_68 = arith.mulf %mul3A_63, %mul3A_67 : vector<10000x128xf32>
    %get3A_69 = arith.constant 0 : index
    %get3A_70 = arith.constant 0 : index
    %get3A_71 = vector.load %arg7[%get3A_69, %get3A_70] : memref<1x128xf32, #tpu.memory_space<vmem>>, vector<1x128xf32>
    %add3A_72 = vector.broadcast %get3A_71 : vector<1x128xf32> to vector<10000x128xf32>
    %add3A_73 = arith.addf %mul3A_68, %add3A_72 : vector<10000x128xf32>
    %max3A_74 = arith.constant 0.000000e+00 : f32
    %max3A_75 = vector.broadcast %max3A_74 : f32 to vector<10000x128xf32>
    %max3A_76 = arith.maximumf %add3A_73, %max3A_75 : vector<10000x128xf32>
    %get3A_77 = arith.constant 0 : index
    %get3A_78 = arith.constant 0 : index
    %get3A_79 = vector.load %arg8[%get3A_77, %get3A_78] : memref<128x64xf32, #tpu.memory_space<vmem>>, vector<128x64xf32>
    %dot_general3A_80 = arith.constant dense<0.000000e+00> : vector<10000x64xf32>
    %dot_general3A_81 = tpu.matmul %max3A_76, %get3A_79, %dot_general3A_80 {dimension_numbers = #tpu.dot_dimension_numbers<[1], [0], [0], [1], [0, 0, 1, 1], [], []>, transpose_lhs_hint = false} : vector<10000x128xf32>, vector<128x64xf32>, vector<10000x64xf32> -> vector<10000x64xf32>
    %get3A_82 = arith.constant 0 : index
    %get3A_83 = arith.constant 0 : index
    %get3A_84 = vector.load %arg9[%get3A_82, %get3A_83] : memref<1x64xf32, #tpu.memory_space<vmem>>, vector<1x64xf32>
    %add3A_85 = vector.broadcast %get3A_84 : vector<1x64xf32> to vector<10000x64xf32>
    %add3A_86 = arith.addf %dot_general3A_81, %add3A_85 : vector<10000x64xf32>
    %swap3A = arith.constant 0 : index
    %swap3A_87 = arith.constant 0 : index
    %swap3A_88 = vector.load %arg10[%swap3A, %swap3A_87] : memref<10000x64xf32, #tpu.memory_space<vmem>>, vector<10000x64xf32>
    tpu.vector_store %arg10[%swap3A, %swap3A_87], %add3A_86 {strides = array<i32>} : memref<10000x64xf32, #tpu.memory_space<vmem>>, vector<10000x64xf32>,
    return
  }
}

</mosaic_0001>

<sc_bundles>
// kernel: kernel.10.cloned.1.call-start
scs
__scs_entry_jumppad:
0x0: {  	(pc) =	sbr.rel $0x88, $3  }
0x1: {  	(tag) =	ssettag $0x0;
	lr =	simm.s32 $0x1  }
0x2: {  	[smem:$0x3F91] =	sst lr;
	_ =	strace $0xD0000000  }
0x3: {  	_ = 	snop  }
0x4: {  	_ = 	snop  }
0x5: {  	_ = 	snop  }
0x6: {  	_ = 	snop  }
0x7: {  	_ = 	snop  }
__scs_overlays_trampoline_lowered:
0x8: {  	[smem:$0x3FA0] =	sst s0  }
0x9: {  	[smem:$0x3FA1] =	sst s1  }
0xa: {  	[smem:$0x3FA2] =	sst s2  }
0xb: {  	[smem:$0x3FA3] =	sst s3  }
0xc: {  	[smem:$0x3FA4] =	sst s4  }
0xd: {  	[smem:$0x3FA5] =	sst s5  }
0xe: {  	[smem:$0x3FA6] =	sst s6  }
0xf: {  	[smem:$0x3FA7] =	sst s7  }
0x10: {  	[smem:$0x3FA8] =	sst s8  }
0x11: {  	[smem:$0x3FA9] =	sst s9;
	s0 =	simm.s32 @!p0 $0x0  }
0x12: {  	s1 =	sld [smem:$0x3F8F];
	s0 =	simm.s32 @p0 $0x1  }
0x13: {  	[smem:$0x3FAA] =	sst s0;
	s0 =	simm.s32 @!p1 $0x0  }
0x14: {  	s2 =	sld [smem:$0x3F8E];
	s0 =	simm.s32 @p1 $0x1  }
0x15: {  	[smem:$0x3FAB] =	sst s0;
	s0 =	simm.s32 @!p2 $0x0  }
0x16: {  	s3 =	sld [smem:$0x3FDB];
	s0 =	simm.s32 @p2 $0x1  }
0x17: {  	s4 =	simm.s32 $0x1BF5;
	[smem:$0x3FAD] =	sst s0  }
0x18: {  	s0 =	sld [smem:$0x3F90];
	_ =	swait.ge [sflag:s4], $0x0  }
0x19: {  	s7 =	sld [smem:$0x3F91]  }
0x1a: {  	s8 =	sadd.s32 $0xFFFFE003, lr  }
0x1b: {  	s9 =	sadd.s32 $0xFFFFFEF7, lr;
	s5 =	simm.s32 $0xFFFFFFFF;
	p2 =	slt.u32 s8, $0xFFFFF086  }
0x1c: {  	p1 =	slt.u32 s9, $0xF7A;
	s5 =	simm.s32 @!p2 $0x0  }
0x1d: {  	s5 =	simm.s32 @p1 $0x1;
	p0 =	seq.s32 s7, s2  }
0x1e: {  	s7 =	smul.u32 @!p0 $0xF7A, s2;
	p2 =	seq.s32 @!p0 s5, $0x0  }
0x1f: {  	s9 =	smul.u32 $0xF7A, s1;
	s8 =	simm.s32 @!p0 $0x1BF5;
	p2 =	por !p2, p0  }
0x20: {  	[sflag:s8] =	ssyncset.s32 @!p0 $0xFFFFF086;
	s6 =	sadd.s32 @!p0 s3, s7;
	s7 =	simm.s32 @!p0 $0x108  }
0x21: {  	s3 =	sadd.s32 s3, s9;
	s6 =	sadd.s32 @!p0 $0x88, s6;
	s7 =	simm.s32 @p2 $0x1082  }
0x22: {  	[simem:s7], [sflag:s8] =	dma.local @!p0 [hbm:s6], $0xF7A  }
0x23: {  	s9 =	sor.u32 $0xD0000000, s2;
	s6 =	simm.s32 $0x108;
	_ =	swait.ge @!p0 [sflag:s8], $0x0  }
0x24: {  	s3 =	sadd.s32 $0x88, s3;
	s6 =	simm.s32 @!p1 $0x1082;
	[sflag:s4] =	ssyncset.s32 $0xFFFFF086  }
0x25: {  	[simem:s6], [sflag:s4] =	dma.local [hbm:s3], $0xF7A  }
0x26: {  	[smem:$0x3F91] =	sst s1;
	(tag) =	ssettag s2;
	_ =	strace s9  }
0x27: {  	s1 =	sld [smem:$0x3FA1]  }
0x28: {  	s2 =	sld [smem:$0x3FA2]  }
0x29: {  	s4 =	sld [smem:$0x3FA4]  }
0x2a: {  	p0 =	seq.s32 s5, $0x0;
	s5 =	sld [smem:$0x3FA5]  }
0x2b: {  	s6 =	sld [smem:$0x3FA6]  }
0x2c: {  	s7 =	sld [smem:$0x3FA7]  }
0x2d: {  	s3 =	simm.s32 $0x108;
	s8 =	sld [smem:$0x3FA8]  }
0x2e: {  	s3 =	simm.s32 @!p0 $0x1082;
	s9 =	sld [smem:$0x3FA9]  }
0x2f: {  	lr =	sadd.s32 s0, s3;
	s0 =	sld [smem:$0x3FA0]  }
0x30: {  	s3 =	sld [smem:$0x3FA3]  }
0x31: {  	[smem:$0x3FAC] =	sst s10  }
0x32: {  	s10 =	sld [smem:$0x3FAA];
	_ =	sdelay $0x3  }
0x33: {  	p0 =	seq.s32 s10, $0x1;
	s10 =	sld [smem:$0x3FAC];
	_ =	sdelay $0x3  }
0x34: {  	[smem:$0x3FAC] =	sst s10  }
0x35: {  	s10 =	sld [smem:$0x3FAB];
	_ =	sdelay $0x3  }
0x36: {  	p1 =	seq.s32 s10, $0x1;
	s10 =	sld [smem:$0x3FAC];
	_ =	sdelay $0x3  }
0x37: {  	[smem:$0x3FAC] =	sst s10  }
0x38: {  	s10 =	sld [smem:$0x3FAD]  }
0x39: {  	_ = 	snop;
	(pc) =	sbr.ind lr, $3  }
0x3a: {  	_ = 	snop  }
0x3b: {  	_ = 	snop  }
0x3c: {  	p2 =	seq.s32 s10, $0x1;
	s10 =	sld [smem:$0x3FAC]  }
0x3d: {  	_ =	shalt  }
0x3e: {  	_ =	shalt  }
0x3f: {  	_ =	shalt  }
0x40: {  	_ =	shalt  }
0x41: {  	_ =	shalt  }
0x42: {  	_ =	shalt  }
0x43: {  	_ =	shalt  }
0x44: {  	_ =	shalt  }
0x45: {  	_ =	shalt  }
0x46: {  	_ =	shalt  }
0x47: {  	_ =	shalt  }
0x48: {  	_ =	shalt  }
0x49: {  	_ =	shalt  }
0x4a: {  	_ =	shalt  }
0x4b: {  	_ =	shalt  }
0x4c: {  	_ =	shalt  }
0x4d: {  	_ =	shalt  }
0x4e: {  	_ =	shalt  }
0x4f: {  	_ =	shalt  }
0x50: {  	_ =	shalt  }
0x51: {  	_ =	shalt  }
0x52: {  	_ =	shalt  }
0x53: {  	_ =	shalt  }
0x54: {  	_ =	shalt  }
0x55: {  	_ =	shalt  }
0x56: {  	_ =	shalt  }
0x57: {  	_ =	shalt  }
0x58: {  	_ =	shalt  }
0x59: {  	_ =	shalt  }
0x5a: {  	_ =	shalt  }
0x5b: {  	_ =	shalt  }
0x5c: {  	_ =	shalt  }
0x5d: {  	_ =	shalt  }
0x5e: {  	_ =	shalt  }
0x5f: {  	_ =	shalt  }
0x60: {  	_ =	shalt  }
0x61: {  	_ =	shalt  }
0x62: {  	_ =	shalt  }
0x63: {  	_ =	shalt  }
0x64: {  	_ =	shalt  }
0x65: {  	_ =	shalt  }
0x66: {  	_ =	shalt  }
0x67: {  	_ =	shalt  }
0x68: {  	_ =	shalt  }
0x69: {  	_ =	shalt  }
0x6a: {  	_ =	shalt  }
0x6b: {  	_ =	shalt  }
0x6c: {  	_ =	shalt  }
0x6d: {  	_ =	shalt  }
0x6e: {  	_ =	shalt  }
0x6f: {  	_ =	shalt  }
0x70: {  	_ =	shalt  }
0x71: {  	_ =	shalt  }
0x72: {  	_ =	shalt  }
0x73: {  	_ =	shalt  }
0x74: {  	_ =	shalt  }
0x75: {  	_ =	shalt  }
0x76: {  	_ =	shalt  }
0x77: {  	_ =	shalt  }
0x78: {  	_ =	shalt  }
0x79: {  	_ =	shalt  }
0x7a: {  	_ =	shalt  }
0x7b: {  	_ =	shalt  }
0x7c: {  	_ =	shalt  }
0x7d: {  	_ =	shalt  }
0x7e: {  	_ =	shalt  }
0x7f: {  	_ =	shalt  }
0x80: {  	_ =	shalt  }
0x81: {  	_ =	shalt  }
0x82: {  	_ =	shalt  }
0x83: {  	_ =	shalt  }
0x84: {  	_ =	shalt  }
0x85: {  	_ =	shalt  }
0x86: {  	_ =	shalt  }
0x87: {  	_ =	shalt  }
.Lfunc_end0:
.L_simem_size_0:
called_computation.1_lowered:
.L_overlay_start_0:
0x88: {  	s2 =	sld [smem:$0x3FD9]  }
0x89: {  	s3 =	sld [smem:$0x3FFE];
	_ =	sdelay $0x1  }
0x8a: {  	s1 =	srdreg.scid  }
0x8b: {  	s0 =	sand.u32 $0x1, s1  }
0x8c: {  	s16 =	sshll.u32 s0, $0xA;
	s2 =	sadd.s32 s3, s2  }
0x8d: {  	s2 =	sadd.s32 s2, s16  }
0x8e: {  	[smem:$0x3FB8] =	sst s2  }
0x8f: {  	_ = 	snop  }
0x90: {  	(tm) =	ssettm $0x1  }
0x91: {  	s17 =	sld [smem:$0x3FFB];
	_ =	sdelay $0x3  }
0x92: {  	_ =	strace s17  }
0x93: {  	s2 =	sld [smem:$0x3FFC];
	_ =	sdelay $0x3  }
0x94: {  	_ =	strace s2  }
0x95: {  	s2 =	sld [smem:$0x3FFD];
	_ =	sdelay $0x3  }
0x96: {  	_ =	strace s2  }
0x97: {  	_ =	strace $0x8FFFFFFF  }
0x98: {  	s18 =	sld [smem:$0x3FDB];
	_ =	sdelay $0x1  }
0x99: {  	s19 =	simm.s32 $_scs_section_size  }
0x9a: {  	s4 =	simm.s32 $_size__tile_overlayer_lowered;
	s5 =	simm.s32 $_tile_overlayer_lowered  }
0x9b: {  	s22 =	simm.s32 $0x1BFF;
	s21 =	sshll.u32 s5, $0x1;
	s2 =	sadd.s32 s19, s18  }
0x9c: {  	s6 =	simm.s32 $0x0;
	s20 =	sshll.u32 s4, $0x1;
	s4 =	sadd.s32 s21, s2  }
0x9d: {  	[timem:s6], [sflag:s22] =	dma.local [hbm:s4], s20  }
0x9e: {  	_ =	swait.ge [sflag:s22], s20  }
0x9f: {  	s3 =	ssub.s32 $0x0, s20;
	[sflag:s22] =	ssyncset.done $0x0  }
0xa0: {  	[sflag:s22] =	ssyncadd.s32 s3;
	_ =	sdelay $0x1  }
0xa1: {  	s23 =	simm.s32 $0x1B8B  }
0xa2: {  	_ =	swait.ge [sflag:s23], $0x1  }
0xa3: {  	[sflag:s23] =	ssyncset.done $0x0  }
0xa4: {  	s25 =	simm.s32 $0x1B8E;
	s24 =	sld [smem:$0x3FFE];
	[sflag:s23] =	ssyncadd.s32 $0xFFFFFFFF  }
0xa5: {  	s26 =	simm.s32 $execute0_lowered;
	[smem:$0x3FD2] =	sst s25  }
0xa6: {  	s4 =	sshll.u32 s26, $0x1;
	_ =	strace $0x80000049;
	[dreg:$0x1] =	wrdreg $0xFFFFFFFF  }
0xa7: {  	s28 =	simm.s32 $_size_execute0_lowered;
	s2 =	sadd.s32 s2, s4;
	[dreg:$0x0] =	wrdreg $0x0  }
0xa8: {  	s4 =	sshll.u32 s28, $0x1;
	[dreg:$0x2] =	wrdreg s2  }
0xa9: {  	[dreg:$0x3] =	wrdreg s4  }
0xaa: {  	[dreg:$0x4] =	wrdreg $0xC0  }
0xab: {  	_ =	task [dreg:s6], $0x5FFFF  }
0xac: {  	[dreg:$0x1] =	wrdreg $0xFFFFFFFF  }
0xad: {  	[dreg:$0x0] =	wrdreg $0x60  }
0xae: {  	[dreg:$0x2] =	wrdreg s24  }
0xaf: {  	[dreg:$0x3] =	wrdreg $0x0  }
0xb0: {  	[dreg:$0x4] =	wrdreg $0x9  }
0xb1: {  	_ =	task.clear_ibuf [dreg:s6], $0x5FFFF;
	_ =	strace $0x90000049  }
0xb2: {  	s29 =	simm.s32 $0x9;
	_ =	strace $0x8000004B  }
0xb3: {  	_ =	swait.ge [sflag:s29], $0x1  }
0xb4: {  	[sflag:s29] =	ssyncadd.s32 $0xFFFFFFFF  }
0xb5: {  	_ =	strace $0x9000004B  }
0xb6: {  	_ =	sfence  }
0xb7: {  	s30 =	sld [smem:$0x0];
	_ =	sdelay $0x2  }
0xb8: {  	s31 =	sshll.u32 s1, $0xD;
	s1 =	sshrl.u32 s1, $0x2  }
0xb9: {  	s3 =	sand.u32 $0x4000, s31;
	s1 =	sadd.s32 s1, s30  }
0xba: {  	s0 =	sor.u32 s3, s0;
	s1 =	sshll.u32 s1, $0x11  }
0xbb: {  	s0 =	sor.u32 s1, s0  }
0xbc: {  	s0 =	sadd.s32 $0x8F2B, s0  }
0xbd: {  	[sflag:s0] =	ssyncadd.remote.s32 $0x1  }
0xbe: {  	_ =	sfence.sel $0xFFFF  }
0xbf: {  	[dreg:$0x0] =	wrdreg $0xFFFFFFFF;
	(pc) =	sbr.abs _section_cstart, $3  }
0xc0: {  	[dreg:$0x1] =	wrdreg $0xFFFFFFFF  }
0xc1: {  	_ =	task.clear_ibuf [dreg:s6], $0x2FFFF;
	_ =	strace $0x9FFFFFFF  }
0xc2: {  	(tm) =	ssettm $0x7FFFFFFF  }
0xc3: {  	_ =	shalt  }
tec
execute0_lowered:
.L_overlay_start_1:
0x0: {  	(tag) =	ssettag $0x1  }
0x1: {  	s0 =	rddreg [dreg:$0x0]  }
0x2: {  	s2 =	rddreg [dreg:$0x1]  }
0x3: {  	s10 =	stileid.u32;
	s1 =	srdreg.scid  }
0x4: {  	s3 =	simm.s32 $0x0;
	s28 =	simm.s32 $0x3;
	s29 =	simm.s32 $0x7D  }
0x5: {  	s30 =	simm.s32 $0x4;
	s31 =	simm.s32 $0x17B00;
	s4 =	smul.u32 $0x278, s10  }
0x6: {  	s1 =	sand.u32 $0x1, s1;
	s6 =	sshll.u32 s10, $0x1;
	s10 =	smul.u32 $0xA000, s10  }
0x7: {  	[smem:$0x7FF] =	sst s3;
	s8 =	sadd.s32 $0x3C00, s0;
	s5 =	smul.u32 $0x138800, s1  }
0x8: {  	s11 =	sor.u32 s1, s6;
	s9 =	ssub.s32 $0x2, s1;
	s1 =	smul.u32 $0x5000, s1  }
0x9: {  	_ =	strace $0x8000004A;
	s4 =	smin.u32 s4, $0x2498;
	s6 =	smul.u32 $0x5000, s11  }
0xa: {  	s13 =	sshrl.u32 s9, $0x1;
	s11 =	simm.s32 $0x13B00;
	s7 =	sshll.u32 s4, $0x7  }
0xb: {  	s4 =	sadd.s32 $0x17C00, s0;
	s1 =	sadd.s32 s1, s10;
	s10 =	simm.s32 $0x6  }
0xc: {  	s5 =	sadd.s32 s5, s7;
	s12 =	sshrl.u32 s6, $0x3;
	s6 =	ssub.s32 s9, s13  }
0xd: {  	s9 =	sadd.s32 s7, s2;
	s20 =	sor.u32 $0x700, s1;
	s24 =	sor.u32 $0x600, s1  }
0xe: {  	s25 =	sor.u32 $0x500, s1;
	s1 =	sor.u32 $0x400, s1;
	s7 =	simm.s32 $0x2  }
0xf: {  	s13 =	simm.s32 $0x0;
	s5 =	sshrl.u32 s5, $0x3;
	s16 =	sadd.s32 $0x3C00, s9  }
0x10: {  	s17 =	sadd.s32 $0x7800, s9;
	s18 =	sadd.s32 $0xB400, s9;
	[dreg:$0x7] =	wrdreg s16  }
0x11: {  	s19 =	sadd.s32 $0xF000, s9;
	s21 =	sadd.s32 $0x12C00, s9;
	[dreg:$0x8] =	wrdreg s17  }
0x12: {  	s22 =	sshrl.u32 s20, $0x3;
	s23 =	smax.u32 s6, $0x1;
	[dreg:$0x9] =	wrdreg s18  }
0x13: {  	s26 =	sshrl.u32 s25, $0x3;
	s1 =	sshrl.u32 s1, $0x3;
	[dreg:$0xa] =	wrdreg s19  }
0x14: {  	s25 =	simm.s32 $0x13C80;
	s6 =	simm.s32 $0x5;
	[dreg:$0xb] =	wrdreg s21  }
0x15: {  	s0 =	sadd.s32 s5, s0;
	s5 =	sadd.s32 s8, s12;
	[dreg:$0xd] =	wrdreg s23  }
0x16: {  	s17 =	sadd.s32 s22, s8;
	s19 =	sadd.s32 s26, s8;
	s20 =	sadd.s32 s1, s8  }
0x17: {  	s21 =	simm.s32 $0x13880;
	s22 =	simm.s32 $0x13980;
	s23 =	simm.s32 $0x13A80  }
0x18: {  	s26 =	simm.s32 $0x7;
	s14 =	sadd.s32 $0x20, s5;
	[dreg:$0x3] =	wrdreg s5  }
.Ltmp0:
0x19: {  	s15 =	sadd.s32 $0x40, s5;
	[dreg:$0x4] =	wrdreg s14;
	(pc) =	sbr.rel .LBB2_1-.Ltmp0, $4  }
0x1a: {  	s1 =	simm.s32 $0x1;
	s5 =	sadd.s32 $0x60, s5;
	[dreg:$0x5] =	wrdreg s15  }
0x1b: {  	s12 =	simm.s32 $0x13C00;
	s0 =	sadd.s32 $0x3F000, s0;
	[dreg:$0x6] =	wrdreg s5  }
0x1c: {  	[dreg:$0xc] =	wrdreg s0;
	s0 =	sshrl.u32 s24, $0x3;
	s24 =	simm.s32 $0x13B80  }
0x1d: {  	v0 =	vimm.f32 $0.0e+00;
	s18 =	sadd.s32 s0, s8;
	s0 =	simm.s32 $0x13900;
	s8 =	simm.s32 $0x13A00  }
.LBB2_6:
0x1e: {  	_ =	swait.ge [sflag:s7], $0x3E80  }
0x1f: {  	[sflag:s7] =	ssyncset.done $0x0  }
0x20: {  	[sflag:s7] =	ssyncadd.s32 $0xFFFFC180  }
0x21: {  	[spmem:s2] =	stream.indirect.scatter.add.f32 [tilespmem:s31], [sflag:$0x7], $0x80, s12, s29, $0xb8;
	[tilespmem:$0x1B980] =	vst v63  }
0x22: {  	_ =	swait.ge [sflag:s26], $0x3E80  }
0x23: {  	[sflag:s26] =	ssyncset.done $0x0  }
0x24: {  	s5 =	stileid.u32;
	[sflag:s26] =	ssyncadd.s32 $0xFFFFC180  }
0x25: {  	s5 =	sshll.u32 s5, $0x6;
	[bflag:$0x0] =	sbarrier.arrive $0xFFFF  }
0x26: {  	s14 =	sshrl.u32 s9, $0x3;
	s5 =	sor.u32 $0x1C07, s5;
	s15 =	rddreg [dreg:$0xc]  }
0x27: {  	[hbm:s15], [sflag:s5] =	dma.local [spmem:s14], $0x2780  }
0x28: {  	_ =	swait.ge [sflag:s26], $0x2780  }
0x29: {  	s13 =	sadd.s32 $0x1, s13;
	s16 =	rddreg [dreg:$0xd]  }
0x2a: {  	p0 =	sne.s32 s13, s16  }
.Ltmp1:
0x2b: {  	_ = 	snop;
	(pc) =	sbr.rel @!p0 .LBB2_7-.Ltmp1, $3  }
0x2c: {  	_ =	sdelay $0x1  }
0x2d: {  	[sflag:s26] =	ssyncset.done $0x0  }
0x2e: {  	[sflag:s26] =	ssyncadd.s32 $0xFFFFD880  }
.LBB2_1:
0x2f: {  	s5 =	rddreg [dreg:$0x3]  }
0x30: {  	[tilespmem:s21], [sflag:$0x3] =	stream.linear.gather [hbm4b:s5+s3], $0x100, $0x38;
	[tilespmem:$0x1B980] =	vst v63  }
0x31: {  	s14 =	rddreg [dreg:$0x4]  }
0x32: {  	[tilespmem:s22], [sflag:$0x4] =	stream.linear.gather [hbm4b:s14+s3], $0x100, $0x38;
	[tilespmem:$0x1B980] =	vst v63  }
0x33: {  	s15 =	rddreg [dreg:$0x5]  }
0x34: {  	[tilespmem:s23], [sflag:$0x5] =	stream.linear.gather [hbm4b:s15+s3], $0x100, $0x38;
	[tilespmem:$0x1B980] =	vst v63  }
0x35: {  	s16 =	rddreg [dreg:$0x6];
	s14 =	simm.s32 $0x0;
	s15 =	simm.s32 $0x200  }
0x36: {  	[tilespmem:s24], [sflag:$0x6] =	stream.linear.gather [hbm4b:s16+s3], $0x100, $0x38;
	[tilespmem:$0x1B980] =	vst v63  }
.LBB2_2:
0x37: {  	p0 =	sne.s32 s15, $0xEE00;
	[tilespmem:s14+$0x13CF0] =	vst v0  }
0x38: {  	[tilespmem:s14+$0x13C80] =	vst v0  }
0x39: {  	[tilespmem:s14+$0x13C90] =	vst v0  }
.Ltmp2:
0x3a: {  	[tilespmem:s14+$0x13CA0] =	vst v0;
	(pc) =	sbr.rel @p0 .LBB2_2-.Ltmp2, $4  }
0x3b: {  	[tilespmem:s14+$0x13CB0] =	vst v0  }
0x3c: {  	[tilespmem:s14+$0x13CC0] =	vst v0  }
0x3d: {  	[tilespmem:s14+$0x13CD0] =	vst v0  }
0x3e: {  	[tilespmem:s14+$0x13CE0] =	vst v0;
	s14 =	sshra.s32 s15, $0x2;
	s15 =	sadd.s32 $0x200, s15  }
0x3f: {  	[tilespmem:s14+$0x13CF0] =	vst v0  }
0x40: {  	[tilespmem:s14+$0x13C80] =	vst v0  }
0x41: {  	[tilespmem:s14+$0x13C90] =	vst v0  }
0x42: {  	[tilespmem:s14+$0x13CA0] =	vst v0  }
0x43: {  	[tilespmem:s14+$0x13CB0] =	vst v0  }
0x44: {  	[tilespmem:s14+$0x13CC0] =	vst v0  }
0x45: {  	[tilespmem:s14+$0x13CD0] =	vst v0  }
0x46: {  	[tilespmem:s14+$0x13CE0] =	vst v0  }
0x47: {  	[spmem:s9] =	stream.linear.scatter [tilespmem:s25], [sflag:$0x7], $0x3C00, $0x38;
	[tilespmem:$0x1B980] =	vst v63  }
0x48: {  	_ =	swait.ge [sflag:s26], $0x3C00  }
0x49: {  	[sflag:s26] =	ssyncset.done $0x0  }
0x4a: {  	s5 =	rddreg [dreg:$0x7];
	[sflag:s26] =	ssyncadd.s32 $0xFFFFC400  }
0x4b: {  	[spmem:s5] =	stream.linear.scatter [tilespmem:s25], [sflag:$0x7], $0x3C00, $0x38;
	[tilespmem:$0x1B980] =	vst v63  }
0x4c: {  	_ =	swait.ge [sflag:s26], $0x3C00  }
0x4d: {  	[sflag:s26] =	ssyncset.done $0x0  }
0x4e: {  	s16 =	rddreg [dreg:$0x8];
	[sflag:s26] =	ssyncadd.s32 $0xFFFFC400  }
0x4f: {  	[spmem:s16] =	stream.linear.scatter [tilespmem:s25], [sflag:$0x7], $0x3C00, $0x38;
	[tilespmem:$0x1B980] =	vst v63  }
0x50: {  	_ =	swait.ge [sflag:s26], $0x3C00  }
0x51: {  	[sflag:s26] =	ssyncset.done $0x0  }
0x52: {  	s14 =	rddreg [dreg:$0x9];
	[sflag:s26] =	ssyncadd.s32 $0xFFFFC400  }
0x53: {  	[spmem:s14] =	stream.linear.scatter [tilespmem:s25], [sflag:$0x7], $0x3C00, $0x38;
	[tilespmem:$0x1B980] =	vst v63  }
0x54: {  	_ =	swait.ge [sflag:s26], $0x3C00  }
0x55: {  	[sflag:s26] =	ssyncset.done $0x0  }
0x56: {  	s15 =	rddreg [dreg:$0xa];
	[sflag:s26] =	ssyncadd.s32 $0xFFFFC400  }
0x57: {  	[spmem:s15] =	stream.linear.scatter [tilespmem:s25], [sflag:$0x7], $0x3C00, $0x38;
	[tilespmem:$0x1B980] =	vst v63  }
0x58: {  	_ =	swait.ge [sflag:s26], $0x3C00  }
0x59: {  	[sflag:s26] =	ssyncset.done $0x0  }
0x5a: {  	s16 =	rddreg [dreg:$0xb];
	[sflag:s26] =	ssyncadd.s32 $0xFFFFC400  }
0x5b: {  	[spmem:s16] =	stream.linear.scatter [tilespmem:s25], [sflag:$0x7], $0x1000, $0x38;
	[tilespmem:$0x1B980] =	vst v63  }
0x5c: {  	_ =	swait.ge [sflag:s26], $0x1000  }
0x5d: {  	[sflag:s26] =	ssyncset.done $0x0  }
0x5e: {  	[sflag:s26] =	ssyncadd.s32 $0xFFFFF000  }
0x5f: {  	[bflag:$0x0] =	sbarrier.arrive $0xFFFF  }
0x60: {  	_ =	swait.ge [sflag:s28], $0x100  }
0x61: {  	[sflag:s28] =	ssyncset.done $0x0  }
0x62: {  	[sflag:s28] =	ssyncadd.s32 $0xFFFFFF00  }
0x63: {  	[tilespmem:s25], [sflag:$0x1] =	stream.indirect.gather [hbm4b:s4+s29], $0x80, s21, s29, $0xb8;
	[tilespmem:$0x1B980] =	vst v63  }
0x64: {  	_ =	swait.ge [sflag:s30], $0x100  }
0x65: {  	[sflag:s30] =	ssyncset.done $0x0  }
0x66: {  	s14 =	simm.s32 $0x0;
	[sflag:s30] =	ssyncadd.s32 $0xFFFFFF00  }
0x67: {  	[tilespmem:s31], [sflag:$0x2] =	stream.indirect.gather [hbm4b:s4+s29], $0x80, s22, s29, $0xb8;
	[tilespmem:$0x1B980] =	vst v63  }
.LBB2_4:
0x68: {  	_ =	swait.ge [sflag:s1], $0x3E80  }
0x69: {  	[sflag:s1] =	ssyncset.done $0x0  }
0x6a: {  	[sflag:s1] =	ssyncadd.s32 $0xFFFFC180  }
0x6b: {  	[spmem:s2] =	stream.indirect.scatter.add.f32 [tilespmem:s25], [sflag:$0x7], $0x80, s0, s29, $0xb8;
	[tilespmem:$0x1B980] =	vst v63  }
0x6c: {  	p0 =	seq.s32 s14, $0x980;
	_ =	swait.ge [sflag:s26], $0x3E80  }
0x6d: {  	s15 =	sadd.s32 @!p0 s14, s20;
	[sflag:s26] =	ssyncset.done $0x0  }
0x6e: {  	s16 =	simm.s32 @!p0 $0x0;
	s5 =	simm.s32 @!p0 $0x13880;
	[sflag:s26] =	ssyncadd.s32 $0xFFFFC180  }
0x6f: {  	[tilespmem:s5], [sflag:$0x3] =	stream.linear.gather @!p0 [hbm4b:s15+s16], $0x100, $0x38;
	[tilespmem:$0x1B980] =	vst v63  }
0x70: {  	_ =	swait.ge [sflag:s6], $0x100  }
0x71: {  	[sflag:s6] =	ssyncset.done $0x0  }
0x72: {  	[sflag:s6] =	ssyncadd.s32 $0xFFFFFF00  }
0x73: {  	[tilespmem:s25], [sflag:$0x1] =	stream.indirect.gather [hbm4b:s4+s29], $0x80, s23, s29, $0xb8;
	[tilespmem:$0x1B980] =	vst v63  }
0x74: {  	_ =	swait.ge [sflag:s7], $0x3E80  }
0x75: {  	[sflag:s7] =	ssyncset.done $0x0  }
0x76: {  	[sflag:s7] =	ssyncadd.s32 $0xFFFFC180  }
0x77: {  	[spmem:s2] =	stream.indirect.scatter.add.f32 [tilespmem:s31], [sflag:$0x7], $0x80, s8, s29, $0xb8;
	[tilespmem:$0x1B980] =	vst v63  }
0x78: {  	_ =	swait.ge [sflag:s26], $0x3E80  }
0x79: {  	[sflag:s26] =	ssyncset.done $0x0  }
0x7a: {  	s5 =	sadd.s32 @!p0 s14, s19;
	s15 =	simm.s32 @!p0 $0x13980;
	[sflag:s26] =	ssyncadd.s32 $0xFFFFC180  }
0x7b: {  	[tilespmem:s15], [sflag:$0x4] =	stream.linear.gather @!p0 [hbm4b:s5+s16], $0x100, $0x38;
	[tilespmem:$0x1B980] =	vst v63  }
0x7c: {  	_ =	swait.ge [sflag:s10], $0x100  }
0x7d: {  	[sflag:s10] =	ssyncset.done $0x0  }
0x7e: {  	[sflag:s10] =	ssyncadd.s32 $0xFFFFFF00  }
0x7f: {  	[tilespmem:s31], [sflag:$0x2] =	stream.indirect.gather [hbm4b:s4+s29], $0x80, s24, s29, $0xb8;
	[tilespmem:$0x1B980] =	vst v63  }
0x80: {  	_ =	swait.ge [sflag:s1], $0x3E80  }
0x81: {  	[sflag:s1] =	ssyncset.done $0x0  }
.Ltmp3:
0x82: {  	[sflag:s1] =	ssyncadd.s32 $0xFFFFC180;
	(pc) =	sbr.rel @p0 .LBB2_6-.Ltmp3, $4  }
0x83: {  	[spmem:s2] =	stream.indirect.scatter.add.f32 [tilespmem:s25], [sflag:$0x7], $0x80, s11, s29, $0xb8;
	[tilespmem:$0x1B980] =	vst v63  }
0x84: {  	_ =	swait.ge [sflag:s26], $0x3E80  }
0x85: {  	[sflag:s26] =	ssyncset.done $0x0  }
0x86: {  	[sflag:s26] =	ssyncadd.s32 $0xFFFFC180  }
0x87: {  	s5 =	sadd.s32 s14, s18  }
0x88: {  	[tilespmem:s23], [sflag:$0x5] =	stream.linear.gather [hbm4b:s5+s3], $0x100, $0x38;
	[tilespmem:$0x1B980] =	vst v63  }
0x89: {  	_ =	swait.ge [sflag:s28], $0x100  }
0x8a: {  	[sflag:s28] =	ssyncset.done $0x0  }
0x8b: {  	[sflag:s28] =	ssyncadd.s32 $0xFFFFFF00  }
0x8c: {  	[tilespmem:s25], [sflag:$0x1] =	stream.indirect.gather [hbm4b:s4+s29], $0x80, s21, s29, $0xb8;
	[tilespmem:$0x1B980] =	vst v63  }
0x8d: {  	_ =	swait.ge [sflag:s7], $0x3E80  }
0x8e: {  	[sflag:s7] =	ssyncset.done $0x0  }
0x8f: {  	[sflag:s7] =	ssyncadd.s32 $0xFFFFC180  }
0x90: {  	[spmem:s2] =	stream.indirect.scatter.add.f32 [tilespmem:s31], [sflag:$0x7], $0x80, s12, s29, $0xb8;
	[tilespmem:$0x1B980] =	vst v63  }
0x91: {  	_ =	swait.ge [sflag:s26], $0x3E80  }
0x92: {  	[sflag:s26] =	ssyncset.done $0x0  }
0x93: {  	s16 =	sadd.s32 s14, s17;
	[sflag:s26] =	ssyncadd.s32 $0xFFFFC180  }
0x94: {  	[tilespmem:s24], [sflag:$0x6] =	stream.linear.gather [hbm4b:s16+s3], $0x100, $0x38;
	[tilespmem:$0x1B980] =	vst v63  }
.Ltmp4:
0x95: {  	_ = 	snop;
	(pc) =	sbr.rel .LBB2_4-.Ltmp4, $4  }
0x96: {  	_ =	swait.ge [sflag:s30], $0x100  }
0x97: {  	[sflag:s30] =	ssyncset.done $0x0  }
0x98: {  	s14 =	sadd.s32 $0x80, s14;
	[sflag:s30] =	ssyncadd.s32 $0xFFFFFF00  }
0x99: {  	[tilespmem:s31], [sflag:$0x2] =	stream.indirect.gather [hbm4b:s4+s29], $0x80, s22, s29, $0xb8;
	[tilespmem:$0x1B980] =	vst v63  }
.LBB2_7:
0x9a: {  	_ =	sfence.sel $0x180000  }
0x9b: {  	[bflag:$0x0] =	sbarrier.arrive $0xFFFF  }
0x9c: {  	_ =	strace $0x9000004A  }
0x9d: {  	s0 =	stileid.u32;
	[bflag:$0x2] =	sbarrier.arrive $0xFFFF  }
0x9e: {  	p0 =	sne.s32 s0, $0x0;
	s0 =	rddreg [dreg:$0x2]  }
0x9f: {  	s0 =	sadd.s32 @!p0 $0x100000, s0  }
0xa0: {  	[sflag:s0] =	ssyncadd.tile.s32 @!p0 $0x1;
	_ =	shalt  }
.Lfunc_end2:
_tile_overlayer_lowered:
.L_overlay_start_2:
0xa1: {  	(tag) =	ssettag $0x2  }
0xa2: {  	s0 =	rddreg [dreg:$0x0];
	s2 =	stileid.u32  }
0xa3: {  	s1 =	rddreg [dreg:$0x1];
	p0 =	sne.s32 s2, $0x0  }
0xa4: {  	s3 =	rddreg [dreg:$0x2];
	[bflag:$0x3] =	sbarrier.arrive $0xFFFF;
	s2 =	simm.s32 @!p0 $0x1C07  }
0xa5: {  	[timem:s3], [sflag:s2] =	dma.local @!p0 [hbm:s0], s1  }
0xa6: {  	s0 =	simm.s32 @!p0 $0x7  }
0xa7: {  	_ =	swait.ge @!p0 [sflag:s0], s1  }
0xa8: {  	s1 =	ssub.s32 @!p0 $0x0, s1;
	[sflag:s0] =	ssyncset.done @!p0 $0x0  }
0xa9: {  	[sflag:s0] =	ssyncadd.s32 @!p0 s1  }
0xaa: {  	[bflag:$0x3] =	sbarrier.arrive $0xFFFF  }
0xab: {  	_ =	shalt  }

// kernel: kernel.7.cloned.1.call-start
scs
__scs_entry_jumppad:
0x0: {  	(pc) =	sbr.rel $0x88, $3  }
0x1: {  	(tag) =	ssettag $0x0;
	lr =	simm.s32 $0x1  }
0x2: {  	[smem:$0x3F91] =	sst lr;
	_ =	strace $0xD0000000  }
0x3: {  	_ = 	snop  }
0x4: {  	_ = 	snop  }
0x5: {  	_ = 	snop  }
0x6: {  	_ = 	snop  }
0x7: {  	_ = 	snop  }
__scs_overlays_trampoline_lowered:
0x8: {  	[smem:$0x3FA0] =	sst s0  }
0x9: {  	[smem:$0x3FA1] =	sst s1  }
0xa: {  	[smem:$0x3FA2] =	sst s2  }
0xb: {  	[smem:$0x3FA3] =	sst s3  }
0xc: {  	[smem:$0x3FA4] =	sst s4  }
0xd: {  	[smem:$0x3FA5] =	sst s5  }
0xe: {  	[smem:$0x3FA6] =	sst s6  }
0xf: {  	[smem:$0x3FA7] =	sst s7  }
0x10: {  	[smem:$0x3FA8] =	sst s8  }
0x11: {  	[smem:$0x3FA9] =	sst s9;
	s0 =	simm.s32 @!p0 $0x0  }
0x12: {  	s1 =	sld [smem:$0x3F8F];
	s0 =	simm.s32 @p0 $0x1  }
0x13: {  	[smem:$0x3FAA] =	sst s0;
	s0 =	simm.s32 @!p1 $0x0  }
0x14: {  	s2 =	sld [smem:$0x3F8E];
	s0 =	simm.s32 @p1 $0x1  }
0x15: {  	[smem:$0x3FAB] =	sst s0;
	s0 =	simm.s32 @!p2 $0x0  }
0x16: {  	s3 =	sld [smem:$0x3FDB];
	s0 =	simm.s32 @p2 $0x1  }
0x17: {  	s4 =	simm.s32 $0x1BF5;
	[smem:$0x3FAD] =	sst s0  }
0x18: {  	s0 =	sld [smem:$0x3F90];
	_ =	swait.ge [sflag:s4], $0x0  }
0x19: {  	s7 =	sld [smem:$0x3F91]  }
0x1a: {  	s8 =	sadd.s32 $0xFFFFE003, lr  }
0x1b: {  	s9 =	sadd.s32 $0xFFFFFEF7, lr;
	s5 =	simm.s32 $0xFFFFFFFF;
	p2 =	slt.u32 s8, $0xFFFFF086  }
0x1c: {  	p1 =	slt.u32 s9, $0xF7A;
	s5 =	simm.s32 @!p2 $0x0  }
0x1d: {  	s5 =	simm.s32 @p1 $0x1;
	p0 =	seq.s32 s7, s2  }
0x1e: {  	s7 =	smul.u32 @!p0 $0xF7A, s2;
	p2 =	seq.s32 @!p0 s5, $0x0  }
0x1f: {  	s9 =	smul.u32 $0xF7A, s1;
	s8 =	simm.s32 @!p0 $0x1BF5;
	p2 =	por !p2, p0  }
0x20: {  	[sflag:s8] =	ssyncset.s32 @!p0 $0xFFFFF086;
	s6 =	sadd.s32 @!p0 s3, s7;
	s7 =	simm.s32 @!p0 $0x108  }
0x21: {  	s3 =	sadd.s32 s3, s9;
	s6 =	sadd.s32 @!p0 $0x88, s6;
	s7 =	simm.s32 @p2 $0x1082  }
0x22: {  	[simem:s7], [sflag:s8] =	dma.local @!p0 [hbm:s6], $0xF7A  }
0x23: {  	s9 =	sor.u32 $0xD0000000, s2;
	s6 =	simm.s32 $0x108;
	_ =	swait.ge @!p0 [sflag:s8], $0x0  }
0x24: {  	s3 =	sadd.s32 $0x88, s3;
	s6 =	simm.s32 @!p1 $0x1082;
	[sflag:s4] =	ssyncset.s32 $0xFFFFF086  }
0x25: {  	[simem:s6], [sflag:s4] =	dma.local [hbm:s3], $0xF7A  }
0x26: {  	[smem:$0x3F91] =	sst s1;
	(tag) =	ssettag s2;
	_ =	strace s9  }
0x27: {  	s1 =	sld [smem:$0x3FA1]  }
0x28: {  	s2 =	sld [smem:$0x3FA2]  }
0x29: {  	s4 =	sld [smem:$0x3FA4]  }
0x2a: {  	p0 =	seq.s32 s5, $0x0;
	s5 =	sld [smem:$0x3FA5]  }
0x2b: {  	s6 =	sld [smem:$0x3FA6]  }
0x2c: {  	s7 =	sld [smem:$0x3FA7]  }
0x2d: {  	s3 =	simm.s32 $0x108;
	s8 =	sld [smem:$0x3FA8]  }
0x2e: {  	s3 =	simm.s32 @!p0 $0x1082;
	s9 =	sld [smem:$0x3FA9]  }
0x2f: {  	lr =	sadd.s32 s0, s3;
	s0 =	sld [smem:$0x3FA0]  }
0x30: {  	s3 =	sld [smem:$0x3FA3]  }
0x31: {  	[smem:$0x3FAC] =	sst s10  }
0x32: {  	s10 =	sld [smem:$0x3FAA];
	_ =	sdelay $0x3  }
0x33: {  	p0 =	seq.s32 s10, $0x1;
	s10 =	sld [smem:$0x3FAC];
	_ =	sdelay $0x3  }
0x34: {  	[smem:$0x3FAC] =	sst s10  }
0x35: {  	s10 =	sld [smem:$0x3FAB];
	_ =	sdelay $0x3  }
0x36: {  	p1 =	seq.s32 s10, $0x1;
	s10 =	sld [smem:$0x3FAC];
	_ =	sdelay $0x3  }
0x37: {  	[smem:$0x3FAC] =	sst s10  }
0x38: {  	s10 =	sld [smem:$0x3FAD]  }
0x39: {  	_ = 	snop;
	(pc) =	sbr.ind lr, $3  }
0x3a: {  	_ = 	snop  }
0x3b: {  	_ = 	snop  }
0x3c: {  	p2 =	seq.s32 s10, $0x1;
	s10 =	sld [smem:$0x3FAC]  }
0x3d: {  	_ =	shalt  }
0x3e: {  	_ =	shalt  }
0x3f: {  	_ =	shalt  }
0x40: {  	_ =	shalt  }
0x41: {  	_ =	shalt  }
0x42: {  	_ =	shalt  }
0x43: {  	_ =	shalt  }
0x44: {  	_ =	shalt  }
0x45: {  	_ =	shalt  }
0x46: {  	_ =	shalt  }
0x47: {  	_ =	shalt  }
0x48: {  	_ =	shalt  }
0x49: {  	_ =	shalt  }
0x4a: {  	_ =	shalt  }
0x4b: {  	_ =	shalt  }
0x4c: {  	_ =	shalt  }
0x4d: {  	_ =	shalt  }
0x4e: {  	_ =	shalt  }
0x4f: {  	_ =	shalt  }
0x50: {  	_ =	shalt  }
0x51: {  	_ =	shalt  }
0x52: {  	_ =	shalt  }
0x53: {  	_ =	shalt  }
0x54: {  	_ =	shalt  }
0x55: {  	_ =	shalt  }
0x56: {  	_ =	shalt  }
0x57: {  	_ =	shalt  }
0x58: {  	_ =	shalt  }
0x59: {  	_ =	shalt  }
0x5a: {  	_ =	shalt  }
0x5b: {  	_ =	shalt  }
0x5c: {  	_ =	shalt  }
0x5d: {  	_ =	shalt  }
0x5e: {  	_ =	shalt  }
0x5f: {  	_ =	shalt  }
0x60: {  	_ =	shalt  }
0x61: {  	_ =	shalt  }
0x62: {  	_ =	shalt  }
0x63: {  	_ =	shalt  }
0x64: {  	_ =	shalt  }
0x65: {  	_ =	shalt  }
0x66: {  	_ =	shalt  }
0x67: {  	_ =	shalt  }
0x68: {  	_ =	shalt  }
0x69: {  	_ =	shalt  }
0x6a: {  	_ =	shalt  }
0x6b: {  	_ =	shalt  }
0x6c: {  	_ =	shalt  }
0x6d: {  	_ =	shalt  }
0x6e: {  	_ =	shalt  }
0x6f: {  	_ =	shalt  }
0x70: {  	_ =	shalt  }
0x71: {  	_ =	shalt  }
0x72: {  	_ =	shalt  }
0x73: {  	_ =	shalt  }
0x74: {  	_ =	shalt  }
0x75: {  	_ =	shalt  }
0x76: {  	_ =	shalt  }
0x77: {  	_ =	shalt  }
0x78: {  	_ =	shalt  }
0x79: {  	_ =	shalt  }
0x7a: {  	_ =	shalt  }
0x7b: {  	_ =	shalt  }
0x7c: {  	_ =	shalt  }
0x7d: {  	_ =	shalt  }
0x7e: {  	_ =	shalt  }
0x7f: {  	_ =	shalt  }
0x80: {  	_ =	shalt  }
0x81: {  	_ =	shalt  }
0x82: {  	_ =	shalt  }
0x83: {  	_ =	shalt  }
0x84: {  	_ =	shalt  }
0x85: {  	_ =	shalt  }
0x86: {  	_ =	shalt  }
0x87: {  	_ =	shalt  }
.Lfunc_end0:
.L_simem_size_0:
called_computation_lowered:
.L_overlay_start_0:
0x88: {  	s2 =	sld [smem:$0x3FD9]  }
0x89: {  	s3 =	sld [smem:$0x3FFE];
	_ =	sdelay $0x1  }
0x8a: {  	s1 =	srdreg.scid  }
0x8b: {  	s0 =	sand.u32 $0x1, s1  }
0x8c: {  	s17 =	sshll.u32 s0, $0xA;
	s2 =	sadd.s32 s3, s2  }
0x8d: {  	s2 =	sadd.s32 s2, s17  }
0x8e: {  	[smem:$0x3FB8] =	sst s2  }
0x8f: {  	_ = 	snop  }
0x90: {  	s2 =	sld [smem:$0x3FD0];
	(tm) =	ssettm $0x1  }
0x91: {  	s18 =	sld [smem:$0x3FFB];
	_ =	sdelay $0x3  }
0x92: {  	_ =	strace s18  }
0x93: {  	s3 =	sld [smem:$0x3FFC];
	_ =	sdelay $0x3  }
0x94: {  	_ =	strace s3  }
0x95: {  	s3 =	sld [smem:$0x3FFD];
	_ =	sdelay $0x3  }
0x96: {  	_ =	strace s3  }
0x97: {  	_ =	strace $0x8FFFFFFF  }
0x98: {  	s19 =	sld [smem:$0x3FDB];
	_ =	sdelay $0x1  }
0x99: {  	s4 =	simm.s32 $_scs_section_size  }
0x9a: {  	s5 =	simm.s32 $_size__tile_overlayer_lowered;
	s6 =	simm.s32 $_tile_overlayer_lowered  }
0x9b: {  	s22 =	simm.s32 $0x1BFF;
	s21 =	sshll.u32 s6, $0x1;
	s3 =	sadd.s32 s4, s19  }
0x9c: {  	s7 =	simm.s32 $0x0;
	s20 =	sshll.u32 s5, $0x1;
	s5 =	sadd.s32 s21, s3  }
0x9d: {  	[timem:s7], [sflag:s22] =	dma.local [hbm:s5], s20  }
0x9e: {  	_ =	swait.ge [sflag:s22], s20  }
0x9f: {  	s4 =	ssub.s32 $0x0, s20;
	[sflag:s22] =	ssyncset.done $0x0  }
0xa0: {  	[sflag:s22] =	ssyncadd.s32 s4;
	_ =	sdelay $0x1  }
0xa1: {  	s23 =	simm.s32 $0x1B8B  }
0xa2: {  	_ =	swait.ge [sflag:s23], $0x1  }
0xa3: {  	[sflag:s23] =	ssyncset.done $0x0  }
0xa4: {  	s25 =	simm.s32 $0x1B8E;
	s24 =	sld [smem:$0x3FFE];
	[sflag:s23] =	ssyncadd.s32 $0xFFFFFFFF  }
0xa5: {  	s26 =	simm.s32 $execute0_lowered;
	[smem:$0x3FD2] =	sst s25  }
0xa6: {  	s5 =	sshll.u32 s26, $0x1;
	_ =	strace $0x80000046;
	[dreg:$0x1] =	wrdreg $0xFFFFFFFF  }
0xa7: {  	s28 =	simm.s32 $_size_execute0_lowered;
	s3 =	sadd.s32 s3, s5;
	[dreg:$0x0] =	wrdreg $0x0  }
0xa8: {  	s5 =	sshll.u32 s28, $0x1;
	[dreg:$0x2] =	wrdreg s3  }
0xa9: {  	[dreg:$0x3] =	wrdreg s5  }
0xaa: {  	[dreg:$0x4] =	wrdreg $0xC0  }
0xab: {  	_ =	task [dreg:s7], $0x5FFFF  }
0xac: {  	[dreg:$0x1] =	wrdreg $0xFFFFFFFF  }
0xad: {  	[dreg:$0x0] =	wrdreg $0x60  }
0xae: {  	[dreg:$0x2] =	wrdreg s24  }
0xaf: {  	[dreg:$0x3] =	wrdreg s2  }
0xb0: {  	[dreg:$0x4] =	wrdreg $0x0  }
0xb1: {  	[dreg:$0x5] =	wrdreg $0x1B9800  }
0xb2: {  	[dreg:$0x6] =	wrdreg $0x9  }
0xb3: {  	_ =	task.clear_ibuf [dreg:s7], $0x7FFFF;
	_ =	strace $0x90000046  }
0xb4: {  	s29 =	simm.s32 $0x9;
	_ =	strace $0x80000048  }
0xb5: {  	_ =	swait.ge [sflag:s29], $0x1  }
0xb6: {  	[sflag:s29] =	ssyncadd.s32 $0xFFFFFFFF  }
0xb7: {  	_ =	strace $0x90000048  }
0xb8: {  	_ =	sfence  }
0xb9: {  	s30 =	sld [smem:$0x0];
	_ =	sdelay $0x2  }
0xba: {  	s31 =	sshll.u32 s1, $0xD;
	s1 =	sshrl.u32 s1, $0x2  }
0xbb: {  	s3 =	sand.u32 $0x4000, s31;
	s1 =	sadd.s32 s1, s30  }
0xbc: {  	s0 =	sor.u32 s3, s0;
	s1 =	sshll.u32 s1, $0x11  }
0xbd: {  	s0 =	sor.u32 s1, s0  }
0xbe: {  	s0 =	sadd.s32 $0x8F2B, s0  }
0xbf: {  	[sflag:s0] =	ssyncadd.remote.s32 $0x1  }
0xc0: {  	_ =	sfence.sel $0xFFFF  }
0xc1: {  	[dreg:$0x0] =	wrdreg $0xFFFFFFFF;
	(pc) =	sbr.abs _section_cstart, $3  }
0xc2: {  	[dreg:$0x1] =	wrdreg $0xFFFFFFFF  }
0xc3: {  	_ =	task.clear_ibuf [dreg:s7], $0x2FFFF;
	_ =	strace $0x9FFFFFFF  }
0xc4: {  	(tm) =	ssettm $0x7FFFFFFF  }
0xc5: {  	_ =	shalt  }
tec
execute0_lowered:
.L_overlay_start_1:
0x0: {  	(tag) =	ssettag $0x1  }
0x1: {  	s0 =	rddreg [dreg:$0x0]  }
0x2: {  	s2 =	rddreg [dreg:$0x1]  }
0x3: {  	s1 =	rddreg [dreg:$0x2]  }
0x4: {  	s3 =	rddreg [dreg:$0x3];
	s4 =	simm.s32 $0x0;
	s14 =	stileid.u32  }
0x5: {  	s5 =	srdreg.scid;
	s31 =	simm.s32 $0x6;
	s28 =	simm.s32 $0x13C00  }
0x6: {  	s29 =	simm.s32 $0x0;
	[smem:$0x7FF] =	sst s4;
	s6 =	smul.u32 $0x278, s14  }
0x7: {  	s7 =	sand.u32 $0x1, s5;
	s9 =	sshll.u32 s14, $0x1;
	s5 =	sadd.s32 $0x17C00, s0  }
0x8: {  	s11 =	sadd.s32 $0x3C00, s0;
	s12 =	sadd.s32 $0x3EE00, s0;
	s14 =	smul.u32 $0xA000, s14  }
0x9: {  	_ =	strace $0x80000047;
	s8 =	smul.u32 $0x138800, s7;
	s9 =	sor.u32 s7, s9  }
0xa: {  	[dreg:$0x5] =	wrdreg s12;
	s24 =	ssub.s32 $0x2, s7;
	s13 =	smul.u32 $0x27100, s7  }
0xb: {  	s7 =	smul.u32 $0x5000, s7;
	s6 =	smin.u32 s6, $0x2498;
	s25 =	sshrl.u32 s24, $0x1  }
0xc: {  	s9 =	smul.u32 $0x5000, s9;
	s10 =	sshll.u32 s6, $0x7;
	s12 =	ssub.s32 s24, s25  }
0xd: {  	s17 =	sadd.s32 $0x168, s6;
	s18 =	sshll.u32 s6, $0x4;
	s7 =	sadd.s32 s7, s14  }
0xe: {  	s20 =	sadd.s32 $0x1E0, s6;
	s8 =	sadd.s32 s8, s10;
	s9 =	sshrl.u32 s9, $0x3  }
0xf: {  	s19 =	sadd.s32 s10, s1;
	s30 =	sshll.u32 s17, $0x7;
	s13 =	sadd.s32 s13, s18  }
0x10: {  	s14 =	sor.u32 $0x700, s7;
	s16 =	sor.u32 $0x600, s7;
	s21 =	sor.u32 $0x500, s7  }
0x11: {  	s7 =	sor.u32 $0x400, s7;
	s24 =	sshll.u32 s20, $0x7;
	s8 =	sshrl.u32 s8, $0x3  }
0x12: {  	s13 =	sshrl.u32 s13, $0x3;
	s22 =	sshrl.u32 s21, $0x3;
	s23 =	sshrl.u32 s7, $0x3  }
0x13: {  	s21 =	sshll.u32 s20, $0x4;
	[dreg:$0x7] =	wrdreg s19;
	s0 =	sadd.s32 s8, s0  }
0x14: {  	s8 =	sadd.s32 s11, s9;
	s9 =	sadd.s32 $0x78, s6;
	s2 =	sadd.s32 s2, s13  }
0x15: {  	s20 =	simm.s32 $0x17B00;
	s26 =	sshll.u32 s9, $0x7;
	[dreg:$0xb] =	wrdreg s2  }
0x16: {  	s2 =	sshrl.u32 s16, $0x3;
	s0 =	sadd.s32 $0x3F000, s0;
	[dreg:$0x6] =	wrdreg s8  }
0x17: {  	s16 =	sadd.s32 s23, s11;
	s10 =	sadd.s32 s26, s1;
	[dreg:$0x14] =	wrdreg s0  }
0x18: {  	[dreg:$0x8] =	wrdreg s10;
	s10 =	sadd.s32 $0xF0, s6;
	s6 =	sadd.s32 $0x258, s6  }
0x19: {  	s0 =	simm.s32 $0x13980;
	s15 =	sshll.u32 s10, $0x7;
	s25 =	sshll.u32 s6, $0x7  }
0x1a: {  	s23 =	sshll.u32 s6, $0x4;
	s6 =	simm.s32 $0x13B80;
	s15 =	sadd.s32 s15, s1  }
0x1b: {  	s26 =	sadd.s32 s25, s1;
	s25 =	sadd.s32 $0x20, s8;
	[dreg:$0x9] =	wrdreg s15  }
0x1c: {  	s15 =	sadd.s32 s30, s1;
	[dreg:$0xd] =	wrdreg s26;
	s30 =	sshll.u32 s9, $0x4  }
0x1d: {  	s9 =	sadd.s32 s18, s3;
	s18 =	sshll.u32 s17, $0x4;
	[dreg:$0x16] =	wrdreg s25  }
0x1e: {  	s26 =	sadd.s32 $0x40, s8;
	s17 =	simm.s32 $0x7D;
	s25 =	simm.s32 $0x13A00  }
0x1f: {  	[dreg:$0xa] =	wrdreg s15;
	s15 =	sshrl.u32 s14, $0x3;
	s14 =	sadd.s32 s2, s11  }
0x20: {  	s2 =	sadd.s32 s24, s1;
	[dreg:$0xe] =	wrdreg s9;
	s24 =	smax.u32 s12, $0x1  }
0x21: {  	[dreg:$0x17] =	wrdreg s26;
	s12 =	simm.s32 $0x13880;
	s9 =	simm.s32 $0x13C80  }
0x22: {  	s26 =	simm.s32 $0x13B00;
	s13 =	sadd.s32 s15, s11;
	s15 =	sadd.s32 s22, s11  }
0x23: {  	[dreg:$0xc] =	wrdreg s2;
	s2 =	sadd.s32 s30, s3;
	s11 =	sshll.u32 s10, $0x4  }
0x24: {  	s22 =	sadd.s32 s21, s3;
	[dreg:$0x15] =	wrdreg s24;
	s30 =	sadd.s32 $0x60, s8  }
0x25: {  	s10 =	simm.s32 $0x7;
	s21 =	simm.s32 $0x1;
	[dreg:$0xf] =	wrdreg s2  }
.Ltmp0:
0x26: {  	s24 =	simm.s32 $0x2;
	[dreg:$0x12] =	wrdreg s22;
	(pc) =	sbr.rel .LBB2_1-.Ltmp0, $4  }
0x27: {  	s2 =	sadd.s32 s11, s3;
	[dreg:$0x18] =	wrdreg s30;
	s11 =	simm.s32 $0x1E090  }
0x28: {  	s22 =	simm.s32 $0x13900;
	[dreg:$0x10] =	wrdreg s2;
	s2 =	sadd.s32 s18, s3  }
0x29: {  	s18 =	simm.s32 $0x4;
	[dreg:$0x11] =	wrdreg s2;
	s2 =	sadd.s32 s23, s3  }
0x2a: {  	v0 =	vimm.f32 $0.0e+00;
	s23 =	simm.s32 $0x5;
	[dreg:$0x13] =	wrdreg s2;
	s2 =	simm.s32 $0x13A80  }
.LBB2_8:
0x2b: {  	s7 =	stileid.u32;
	[bflag:$0x0] =	sbarrier.arrive $0xFFFF  }
0x2c: {  	s7 =	sshll.u32 s7, $0x6;
	s19 =	rddreg [dreg:$0x7]  }
0x2d: {  	s12 =	rddreg [dreg:$0x14];
	s7 =	sor.u32 $0x1C07, s7;
	s8 =	sshrl.u32 s19, $0x3  }
0x2e: {  	[hbm:s12], [sflag:s7] =	dma.local [spmem:s8], $0x2780  }
0x2f: {  	_ =	swait.ge [sflag:s10], $0x2780  }
0x30: {  	[sflag:s10] =	ssyncset.done $0x0;
	s12 =	rddreg [dreg:$0xe]  }
0x31: {  	s30 =	rddreg [dreg:$0xb];
	[sflag:s10] =	ssyncadd.s32 $0xFFFFD880;
	s8 =	sshrl.u32 s12, $0x3  }
0x32: {  	[hbm:s30], [sflag:s7] =	dma.local [spmem:s8], $0x4F0  }
0x33: {  	_ =	swait.ge [sflag:s10], $0x4F0  }
0x34: {  	s29 =	sadd.s32 $0x1, s29;
	s30 =	rddreg [dreg:$0x15]  }
0x35: {  	p0 =	sne.s32 s29, s30  }
.Ltmp1:
0x36: {  	_ = 	snop;
	(pc) =	sbr.rel @!p0 .LBB2_9-.Ltmp1, $3  }
0x37: {  	_ =	sdelay $0x1  }
0x38: {  	[sflag:s10] =	ssyncset.done $0x0  }
0x39: {  	s12 =	simm.s32 $0x13880;
	[sflag:s10] =	ssyncadd.s32 $0xFFFFFB10  }
.LBB2_1:
0x3a: {  	s7 =	rddreg [dreg:$0x6]  }
0x3b: {  	[tilespmem:s12], [sflag:$0x3] =	stream.linear.gather [hbm4b:s7+s4], $0x100, $0x38;
	[tilespmem:$0x1EFE0] =	vst v63  }
0x3c: {  	s8 =	rddreg [dreg:$0x16]  }
0x3d: {  	[tilespmem:s0], [sflag:$0x4] =	stream.linear.gather [hbm4b:s8+s4], $0x100, $0x38;
	[tilespmem:$0x1EFE0] =	vst v63  }
0x3e: {  	s8 =	rddreg [dreg:$0x17]  }
0x3f: {  	[tilespmem:s2], [sflag:$0x5] =	stream.linear.gather [hbm4b:s8+s4], $0x100, $0x38;
	[tilespmem:$0x1EFE0] =	vst v63  }
0x40: {  	s30 =	simm.s32 $0x0;
	s7 =	simm.s32 $0x200;
	s8 =	rddreg [dreg:$0x18]  }
0x41: {  	[tilespmem:s6], [sflag:$0x6] =	stream.linear.gather [hbm4b:s8+s4], $0x100, $0x38;
	[tilespmem:$0x1EFE0] =	vst v63  }
.LBB2_2:
0x42: {  	p0 =	sne.s32 s7, $0xEE00;
	[tilespmem:s30+$0x13CF0] =	vst v0  }
0x43: {  	[tilespmem:s30+$0x13C80] =	vst v0  }
0x44: {  	[tilespmem:s30+$0x13C90] =	vst v0  }
.Ltmp2:
0x45: {  	[tilespmem:s30+$0x13CA0] =	vst v0;
	(pc) =	sbr.rel @p0 .LBB2_2-.Ltmp2, $4  }
0x46: {  	[tilespmem:s30+$0x13CB0] =	vst v0  }
0x47: {  	[tilespmem:s30+$0x13CC0] =	vst v0  }
0x48: {  	[tilespmem:s30+$0x13CD0] =	vst v0  }
0x49: {  	[tilespmem:s30+$0x13CE0] =	vst v0;
	s30 =	sshra.s32 s7, $0x2;
	s7 =	sadd.s32 $0x200, s7  }
0x4a: {  	[tilespmem:s30+$0x13CF0] =	vst v0  }
0x4b: {  	[tilespmem:s30+$0x13C80] =	vst v0  }
0x4c: {  	[tilespmem:s30+$0x13C90] =	vst v0  }
0x4d: {  	[tilespmem:s30+$0x13CA0] =	vst v0  }
0x4e: {  	[tilespmem:s30+$0x13CB0] =	vst v0  }
0x4f: {  	[tilespmem:s30+$0x13CC0] =	vst v0  }
0x50: {  	[tilespmem:s30+$0x13CD0] =	vst v0  }
0x51: {  	[tilespmem:s30+$0x13CE0] =	vst v0  }
0x52: {  	[spmem:s19] =	stream.linear.scatter [tilespmem:s9], [sflag:$0x7], $0x3C00, $0x38;
	[tilespmem:$0x1EFE0] =	vst v63  }
0x53: {  	_ =	swait.ge [sflag:s10], $0x3C00  }
0x54: {  	[sflag:s10] =	ssyncset.done $0x0  }
0x55: {  	s7 =	rddreg [dreg:$0x8];
	[sflag:s10] =	ssyncadd.s32 $0xFFFFC400  }
0x56: {  	[spmem:s7] =	stream.linear.scatter [tilespmem:s9], [sflag:$0x7], $0x3C00, $0x38;
	[tilespmem:$0x1EFE0] =	vst v63  }
0x57: {  	_ =	swait.ge [sflag:s10], $0x3C00  }
0x58: {  	[sflag:s10] =	ssyncset.done $0x0  }
0x59: {  	s19 =	rddreg [dreg:$0x9];
	[sflag:s10] =	ssyncadd.s32 $0xFFFFC400  }
0x5a: {  	[spmem:s19] =	stream.linear.scatter [tilespmem:s9], [sflag:$0x7], $0x3C00, $0x38;
	[tilespmem:$0x1EFE0] =	vst v63  }
0x5b: {  	_ =	swait.ge [sflag:s10], $0x3C00  }
0x5c: {  	[sflag:s10] =	ssyncset.done $0x0  }
0x5d: {  	s8 =	rddreg [dreg:$0xa];
	[sflag:s10] =	ssyncadd.s32 $0xFFFFC400  }
0x5e: {  	[spmem:s8] =	stream.linear.scatter [tilespmem:s9], [sflag:$0x7], $0x3C00, $0x38;
	[tilespmem:$0x1EFE0] =	vst v63  }
0x5f: {  	_ =	swait.ge [sflag:s10], $0x3C00  }
0x60: {  	[sflag:s10] =	ssyncset.done $0x0  }
0x61: {  	s19 =	rddreg [dreg:$0xc];
	[sflag:s10] =	ssyncadd.s32 $0xFFFFC400  }
0x62: {  	[spmem:s19] =	stream.linear.scatter [tilespmem:s9], [sflag:$0x7], $0x3C00, $0x38;
	[tilespmem:$0x1EFE0] =	vst v63  }
0x63: {  	_ =	swait.ge [sflag:s10], $0x3C00  }
0x64: {  	[sflag:s10] =	ssyncset.done $0x0  }
0x65: {  	s8 =	rddreg [dreg:$0xd];
	[sflag:s10] =	ssyncadd.s32 $0xFFFFC400  }
0x66: {  	[spmem:s8] =	stream.linear.scatter [tilespmem:s9], [sflag:$0x7], $0x1000, $0x38;
	[tilespmem:$0x1EFE0] =	vst v63  }
0x67: {  	_ =	swait.ge [sflag:s10], $0x1000  }
0x68: {  	[sflag:s10] =	ssyncset.done $0x0  }
0x69: {  	s19 =	simm.s32 $0x0;
	s8 =	rddreg [dreg:$0x5];
	[sflag:s10] =	ssyncadd.s32 $0xFFFFF000  }
0x6a: {  	[tilespmem:s11], [sflag:$0x7] =	stream.linear.gather [hbm4b:s8+s19], $0x7D0, $0x38;
	[tilespmem:$0x1EFE0] =	vst v63  }
0x6b: {  	_ =	swait.ge [sflag:s10], $0x7D0  }
0x6c: {  	[sflag:s10] =	ssyncset.done $0x0  }
0x6d: {  	s30 =	simm.s32 $0x0;
	s7 =	simm.s32 $0x40;
	[sflag:s10] =	ssyncadd.s32 $0xFFFFF830  }
.LBB2_4:
0x6e: {  	p0 =	sne.s32 s7, $0x1DC0;
	[tilespmem:s30+$0x1E860] =	vst v0;
	s30 =	smov.u32 s7;
	s7 =	sadd.s32 $0x40, s7  }
.Ltmp3:
0x6f: {  	(pc) =	sbr.rel @p0 .LBB2_4-.Ltmp3, $2  }
0x70: {  	_ =	sdelay $0x2  }
0x71: {  	s30 =	sshra.s32 s30, $0x2  }
0x72: {  	[tilespmem:s30+$0x1E860] =	vst v0;
	s7 =	rddreg [dreg:$0xe];
	s8 =	simm.s32 $0x1E860  }
0x73: {  	[spmem:s7] =	stream.linear.scatter [tilespmem:s8], [sflag:$0x7], $0x780, $0x38;
	[tilespmem:$0x1EFE0] =	vst v63  }
0x74: {  	_ =	swait.ge [sflag:s10], $0x780  }
0x75: {  	[sflag:s10] =	ssyncset.done $0x0  }
0x76: {  	s19 =	rddreg [dreg:$0xf];
	[sflag:s10] =	ssyncadd.s32 $0xFFFFF880  }
0x77: {  	[spmem:s19] =	stream.linear.scatter [tilespmem:s8], [sflag:$0x7], $0x780, $0x38;
	[tilespmem:$0x1EFE0] =	vst v63  }
0x78: {  	_ =	swait.ge [sflag:s10], $0x780  }
0x79: {  	[sflag:s10] =	ssyncset.done $0x0  }
0x7a: {  	s19 =	rddreg [dreg:$0x10];
	[sflag:s10] =	ssyncadd.s32 $0xFFFFF880  }
0x7b: {  	[spmem:s19] =	stream.linear.scatter [tilespmem:s8], [sflag:$0x7], $0x780, $0x38;
	[tilespmem:$0x1EFE0] =	vst v63  }
0x7c: {  	_ =	swait.ge [sflag:s10], $0x780  }
0x7d: {  	[sflag:s10] =	ssyncset.done $0x0  }
0x7e: {  	s19 =	rddreg [dreg:$0x11];
	[sflag:s10] =	ssyncadd.s32 $0xFFFFF880  }
0x7f: {  	[spmem:s19] =	stream.linear.scatter [tilespmem:s8], [sflag:$0x7], $0x780, $0x38;
	[tilespmem:$0x1EFE0] =	vst v63  }
0x80: {  	_ =	swait.ge [sflag:s10], $0x780  }
0x81: {  	[sflag:s10] =	ssyncset.done $0x0  }
0x82: {  	s19 =	rddreg [dreg:$0x12];
	[sflag:s10] =	ssyncadd.s32 $0xFFFFF880  }
0x83: {  	[spmem:s19] =	stream.linear.scatter [tilespmem:s8], [sflag:$0x7], $0x780, $0x38;
	[tilespmem:$0x1EFE0] =	vst v63  }
0x84: {  	_ =	swait.ge [sflag:s10], $0x780  }
0x85: {  	[sflag:s10] =	ssyncset.done $0x0  }
0x86: {  	s19 =	rddreg [dreg:$0x13];
	[sflag:s10] =	ssyncadd.s32 $0xFFFFF880  }
0x87: {  	[spmem:s19] =	stream.linear.scatter [tilespmem:s8], [sflag:$0x7], $0x200, $0x38;
	[tilespmem:$0x1EFE0] =	vst v63  }
0x88: {  	_ =	swait.ge [sflag:s10], $0x200  }
0x89: {  	[sflag:s10] =	ssyncset.done $0x0  }
0x8a: {  	[sflag:s10] =	ssyncadd.s32 $0xFFFFFE00  }
0x8b: {  	s19 =	simm.s32 $0x3;
	[bflag:$0x0] =	sbarrier.arrive $0xFFFF  }
0x8c: {  	_ =	swait.ge [sflag:s19], $0x100  }
0x8d: {  	[sflag:s19] =	ssyncset.done $0x0  }
0x8e: {  	[sflag:s19] =	ssyncadd.s32 $0xFFFFFF00  }
0x8f: {  	[tilespmem:s9], [sflag:$0x1] =	stream.indirect.gather [hbm4b:s5+s17], $0x80, s12, s17, $0xb8;
	[tilespmem:$0x1EFE0] =	vst v63  }
0x90: {  	_ =	swait.ge [sflag:s18], $0x100  }
0x91: {  	[sflag:s18] =	ssyncset.done $0x0  }
0x92: {  	s30 =	simm.s32 $0x0;
	[sflag:s18] =	ssyncadd.s32 $0xFFFFFF00  }
0x93: {  	[tilespmem:s20], [sflag:$0x2] =	stream.indirect.gather [hbm4b:s5+s17], $0x80, s0, s17, $0xb8;
	[tilespmem:$0x1EFE0] =	vst v63  }
.LBB2_6:
0x94: {  	_ =	swait.ge [sflag:s21], $0x3E80  }
0x95: {  	[sflag:s21] =	ssyncset.done $0x0  }
0x96: {  	[sflag:s21] =	ssyncadd.s32 $0xFFFFC180  }
0x97: {  	[spmem:s1] =	stream.indirect.scatter.add.f32 [tilespmem:s9], [sflag:$0x7], $0x80, s22, s17, $0xb8;
	[tilespmem:$0x1EFE0] =	vst v63  }
0x98: {  	_ =	swait.ge [sflag:s10], $0x3E80  }
0x99: {  	[sflag:s10] =	ssyncset.done $0x0  }
0x9a: {  	[sflag:s10] =	ssyncadd.s32 $0xFFFFC180  }
0x9b: {  	[spmem:s3] =	stream.indirect.scatter.add.f32 [tilespmem:s11], [sflag:$0x7], $0x10, s22, s17, $0xb8;
	[tilespmem:$0x1EFE0] =	vst v63  }
0x9c: {  	p0 =	seq.s32 s30, $0x980;
	_ =	swait.ge [sflag:s10], $0x7D0  }
0x9d: {  	s7 =	sadd.s32 @!p0 s30, s16;
	[sflag:s10] =	ssyncset.done $0x0  }
0x9e: {  	s8 =	simm.s32 @!p0 $0x0;
	s19 =	simm.s32 @!p0 $0x13880;
	[sflag:s10] =	ssyncadd.s32 $0xFFFFF830  }
0x9f: {  	[tilespmem:s19], [sflag:$0x3] =	stream.linear.gather @!p0 [hbm4b:s7+s8], $0x100, $0x38;
	[tilespmem:$0x1EFE0] =	vst v63  }
0xa0: {  	_ =	swait.ge [sflag:s23], $0x100  }
0xa1: {  	[sflag:s23] =	ssyncset.done $0x0  }
0xa2: {  	[sflag:s23] =	ssyncadd.s32 $0xFFFFFF00  }
0xa3: {  	[tilespmem:s9], [sflag:$0x1] =	stream.indirect.gather [hbm4b:s5+s17], $0x80, s2, s17, $0xb8;
	[tilespmem:$0x1EFE0] =	vst v63  }
0xa4: {  	_ =	swait.ge [sflag:s24], $0x3E80  }
0xa5: {  	[sflag:s24] =	ssyncset.done $0x0  }
0xa6: {  	[sflag:s24] =	ssyncadd.s32 $0xFFFFC180  }
0xa7: {  	[spmem:s1] =	stream.indirect.scatter.add.f32 [tilespmem:s20], [sflag:$0x7], $0x80, s25, s17, $0xb8;
	[tilespmem:$0x1EFE0] =	vst v63  }
0xa8: {  	_ =	swait.ge [sflag:s10], $0x3E80  }
0xa9: {  	[sflag:s10] =	ssyncset.done $0x0  }
0xaa: {  	[sflag:s10] =	ssyncadd.s32 $0xFFFFC180  }
0xab: {  	[spmem:s3] =	stream.indirect.scatter.add.f32 [tilespmem:s11], [sflag:$0x7], $0x10, s25, s17, $0xb8;
	[tilespmem:$0x1EFE0] =	vst v63  }
0xac: {  	_ =	swait.ge [sflag:s10], $0x7D0  }
0xad: {  	[sflag:s10] =	ssyncset.done $0x0  }
0xae: {  	s12 =	simm.s32 @!p0 $0x13980;
	s7 =	sadd.s32 @!p0 s30, s15;
	[sflag:s10] =	ssyncadd.s32 $0xFFFFF830  }
0xaf: {  	[tilespmem:s12], [sflag:$0x4] =	stream.linear.gather @!p0 [hbm4b:s7+s8], $0x100, $0x38;
	[tilespmem:$0x1EFE0] =	vst v63  }
0xb0: {  	_ =	swait.ge [sflag:s31], $0x100  }
0xb1: {  	[sflag:s31] =	ssyncset.done $0x0  }
0xb2: {  	[sflag:s31] =	ssyncadd.s32 $0xFFFFFF00  }
0xb3: {  	[tilespmem:s20], [sflag:$0x2] =	stream.indirect.gather [hbm4b:s5+s17], $0x80, s6, s17, $0xb8;
	[tilespmem:$0x1EFE0] =	vst v63  }
0xb4: {  	_ =	swait.ge [sflag:s21], $0x3E80  }
0xb5: {  	[sflag:s21] =	ssyncset.done $0x0  }
0xb6: {  	[sflag:s21] =	ssyncadd.s32 $0xFFFFC180  }
0xb7: {  	[spmem:s1] =	stream.indirect.scatter.add.f32 [tilespmem:s9], [sflag:$0x7], $0x80, s26, s17, $0xb8;
	[tilespmem:$0x1EFE0] =	vst v63  }
0xb8: {  	_ =	swait.ge [sflag:s10], $0x3E80  }
0xb9: {  	[sflag:s10] =	ssyncset.done $0x0  }
0xba: {  	[sflag:s10] =	ssyncadd.s32 $0xFFFFC180  }
0xbb: {  	[spmem:s3] =	stream.indirect.scatter.add.f32 [tilespmem:s11], [sflag:$0x7], $0x10, s26, s17, $0xb8;
	[tilespmem:$0x1EFE0] =	vst v63  }
0xbc: {  	_ =	swait.ge [sflag:s10], $0x7D0  }
0xbd: {  	[sflag:s10] =	ssyncset.done $0x0  }
0xbe: {  	s7 =	sadd.s32 @!p0 s30, s14;
	s12 =	simm.s32 @!p0 $0x13A80;
	[sflag:s10] =	ssyncadd.s32 $0xFFFFF830  }
0xbf: {  	[tilespmem:s12], [sflag:$0x5] =	stream.linear.gather @!p0 [hbm4b:s7+s8], $0x100, $0x38;
	[tilespmem:$0x1EFE0] =	vst v63  }
0xc0: {  	s7 =	simm.s32 @!p0 $0x3  }
0xc1: {  	_ =	swait.ge @!p0 [sflag:s7], $0x100  }
0xc2: {  	[sflag:s7] =	ssyncset.done @!p0 $0x0  }
0xc3: {  	s8 =	simm.s32 @!p0 $0x13C80;
	[sflag:s7] =	ssyncadd.s32 @!p0 $0xFFFFFF00;
	s7 =	simm.s32 @!p0 $0x7D  }
0xc4: {  	[tilespmem:s8], [sflag:$0x1] =	stream.indirect.gather @!p0 [hbm4b:s5+s7], $0x80, s19, s7, $0xb8;
	[tilespmem:$0x1EFE0] =	vst v63  }
0xc5: {  	_ =	swait.ge [sflag:s24], $0x3E80  }
0xc6: {  	[sflag:s24] =	ssyncset.done $0x0  }
0xc7: {  	[sflag:s24] =	ssyncadd.s32 $0xFFFFC180  }
0xc8: {  	[spmem:s1] =	stream.indirect.scatter.add.f32 [tilespmem:s20], [sflag:$0x7], $0x80, s28, s17, $0xb8;
	[tilespmem:$0x1EFE0] =	vst v63  }
0xc9: {  	_ =	swait.ge [sflag:s10], $0x3E80  }
0xca: {  	[sflag:s10] =	ssyncset.done $0x0  }
.Ltmp4:
0xcb: {  	[sflag:s10] =	ssyncadd.s32 $0xFFFFC180;
	(pc) =	sbr.rel @p0 .LBB2_8-.Ltmp4, $4  }
0xcc: {  	[spmem:s3] =	stream.indirect.scatter.add.f32 [tilespmem:s11], [sflag:$0x7], $0x10, s28, s17, $0xb8;
	[tilespmem:$0x1EFE0] =	vst v63  }
0xcd: {  	_ =	swait.ge [sflag:s10], $0x7D0  }
0xce: {  	[sflag:s10] =	ssyncset.done $0x0  }
0xcf: {  	[sflag:s10] =	ssyncadd.s32 $0xFFFFF830  }
0xd0: {  	s7 =	sadd.s32 s30, s13  }
0xd1: {  	[tilespmem:s6], [sflag:$0x6] =	stream.linear.gather [hbm4b:s7+s4], $0x100, $0x38;
	[tilespmem:$0x1EFE0] =	vst v63  }
.Ltmp5:
0xd2: {  	_ = 	snop;
	(pc) =	sbr.rel .LBB2_6-.Ltmp5, $4  }
0xd3: {  	_ =	swait.ge [sflag:s18], $0x100  }
0xd4: {  	[sflag:s18] =	ssyncset.done $0x0  }
0xd5: {  	s30 =	sadd.s32 $0x80, s30;
	[sflag:s18] =	ssyncadd.s32 $0xFFFFFF00  }
0xd6: {  	[tilespmem:s20], [sflag:$0x2] =	stream.indirect.gather [hbm4b:s5+s17], $0x80, s0, s17, $0xb8;
	[tilespmem:$0x1EFE0] =	vst v63  }
.LBB2_9:
0xd7: {  	_ =	sfence.sel $0x180000  }
0xd8: {  	[bflag:$0x0] =	sbarrier.arrive $0xFFFF  }
0xd9: {  	_ =	strace $0x90000047  }
0xda: {  	s0 =	stileid.u32;
	[bflag:$0x2] =	sbarrier.arrive $0xFFFF  }
0xdb: {  	p0 =	sne.s32 s0, $0x0;
	s0 =	rddreg [dreg:$0x4]  }
0xdc: {  	s0 =	sadd.s32 @!p0 $0x100000, s0  }
0xdd: {  	[sflag:s0] =	ssyncadd.tile.s32 @!p0 $0x1;
	_ =	shalt  }
.Lfunc_end2:
_tile_overlayer_lowered:
.L_overlay_start_2:
0xde: {  	(tag) =	ssettag $0x2  }
0xdf: {  	s0 =	rddreg [dreg:$0x0];
	s2 =	stileid.u32  }
0xe0: {  	s1 =	rddreg [dreg:$0x1];
	p0 =	sne.s32 s2, $0x0  }
0xe1: {  	s3 =	rddreg [dreg:$0x2];
	[bflag:$0x3] =	sbarrier.arrive $0xFFFF;
	s2 =	simm.s32 @!p0 $0x1C07  }
0xe2: {  	[timem:s3], [sflag:s2] =	dma.local @!p0 [hbm:s0], s1  }
0xe3: {  	s0 =	simm.s32 @!p0 $0x7  }
0xe4: {  	_ =	swait.ge @!p0 [sflag:s0], s1  }
0xe5: {  	s1 =	ssub.s32 @!p0 $0x0, s1;
	[sflag:s0] =	ssyncset.done @!p0 $0x0  }
0xe6: {  	[sflag:s0] =	ssyncadd.s32 @!p0 s1  }
0xe7: {  	[bflag:$0x3] =	sbarrier.arrive $0xFFFF  }
0xe8: {  	_ =	shalt  }

</sc_bundles>
